<compile_context>
chip_gen: v7x
topology: tpu7x:2x2x1
jax: 0.10.2.dev20260603
libtpu: 0.0.44.dev20260713+nightly
codegen_flags: <defaults>
</compile_context>

<pallas_src>
import functools

import jax
import jax.numpy as jnp
from jax import lax
from jax.experimental import pallas as pl
from jax.experimental.pallas import tpu as pltpu
from jax.experimental.pallas import tpu_sc as plsc

N = 10000
E = 320000
D = 128
H = 128
G = 64
C = 40

NC = 2
NS = 16
NW = NC * NS
EPT = E // NW
K = 80
NCHUNK = EPT // K
KS = 128
CPT = 80
EPAD = NW * CPT * KS
NA = N + 8
ZR = 208
RPT = 624
TAIL_OFF = RPT * NS
TAIL = N - TAIL_OFF
BLK = 1000
NBLK = N // BLK

_mesh = functools.partial(
    plsc.VectorSubcoreMesh, core_axis_name="c", subcore_axis_name="s")


def _sc_degree(dst, zeros1, ones1):

    @functools.partial(
        pl.kernel,
        mesh=_mesh(),
        out_type=jax.ShapeDtypeStruct((NC * N,), jnp.float32),
        scratch_types=[
            pltpu.VMEM((K,), jnp.int32),
            pltpu.VMEM((K,), jnp.int32),
            pltpu.VMEM((K,), jnp.float32),
            pltpu.VMEM((RPT,), jnp.float32),
            pltpu.VMEM_SHARED((N,), jnp.float32),
            pltpu.SemaphoreType.DMA,
            pltpu.SemaphoreType.DMA,
        ],
    )
    def k(dst_hbm, z_hbm, o_hbm, out_hbm, didx0, didx1, onesv, stage, acc,
          isem0, isem1):
        c = lax.axis_index("c")
        s = lax.axis_index("s")
        pltpu.sync_copy(z_hbm.at[pl.ds(0, RPT)], stage)
        pltpu.sync_copy(stage, acc.at[pl.ds(s * RPT, RPT)])

        @pl.when(s == 0)
        def _():
            pltpu.sync_copy(stage.at[pl.ds(0, TAIL)],
                            acc.at[pl.ds(TAIL_OFF, TAIL)])

        pltpu.sync_copy(o_hbm.at[pl.ds(0, K)], onesv)
        plsc.subcore_barrier()
        base = (c * NS + s) * EPT
        didxs = (didx0, didx1)
        isems = (isem0, isem1)

        def idx_start(j, b):
            pltpu.async_copy(dst_hbm.at[pl.ds(base + j * K, K)],
                             didxs[b], isems[b])

        def idx_wait(j, b):
            pltpu.make_async_copy(dst_hbm.at[pl.ds(base + j * K, K)],
                                  didxs[b], isems[b]).wait()

        idx_start(0, 0)
        idx_start(1, 1)

        def body(p, carry):
            for b in range(2):
                j = 2 * p + b
                idx_wait(j, b)
                pltpu.sync_copy(onesv, acc.at[didxs[b]], add=True)

                @pl.when(j + 2 < NCHUNK)
                def _():
                    idx_start(j + 2, b)
            return carry

        lax.fori_loop(0, NCHUNK // 2, body, 0)
        idx_wait(NCHUNK - 1, 0)
        pltpu.sync_copy(onesv, acc.at[didx0], add=True)
        plsc.subcore_barrier()
        pltpu.sync_copy(acc.at[pl.ds(s * RPT, RPT)], stage)
        pltpu.sync_copy(stage, out_hbm.at[pl.ds(c * N + s * RPT, RPT)])

        @pl.when(s == 0)
        def _():
            pltpu.sync_copy(acc.at[pl.ds(TAIL_OFF, TAIL)],
                            onesv.at[pl.ds(0, TAIL)])
            pltpu.sync_copy(onesv.at[pl.ds(0, TAIL)],
                            out_hbm.at[pl.ds(c * N + TAIL_OFF, TAIL)])

    return k(dst, zeros1, ones1)


def _sc_scatter(hs, srcp, dstp, zeros_rows):

    @functools.partial(
        pl.kernel,
        mesh=_mesh(),
        out_type=jax.ShapeDtypeStruct((NC, N, D), jnp.float32),
        scratch_types=[
            pltpu.VMEM((K,), jnp.int32),
            pltpu.VMEM((K,), jnp.int32),
            pltpu.VMEM((K,), jnp.int32),
            pltpu.VMEM((K,), jnp.int32),
            pltpu.VMEM((K, D), jnp.float32),
            pltpu.VMEM((K, D), jnp.float32),
            pltpu.VMEM_SHARED((NA, D), jnp.float32),
            pltpu.SemaphoreType.DMA,
            pltpu.SemaphoreType.DMA,
            pltpu.SemaphoreType.DMA,
            pltpu.SemaphoreType.DMA,
        ],
    )
    def k(hs_hbm, src_hbm, dst_hbm, z_hbm, out_hbm, sidx0, sidx1,
          didx0, didx1, rows0, rows1, acc, gsem0, gsem1, isem0, isem1):
        c = lax.axis_index("c")
        s = lax.axis_index("s")
        tbase = (c * NS + s) * EPT
        for q in range(RPT // ZR):
            pltpu.sync_copy(z_hbm, acc.at[pl.ds(s * RPT + q * ZR, ZR)])

        @pl.when(s == 0)
        def _():
            pltpu.sync_copy(z_hbm.at[pl.ds(0, NA - TAIL_OFF)],
                            acc.at[pl.ds(TAIL_OFF, NA - TAIL_OFF)])

        plsc.subcore_barrier()

        bufs = (rows0, rows1)
        sems = (gsem0, gsem1)
        isems = (isem0, isem1)
        sidxs = (sidx0, sidx1)
        didxs = (didx0, didx1)

        def idx_start(j, b):
            off = tbase + j * K
            pltpu.async_copy(src_hbm.at[pl.ds(off, K)], sidxs[b], isems[b])
            pltpu.async_copy(dst_hbm.at[pl.ds(off, K)], didxs[b], isems[b])

        def idx_wait(j, b):
            off = tbase + j * K
            pltpu.make_async_copy(
                src_hbm.at[pl.ds(off, K)], sidxs[b], isems[b]).wait()
            pltpu.make_async_copy(
                dst_hbm.at[pl.ds(off, K)], didxs[b], isems[b]).wait()

        idx_start(0, 0)
        idx_start(1, 1)
        idx_wait(0, 0)
        pltpu.async_copy(hs_hbm.at[sidx0], rows0, gsem0)

        def body(p, carry):
            for b in range(2):
                j = 2 * p + b
                b1 = 1 - b

                @pl.when(j + 1 < NCHUNK)
                def _():
                    idx_wait(j + 1, b1)
                    pltpu.async_copy(hs_hbm.at[sidxs[b1]], bufs[b1],
                                     sems[b1])

                pltpu.make_async_copy(
                    hs_hbm.at[sidxs[b]], bufs[b], sems[b]).wait()
                pltpu.sync_copy(bufs[b], acc.at[didxs[b]], add=True)

                @pl.when(j + 2 < NCHUNK)
                def _():
                    idx_start(j + 2, b)
            return carry

        lax.fori_loop(0, NCHUNK // 2, body, 0)
        pltpu.make_async_copy(hs_hbm.at[sidx0], rows0, gsem0).wait()
        pltpu.sync_copy(rows0, acc.at[didx0], add=True)
        plsc.subcore_barrier()
        pltpu.sync_copy(acc.at[pl.ds(s * RPT, RPT)],
                        out_hbm.at[c, pl.ds(s * RPT, RPT)])

        @pl.when(s == 0)
        def _():
            pltpu.sync_copy(acc.at[pl.ds(TAIL_OFF, TAIL)],
                            out_hbm.at[c, pl.ds(TAIL_OFF, TAIL)])

    return k(hs, srcp, dstp, zeros_rows)


def _tc_pre(deg2, x, W1):

    def body(deg_ref, x_ref, w_ref, dis_ref, hs_ref):
        deg = deg_ref[0] + deg_ref[1] + 1.0
        dis = lax.rsqrt(deg)
        dis_ref[...] = dis
        hw = jnp.dot(x_ref[...], w_ref[...],
                     preferred_element_type=jnp.float32)
        hs_ref[...] = dis * hw

    return pl.pallas_call(
        body,
        grid=(NBLK,),
        in_specs=[
            pl.BlockSpec((NC, BLK, 1), lambda i: (0, i, 0)),
            pl.BlockSpec((BLK, D), lambda i: (i, 0)),
            pl.BlockSpec((D, H), lambda i: (0, 0)),
        ],
        out_specs=[
            pl.BlockSpec((BLK, 1), lambda i: (i, 0)),
            pl.BlockSpec((BLK, H), lambda i: (i, 0)),
        ],
        out_shape=[
            jax.ShapeDtypeStruct((N, 1), jnp.float32),
            jax.ShapeDtypeStruct((N, H), jnp.float32),
        ],
    )(deg2, x, W1)


def _tc_mid(S2, hs, dis, prev, b, g, be, rm, rv, Wn, has_prev):

    def body(*refs):
        if has_prev:
            (s2_ref, hs_ref, dis_ref, prev_ref, b_ref, g_ref, be_ref,
             rm_ref, rv_ref, w_ref, h_ref, hsn_ref) = refs
        else:
            (s2_ref, hs_ref, dis_ref, b_ref, g_ref, be_ref,
             rm_ref, rv_ref, w_ref, h_ref, hsn_ref) = refs
        dis = dis_ref[...]
        z = dis * (s2_ref[0] + s2_ref[1] + hs_ref[...]) + b_ref[...]
        a = g_ref[...] * lax.rsqrt(rv_ref[...] + 1e-5)
        cst = be_ref[...] - rm_ref[...] * a
        h = z * a + cst
        if has_prev:
            h = h + prev_ref[...]
        h = jnp.maximum(h, 0.0)
        h_ref[...] = h
        hsn_ref[...] = dis * jnp.dot(h, w_ref[...],
                                     preferred_element_type=jnp.float32)

    in_specs = [
        pl.BlockSpec((NC, BLK, H), lambda i: (0, i, 0)),
        pl.BlockSpec((BLK, H), lambda i: (i, 0)),
        pl.BlockSpec((BLK, 1), lambda i: (i, 0)),
    ]
    args = [S2, hs, dis]
    if has_prev:
        in_specs.append(pl.BlockSpec((BLK, H), lambda i: (i, 0)))
        args.append(prev)
    in_specs += [pl.BlockSpec((1, H), lambda i: (0, 0))] * 5
    args += [b, g, be, rm, rv]
    in_specs.append(pl.BlockSpec((H, H), lambda i: (0, 0)))
    args.append(Wn)

    return pl.pallas_call(
        body,
        grid=(NBLK,),
        in_specs=in_specs,
        out_specs=[
            pl.BlockSpec((BLK, H), lambda i: (i, 0)),
            pl.BlockSpec((BLK, H), lambda i: (i, 0)),
        ],
        out_shape=[
            jax.ShapeDtypeStruct((N, H), jnp.float32),
            jax.ShapeDtypeStruct((N, H), jnp.float32),
        ],
    )(*args)


def _tc_final(S2, hs3, dis, h2, b3, g3, be3, rm3, rv3, batch2, Wo, bo):

    def body(s2_ref, hs_ref, dis_ref, prev_ref, b_ref, g_ref, be_ref,
             rm_ref, rv_ref, bat_ref, wo_ref, bo_ref, out_ref,
             s_acc, cnt_acc, mx_acc):
        i = pl.program_id(0)

        @pl.when(i == 0)
        def _():
            s_acc[...] = jnp.zeros((G, H), jnp.float32)
            cnt_acc[...] = jnp.zeros((G, H), jnp.float32)
            mx_acc[...] = jnp.full((G, H), -jnp.inf, jnp.float32)

        dis = dis_ref[...]
        z = dis * (s2_ref[0] + s2_ref[1] + hs_ref[...]) + b_ref[...]
        a = g_ref[...] * lax.rsqrt(rv_ref[...] + 1e-5)
        cst = be_ref[...] - rm_ref[...] * a
        h = jnp.maximum(z * a + cst + prev_ref[...], 0.0)

        bat = bat_ref[...]
        gids = lax.broadcasted_iota(jnp.int32, (BLK, G), 1)
        oh = (bat == gids).astype(jnp.float32)
        dn = (((0,), (0,)), ((), ()))
        s_acc[...] = s_acc[...] + lax.dot_general(
            oh, h, dn, preferred_element_type=jnp.float32)
        cnt_acc[...] = cnt_acc[...] + lax.dot_general(
            oh, jnp.ones((BLK, H), jnp.float32), dn,
            preferred_element_type=jnp.float32)

        g_lo = jnp.min(bat)
        g_hi = jnp.max(bat)

        def mbody(gg, carry):
            m = jnp.max(jnp.where(bat == gg, h, -jnp.inf), axis=0,
                        keepdims=True)
            mx_acc[pl.ds(gg, 1), :] = jnp.maximum(mx_acc[pl.ds(gg, 1), :], m)
            return carry

        lax.fori_loop(g_lo, g_hi + 1, mbody, 0)

        @pl.when(i == NBLK - 1)
        def _():
            cnt = jnp.maximum(cnt_acc[...], 1.0)
            mean = s_acc[...] / cnt
            pooled = jnp.concatenate([mean, s_acc[...], mx_acc[...]], axis=1)
            out_ref[...] = jnp.dot(pooled, wo_ref[...],
                                   preferred_element_type=jnp.float32
                                   ) + bo_ref[...]

    return pl.pallas_call(
        body,
        grid=(NBLK,),
        in_specs=[
            pl.BlockSpec((NC, BLK, H), lambda i: (0, i, 0)),
            pl.BlockSpec((BLK, H), lambda i: (i, 0)),
            pl.BlockSpec((BLK, 1), lambda i: (i, 0)),
            pl.BlockSpec((BLK, H), lambda i: (i, 0)),
        ] + [pl.BlockSpec((1, H), lambda i: (0, 0))] * 5 + [
            pl.BlockSpec((BLK, 1), lambda i: (i, 0)),
            pl.BlockSpec((3 * H, C), lambda i: (0, 0)),
            pl.BlockSpec((1, C), lambda i: (0, 0)),
        ],
        out_specs=pl.BlockSpec((G, C), lambda i: (0, 0)),
        out_shape=jax.ShapeDtypeStruct((G, C), jnp.float32),
        scratch_shapes=[
            pltpu.VMEM((G, H), jnp.float32),
            pltpu.VMEM((G, H), jnp.float32),
            pltpu.VMEM((G, H), jnp.float32),
        ],
    )(S2, hs3, dis, h2, b3, g3, be3, rm3, rv3, batch2, Wo, bo)


def kernel(x, edge_index, edge_attr, batch, W1, b1, W2, b2, W3, b3,
           g1, be1, rm1, rv1, g2, be2, rm2, rv2, g3, be3, rm3, rv3, Wo, bo):
    del edge_attr
    zeros1 = jnp.zeros((RPT + TAIL,), jnp.float32)
    ones1 = jnp.ones((K + 8,), jnp.float32)
    zrows = jnp.zeros((ZR, D), jnp.float32)
    r2 = lambda v: v.reshape(1, -1)
    batch2 = batch.reshape(N, 1)
    src = edge_index[0]
    dst = edge_index[1]
    srcp = src
    dstp = dst

    deg2 = _sc_degree(dst, zeros1, ones1).reshape(NC, N, 1)
    dis, hs1 = _tc_pre(deg2, x, W1)
    S1 = _sc_scatter(hs1, srcp, dstp, zrows)
    h1, hs2 = _tc_mid(S1, hs1, dis, None, r2(b1), r2(g1), r2(be1),
                      r2(rm1), r2(rv1), W2, has_prev=False)
    S2 = _sc_scatter(hs2, srcp, dstp, zrows)
    h2, hs3 = _tc_mid(S2, hs2, dis, h1, r2(b2), r2(g2), r2(be2),
                      r2(rm2), r2(rv2), W3, has_prev=True)
    S3 = _sc_scatter(hs3, srcp, dstp, zrows)
    out = _tc_final(S3, hs3, dis, h2, r2(b3), r2(g3), r2(be3),
                    r2(rm3), r2(rv3), batch2, Wo, r2(bo))
    return out

# --- scband reference (transcript-rebuilt; emitter-appended) ---
"""Pipeline reference for scband-gcn-52656299049248 (READ-ONLY COPY).

The authoritative reference and input builder live on the scoring server;
editing this copy changes nothing except your own understanding.
"""

import jax, jax.numpy as jnp
import numpy as np

N = 10000
E = 320000
D = 128
H = 128
G = 64
C = 40


def setup_inputs(seed: int = 0):
    key = jax.random.key(seed)
    ks = jax.random.split(key, 12)
    inp = {}
    inp["x"] = jax.random.normal(ks[0], (N, D), jnp.float32)
    inp["edge_index"] = jax.random.randint(ks[1], (2, E), 0, N, jnp.int32)
    inp["edge_attr"] = jax.random.normal(ks[2], (E, 4), jnp.float32)
    inp["batch"] = jnp.sort(jax.random.randint(ks[3], (N,), 0, G, jnp.int32))
    def lin(k, fan_in, shape):
        return jax.random.uniform(k, shape, jnp.float32, -1.0, 1.0) / np.sqrt(fan_in)
    inp["W1"] = lin(ks[4], D, (D, H)); inp["b1"] = jnp.zeros((H,), jnp.float32)
    inp["W2"] = lin(ks[5], H, (H, H)); inp["b2"] = jnp.zeros((H,), jnp.float32)
    inp["W3"] = lin(ks[6], H, (H, H)); inp["b3"] = jnp.zeros((H,), jnp.float32)
    for i in (1, 2, 3):
        inp["g%d" % i] = jnp.ones((H,), jnp.float32)
        inp["be%d" % i] = jnp.zeros((H,), jnp.float32)
        inp["rm%d" % i] = jnp.zeros((H,), jnp.float32)
        inp["rv%d" % i] = jnp.ones((H,), jnp.float32)
    inp["Wo"] = lin(ks[7], 3 * H, (3 * H, C)); inp["bo"] = jnp.zeros((C,), jnp.float32)
    return inp


def _gcn_norm(edge_index, n):
    src = edge_index[0]
    dst = edge_index[1]
    loop = jnp.arange(n, dtype=edge_index.dtype)
    src2 = jnp.concatenate([src, loop])
    dst2 = jnp.concatenate([dst, loop])
    deg = jax.ops.segment_sum(jnp.ones_like(dst2, dtype=jnp.float32), dst2, num_segments=n)
    dis = jnp.where(deg > 0, 1.0 / jnp.sqrt(deg), 0.0)
    norm = dis[src2] * dis[dst2]
    return src2, dst2, norm


def _bn_eval(h, g, be, rm, rv):
    return (h - rm) / jnp.sqrt(rv + 1e-5) * g + be


def reference(x, edge_index, edge_attr, batch, W1, b1, W2, b2, W3, b3, g1, be1, rm1, rv1, g2, be2, rm2, rv2, g3, be3, rm3, rv3, Wo, bo):
    n = x.shape[0]
    src2, dst2, norm = _gcn_norm(edge_index, n)

    def conv(h, W, b):
        h = h @ W
        msg = h[src2] * norm[:, None]
        return jax.ops.segment_sum(msg, dst2, num_segments=n) + b

    h = jax.nn.relu(_bn_eval(conv(x, W1, b1), g1, be1, rm1, rv1))
    prev = h
    h = jax.nn.relu(_bn_eval(conv(h, W2, b2), g2, be2, rm2, rv2) + prev)
    prev = h
    h = jax.nn.relu(_bn_eval(conv(h, W3, b3), g3, be3, rm3, rv3) + prev)
    ones = jnp.ones((n,), jnp.float32)
    cnt = jax.ops.segment_sum(ones, batch, num_segments=G)
    s = jax.ops.segment_sum(h, batch, num_segments=G)
    mean = s / jnp.maximum(cnt, 1.0)[:, None]
    mx = jax.ops.segment_max(h, batch, num_segments=G)
    pooled = jnp.concatenate([mean, s, mx], axis=1)
    # dropout is identity in eval mode
    out = pooled @ Wo + bo
    return out

if __name__ == "__main__":
    import jax
    _d = setup_inputs()
    print(jax.jit(kernel)(*tuple(_d.values())))

</pallas_src>

<mosaic_0001>
#map = affine_map<(d0, d1) -> (0, 0)>
#map1 = affine_map<(d0, d1) -> (0)>
#map2 = affine_map<(d0, d1) -> (0, 0, 0)>
module attributes {stable_mosaic.version = 14 : i64} {
  func.func @k(%arg0: i32, %arg1: i32, %arg2: memref<10000x128xf32, #tpu.memory_space<hbm>>, %arg3: memref<320000xi32, #tpu.memory_space<hbm>>, %arg4: memref<320000xi32, #tpu.memory_space<hbm>>, %arg5: memref<208x128xf32, #tpu.memory_space<hbm>>, %arg6: memref<2x10000x128xf32, #tpu.memory_space<hbm>>, %arg7: memref<80xi32, #tpu.memory_space<vmem>>, %arg8: memref<80xi32, #tpu.memory_space<vmem>>, %arg9: memref<80xi32, #tpu.memory_space<vmem>>, %arg10: memref<80xi32, #tpu.memory_space<vmem>>, %arg11: memref<80x128xf32, #tpu.memory_space<vmem>>, %arg12: memref<80x128xf32, #tpu.memory_space<vmem>>, %arg13: memref<10008x128xf32, #tpu.memory_space<vmem_shared>>, %arg14: memref<!tpu.dma_semaphore, #tpu.memory_space<semaphore_mem>>, %arg15: memref<!tpu.dma_semaphore, #tpu.memory_space<semaphore_mem>>, %arg16: memref<!tpu.dma_semaphore, #tpu.memory_space<semaphore_mem>>, %arg17: memref<!tpu.dma_semaphore, #tpu.memory_space<semaphore_mem>>) attributes {dimension_semantics = [#tpu.dimension_semantics<core_parallel>, #tpu.dimension_semantics<subcore_parallel>], iteration_bounds = array<i64: 2, 16>, scalar_prefetch = 0 : i64, scratch_operands = 11 : i64, tpu.core_type = #tpu.core_type<sc_vector_subcore>, window_params = [{transform_indices = #map}, {transform_indices = #map1}, {transform_indices = #map1}, {transform_indices = #map}, {transform_indices = #map2}]} {
    %mul3A = arith.constant 16 : i32
    %mul3A_0 = arith.muli %arg0, %mul3A : i32
    %add3A = arith.addi %mul3A_0, %arg1 : i32
    %mul3A_1 = arith.constant 10000 : i32
    %mul3A_2 = arith.muli %add3A, %mul3A_1 : i32
    %mul3A_3 = arith.constant 624 : i32
    %mul3A_4 = arith.muli %arg1, %mul3A_3 : i32
    %add3A_5 = arith.constant 0 : i32
    %add3A_6 = arith.addi %mul3A_4, %add3A_5 : i32
    "tpu.region"() ({
      %run_scoped3A = tpu.sem_alloc : memref<!tpu.dma_semaphore, #tpu.memory_space<semaphore_mem>>
      %dma_start3A_54 = arith.constant 0 : i32
      %dma_start3A_55 = tpu.memref_slice %arg13[%add3A_6, %dma_start3A_54] : memref<10008x128xf32, #tpu.memory_space<vmem_shared>> -> memref<208x128xf32, #tpu.memory_space<vmem_shared>>
      tpu.enqueue_dma source(%arg5 : memref<208x128xf32, #tpu.memory_space<hbm>>) target(%dma_start3A_55 : memref<208x128xf32, #tpu.memory_space<vmem_shared>>) target_semaphore(%run_scoped3A : memref<!tpu.dma_semaphore, #tpu.memory_space<semaphore_mem>>)
      %dma_wait3A_56 = arith.constant 0 : i32
      %dma_wait3A_57 = tpu.memref_slice %arg13[%add3A_6, %dma_wait3A_56] : memref<10008x128xf32, #tpu.memory_space<vmem_shared>> -> memref<208x128xf32, #tpu.memory_space<vmem_shared>>
      tpu.wait_dma2 semaphore(%run_scoped3A : memref<!tpu.dma_semaphore, #tpu.memory_space<semaphore_mem>>) src(%arg5 : memref<208x128xf32, #tpu.memory_space<hbm>>) dst(%dma_wait3A_57 : memref<208x128xf32, #tpu.memory_space<vmem_shared>>)
      tpu.yield
    }) : () -> ()
    %mul3A_7 = arith.constant 624 : i32
    %mul3A_8 = arith.muli %arg1, %mul3A_7 : i32
    %add3A_9 = arith.constant 208 : i32
    %add3A_10 = arith.addi %mul3A_8, %add3A_9 : i32
    "tpu.region"() ({
      %run_scoped3A = tpu.sem_alloc : memref<!tpu.dma_semaphore, #tpu.memory_space<semaphore_mem>>
      %dma_start3A_54 = arith.constant 0 : i32
      %dma_start3A_55 = tpu.memref_slice %arg13[%add3A_10, %dma_start3A_54] : memref<10008x128xf32, #tpu.memory_space<vmem_shared>> -> memref<208x128xf32, #tpu.memory_space<vmem_shared>>
      tpu.enqueue_dma source(%arg5 : memref<208x128xf32, #tpu.memory_space<hbm>>) target(%dma_start3A_55 : memref<208x128xf32, #tpu.memory_space<vmem_shared>>) target_semaphore(%run_scoped3A : memref<!tpu.dma_semaphore, #tpu.memory_space<semaphore_mem>>)
      %dma_wait3A_56 = arith.constant 0 : i32
      %dma_wait3A_57 = tpu.memref_slice %arg13[%add3A_10, %dma_wait3A_56] : memref<10008x128xf32, #tpu.memory_space<vmem_shared>> -> memref<208x128xf32, #tpu.memory_space<vmem_shared>>
      tpu.wait_dma2 semaphore(%run_scoped3A : memref<!tpu.dma_semaphore, #tpu.memory_space<semaphore_mem>>) src(%arg5 : memref<208x128xf32, #tpu.memory_space<hbm>>) dst(%dma_wait3A_57 : memref<208x128xf32, #tpu.memory_space<vmem_shared>>)
      tpu.yield
    }) : () -> ()
    %mul3A_11 = arith.constant 624 : i32
    %mul3A_12 = arith.muli %arg1, %mul3A_11 : i32
    %add3A_13 = arith.constant 416 : i32
    %add3A_14 = arith.addi %mul3A_12, %add3A_13 : i32
    "tpu.region"() ({
      %run_scoped3A = tpu.sem_alloc : memref<!tpu.dma_semaphore, #tpu.memory_space<semaphore_mem>>
      %dma_start3A_54 = arith.constant 0 : i32
      %dma_start3A_55 = tpu.memref_slice %arg13[%add3A_14, %dma_start3A_54] : memref<10008x128xf32, #tpu.memory_space<vmem_shared>> -> memref<208x128xf32, #tpu.memory_space<vmem_shared>>
      tpu.enqueue_dma source(%arg5 : memref<208x128xf32, #tpu.memory_space<hbm>>) target(%dma_start3A_55 : memref<208x128xf32, #tpu.memory_space<vmem_shared>>) target_semaphore(%run_scoped3A : memref<!tpu.dma_semaphore, #tpu.memory_space<semaphore_mem>>)
      %dma_wait3A_56 = arith.constant 0 : i32
      %dma_wait3A_57 = tpu.memref_slice %arg13[%add3A_14, %dma_wait3A_56] : memref<10008x128xf32, #tpu.memory_space<vmem_shared>> -> memref<208x128xf32, #tpu.memory_space<vmem_shared>>
      tpu.wait_dma2 semaphore(%run_scoped3A : memref<!tpu.dma_semaphore, #tpu.memory_space<semaphore_mem>>) src(%arg5 : memref<208x128xf32, #tpu.memory_space<hbm>>) dst(%dma_wait3A_57 : memref<208x128xf32, #tpu.memory_space<vmem_shared>>)
      tpu.yield
    }) : () -> ()
    %eq3A = arith.constant 0 : i32
    %eq3A_15 = arith.cmpi eq, %arg1, %eq3A : i32
    %convert_element_type3A = arith.extui %eq3A_15 : i1 to i32
    %cond3A = arith.constant 0 : i32
    %cond3A_16 = arith.cmpi ne, %convert_element_type3A, %cond3A : i32
    scf.if %cond3A_16 {
      "tpu.region"() ({
        %run_scoped3A = tpu.sem_alloc : memref<!tpu.dma_semaphore, #tpu.memory_space<semaphore_mem>>
        %dma_start3A_54 = arith.constant 9984 : i32
        %dma_start3A_55 = arith.constant 0 : i32
        %dma_start3A_56 = tpu.memref_slice %arg13[%dma_start3A_54, %dma_start3A_55] : memref<10008x128xf32, #tpu.memory_space<vmem_shared>> -> memref<24x128xf32, #tpu.memory_space<vmem_shared>>
        %dma_start3A_57 = arith.constant 0 : i32
        %dma_start3A_58 = arith.constant 0 : i32
        %dma_start3A_59 = tpu.memref_slice %arg5[%dma_start3A_57, %dma_start3A_58] : memref<208x128xf32, #tpu.memory_space<hbm>> -> memref<24x128xf32, #tpu.memory_space<hbm>>
        tpu.enqueue_dma source(%dma_start3A_59 : memref<24x128xf32, #tpu.memory_space<hbm>>) target(%dma_start3A_56 : memref<24x128xf32, #tpu.memory_space<vmem_shared>>) target_semaphore(%run_scoped3A : memref<!tpu.dma_semaphore, #tpu.memory_space<semaphore_mem>>)
        %dma_wait3A_60 = arith.constant 9984 : i32
        %dma_wait3A_61 = arith.constant 0 : i32
        %dma_wait3A_62 = tpu.memref_slice %arg13[%dma_wait3A_60, %dma_wait3A_61] : memref<10008x128xf32, #tpu.memory_space<vmem_shared>> -> memref<24x128xf32, #tpu.memory_space<vmem_shared>>
        %dma_wait3A_63 = arith.constant 0 : i32
        %dma_wait3A_64 = arith.constant 0 : i32
        %dma_wait3A_65 = tpu.memref_slice %arg5[%dma_wait3A_63, %dma_wait3A_64] : memref<208x128xf32, #tpu.memory_space<hbm>> -> memref<24x128xf32, #tpu.memory_space<hbm>>
        tpu.wait_dma2 semaphore(%run_scoped3A : memref<!tpu.dma_semaphore, #tpu.memory_space<semaphore_mem>>) src(%dma_wait3A_65 : memref<24x128xf32, #tpu.memory_space<hbm>>) dst(%dma_wait3A_62 : memref<24x128xf32, #tpu.memory_space<vmem_shared>>)
        tpu.yield
      }) : () -> ()
    } else {
    }
    %barrier3A = arith.constant 0 : index
    tpu.barrier barrier_id(%barrier3A)
    %add3A_17 = arith.constant 0 : i32
    %add3A_18 = arith.addi %mul3A_2, %add3A_17 : i32
    %dma_start3A = tpu.memref_slice %arg3[%add3A_18] : memref<320000xi32, #tpu.memory_space<hbm>> -> memref<80xi32, #tpu.memory_space<hbm>>
    %dma_start3A_19 = tpu.memref_slice %arg3[%add3A_18] : memref<320000xi32, #tpu.memory_space<hbm>> -> memref<80xi32, #tpu.memory_space<hbm>>
    tpu.enqueue_dma source(%dma_start3A_19 : memref<80xi32, #tpu.memory_space<hbm>>) target(%arg7 : memref<80xi32, #tpu.memory_space<vmem>>) target_semaphore(%arg16 : memref<!tpu.dma_semaphore, #tpu.memory_space<semaphore_mem>>)
    %dma_start3A_20 = tpu.memref_slice %arg4[%add3A_18] : memref<320000xi32, #tpu.memory_space<hbm>> -> memref<80xi32, #tpu.memory_space<hbm>>
    %dma_start3A_21 = tpu.memref_slice %arg4[%add3A_18] : memref<320000xi32, #tpu.memory_space<hbm>> -> memref<80xi32, #tpu.memory_space<hbm>>
    tpu.enqueue_dma source(%dma_start3A_21 : memref<80xi32, #tpu.memory_space<hbm>>) target(%arg9 : memref<80xi32, #tpu.memory_space<vmem>>) target_semaphore(%arg16 : memref<!tpu.dma_semaphore, #tpu.memory_space<semaphore_mem>>)
    %add3A_22 = arith.constant 80 : i32
    %add3A_23 = arith.addi %mul3A_2, %add3A_22 : i32
    %dma_start3A_24 = tpu.memref_slice %arg3[%add3A_23] : memref<320000xi32, #tpu.memory_space<hbm>> -> memref<80xi32, #tpu.memory_space<hbm>>
    %dma_start3A_25 = tpu.memref_slice %arg3[%add3A_23] : memref<320000xi32, #tpu.memory_space<hbm>> -> memref<80xi32, #tpu.memory_space<hbm>>
    tpu.enqueue_dma source(%dma_start3A_25 : memref<80xi32, #tpu.memory_space<hbm>>) target(%arg8 : memref<80xi32, #tpu.memory_space<vmem>>) target_semaphore(%arg17 : memref<!tpu.dma_semaphore, #tpu.memory_space<semaphore_mem>>)
    %dma_start3A_26 = tpu.memref_slice %arg4[%add3A_23] : memref<320000xi32, #tpu.memory_space<hbm>> -> memref<80xi32, #tpu.memory_space<hbm>>
    %dma_start3A_27 = tpu.memref_slice %arg4[%add3A_23] : memref<320000xi32, #tpu.memory_space<hbm>> -> memref<80xi32, #tpu.memory_space<hbm>>
    tpu.enqueue_dma source(%dma_start3A_27 : memref<80xi32, #tpu.memory_space<hbm>>) target(%arg10 : memref<80xi32, #tpu.memory_space<vmem>>) target_semaphore(%arg17 : memref<!tpu.dma_semaphore, #tpu.memory_space<semaphore_mem>>)
    %add3A_28 = arith.constant 0 : i32
    %add3A_29 = arith.addi %mul3A_2, %add3A_28 : i32
    %dma_wait3A = tpu.memref_slice %arg3[%add3A_29] : memref<320000xi32, #tpu.memory_space<hbm>> -> memref<80xi32, #tpu.memory_space<hbm>>
    %dma_wait3A_30 = tpu.memref_slice %arg3[%add3A_29] : memref<320000xi32, #tpu.memory_space<hbm>> -> memref<80xi32, #tpu.memory_space<hbm>>
    tpu.wait_dma2 semaphore(%arg16 : memref<!tpu.dma_semaphore, #tpu.memory_space<semaphore_mem>>) src(%dma_wait3A_30 : memref<80xi32, #tpu.memory_space<hbm>>) dst(%arg7 : memref<80xi32, #tpu.memory_space<vmem>>)
    %dma_wait3A_31 = tpu.memref_slice %arg4[%add3A_29] : memref<320000xi32, #tpu.memory_space<hbm>> -> memref<80xi32, #tpu.memory_space<hbm>>
    %dma_wait3A_32 = tpu.memref_slice %arg4[%add3A_29] : memref<320000xi32, #tpu.memory_space<hbm>> -> memref<80xi32, #tpu.memory_space<hbm>>
    tpu.wait_dma2 semaphore(%arg16 : memref<!tpu.dma_semaphore, #tpu.memory_space<semaphore_mem>>) src(%dma_wait3A_32 : memref<80xi32, #tpu.memory_space<hbm>>) dst(%arg9 : memref<80xi32, #tpu.memory_space<vmem>>)
    %dma_start3A_33 = arith.constant 0 : i32
    %dma_start3A_34 = arith.constant 0 : i32
    %dma_start3A_35 = tpu.memref_slice %arg2[%dma_start3A_33, %dma_start3A_34] : memref<10000x128xf32, #tpu.memory_space<hbm>> -> memref<10000x128xf32, #tpu.memory_space<hbm>>
    tpu.enqueue_indirect_dma source(%dma_start3A_35 : memref<10000x128xf32, #tpu.memory_space<hbm>>) target(%arg11 : memref<80x128xf32, #tpu.memory_space<vmem>>) offsets(%arg7 : memref<80xi32, #tpu.memory_space<vmem>>) semaphore(%arg14 : memref<!tpu.dma_semaphore, #tpu.memory_space<semaphore_mem>>)
    %scan3A = arith.constant 0 : i32
    %scan3A_36 = arith.constant 0 : i32
    %scan3A_37 = arith.constant 62 : i32
    %scan3A_38 = arith.addi %scan3A_36, %scan3A_37 : i32
    %scan3A_39 = arith.constant 1 : i32
    scf.for %scan3A_54 = %scan3A_36 to %scan3A_38 step %scan3A_39  : i32 {
      %mul3A_55 = arith.constant 2 : i32
      %mul3A_56 = arith.muli %mul3A_55, %scan3A_54 : i32
      %add3A_57 = arith.constant 0 : i32
      %add3A_58 = arith.addi %mul3A_56, %add3A_57 : i32
      %add3A_59 = arith.constant 1 : i32
      %add3A_60 = arith.addi %add3A_58, %add3A_59 : i32
      %lt3A = arith.constant 125 : i32
      %lt3A_61 = arith.cmpi slt, %add3A_60, %lt3A : i32
      %convert_element_type3A_62 = arith.extui %lt3A_61 : i1 to i32
      %cond3A_63 = arith.constant 0 : i32
      %cond3A_64 = arith.cmpi ne, %convert_element_type3A_62, %cond3A_63 : i32
      scf.if %cond3A_64 {
        %add3A_96 = arith.constant 1 : i32
        %add3A_97 = arith.addi %add3A_58, %add3A_96 : i32
        %mul3A_98 = arith.constant 80 : i32
        %mul3A_99 = arith.muli %add3A_97, %mul3A_98 : i32
        %add3A_100 = arith.addi %mul3A_2, %mul3A_99 : i32
        %dma_wait3A_101 = tpu.memref_slice %arg3[%add3A_100] : memref<320000xi32, #tpu.memory_space<hbm>> -> memref<80xi32, #tpu.memory_space<hbm>>
        %dma_wait3A_102 = tpu.memref_slice %arg3[%add3A_100] : memref<320000xi32, #tpu.memory_space<hbm>> -> memref<80xi32, #tpu.memory_space<hbm>>
        tpu.wait_dma2 semaphore(%arg17 : memref<!tpu.dma_semaphore, #tpu.memory_space<semaphore_mem>>) src(%dma_wait3A_102 : memref<80xi32, #tpu.memory_space<hbm>>) dst(%arg8 : memref<80xi32, #tpu.memory_space<vmem>>)
        %dma_wait3A_103 = tpu.memref_slice %arg4[%add3A_100] : memref<320000xi32, #tpu.memory_space<hbm>> -> memref<80xi32, #tpu.memory_space<hbm>>
        %dma_wait3A_104 = tpu.memref_slice %arg4[%add3A_100] : memref<320000xi32, #tpu.memory_space<hbm>> -> memref<80xi32, #tpu.memory_space<hbm>>
        tpu.wait_dma2 semaphore(%arg17 : memref<!tpu.dma_semaphore, #tpu.memory_space<semaphore_mem>>) src(%dma_wait3A_104 : memref<80xi32, #tpu.memory_space<hbm>>) dst(%arg10 : memref<80xi32, #tpu.memory_space<vmem>>)
        %dma_start3A_105 = arith.constant 0 : i32
        %dma_start3A_106 = arith.constant 0 : i32
        %dma_start3A_107 = tpu.memref_slice %arg2[%dma_start3A_105, %dma_start3A_106] : memref<10000x128xf32, #tpu.memory_space<hbm>> -> memref<10000x128xf32, #tpu.memory_space<hbm>>
        tpu.enqueue_indirect_dma source(%dma_start3A_107 : memref<10000x128xf32, #tpu.memory_space<hbm>>) target(%arg12 : memref<80x128xf32, #tpu.memory_space<vmem>>) offsets(%arg8 : memref<80xi32, #tpu.memory_space<vmem>>) semaphore(%arg15 : memref<!tpu.dma_semaphore, #tpu.memory_space<semaphore_mem>>)
      } else {
      }
      %dma_wait3A_65 = arith.constant 0 : i32
      %dma_wait3A_66 = arith.constant 0 : i32
      %dma_wait3A_67 = tpu.memref_slice %arg2[%dma_wait3A_65, %dma_wait3A_66] : memref<10000x128xf32, #tpu.memory_space<hbm>> -> memref<10000x128xf32, #tpu.memory_space<hbm>>
      tpu.wait_indirect_dma semaphore(%arg14 : memref<!tpu.dma_semaphore, #tpu.memory_space<semaphore_mem>>) src(%dma_wait3A_67 : memref<10000x128xf32, #tpu.memory_space<hbm>>) dst(%arg11 : memref<80x128xf32, #tpu.memory_space<vmem>>)
      "tpu.region"() ({
        %run_scoped3A = tpu.sem_alloc : memref<!tpu.dma_semaphore, #tpu.memory_space<semaphore_mem>>
        %dma_start3A_96 = arith.constant 0 : i32
        %dma_start3A_97 = arith.constant 0 : i32
        %dma_start3A_98 = tpu.memref_slice %arg13[%dma_start3A_96, %dma_start3A_97] : memref<10008x128xf32, #tpu.memory_space<vmem_shared>> -> memref<10008x128xf32, #tpu.memory_space<vmem_shared>>
        tpu.enqueue_indirect_dma source(%arg11 : memref<80x128xf32, #tpu.memory_space<vmem>>) target(%dma_start3A_98 : memref<10008x128xf32, #tpu.memory_space<vmem_shared>>) offsets(%arg9 : memref<80xi32, #tpu.memory_space<vmem>>) semaphore(%run_scoped3A : memref<!tpu.dma_semaphore, #tpu.memory_space<semaphore_mem>>) {add = true}
        %dma_wait3A_99 = arith.constant 0 : i32
        %dma_wait3A_100 = arith.constant 0 : i32
        %dma_wait3A_101 = tpu.memref_slice %arg13[%dma_wait3A_99, %dma_wait3A_100] : memref<10008x128xf32, #tpu.memory_space<vmem_shared>> -> memref<10008x128xf32, #tpu.memory_space<vmem_shared>>
        tpu.wait_indirect_dma semaphore(%run_scoped3A : memref<!tpu.dma_semaphore, #tpu.memory_space<semaphore_mem>>) src(%arg11 : memref<80x128xf32, #tpu.memory_space<vmem>>) dst(%dma_wait3A_101 : memref<10008x128xf32, #tpu.memory_space<vmem_shared>>)
        tpu.yield
      }) : () -> ()
      %add3A_68 = arith.constant 2 : i32
      %add3A_69 = arith.addi %add3A_58, %add3A_68 : i32
      %lt3A_70 = arith.constant 125 : i32
      %lt3A_71 = arith.cmpi slt, %add3A_69, %lt3A_70 : i32
      %convert_element_type3A_72 = arith.extui %lt3A_71 : i1 to i32
      %cond3A_73 = arith.constant 0 : i32
      %cond3A_74 = arith.cmpi ne, %convert_element_type3A_72, %cond3A_73 : i32
      scf.if %cond3A_74 {
        %add3A_96 = arith.constant 2 : i32
        %add3A_97 = arith.addi %add3A_58, %add3A_96 : i32
        %mul3A_98 = arith.constant 80 : i32
        %mul3A_99 = arith.muli %add3A_97, %mul3A_98 : i32
        %add3A_100 = arith.addi %mul3A_2, %mul3A_99 : i32
        %dma_start3A_101 = tpu.memref_slice %arg3[%add3A_100] : memref<320000xi32, #tpu.memory_space<hbm>> -> memref<80xi32, #tpu.memory_space<hbm>>
        %dma_start3A_102 = tpu.memref_slice %arg3[%add3A_100] : memref<320000xi32, #tpu.memory_space<hbm>> -> memref<80xi32, #tpu.memory_space<hbm>>
        tpu.enqueue_dma source(%dma_start3A_102 : memref<80xi32, #tpu.memory_space<hbm>>) target(%arg7 : memref<80xi32, #tpu.memory_space<vmem>>) target_semaphore(%arg16 : memref<!tpu.dma_semaphore, #tpu.memory_space<semaphore_mem>>)
        %dma_start3A_103 = tpu.memref_slice %arg4[%add3A_100] : memref<320000xi32, #tpu.memory_space<hbm>> -> memref<80xi32, #tpu.memory_space<hbm>>
        %dma_start3A_104 = tpu.memref_slice %arg4[%add3A_100] : memref<320000xi32, #tpu.memory_space<hbm>> -> memref<80xi32, #tpu.memory_space<hbm>>
        tpu.enqueue_dma source(%dma_start3A_104 : memref<80xi32, #tpu.memory_space<hbm>>) target(%arg9 : memref<80xi32, #tpu.memory_space<vmem>>) target_semaphore(%arg16 : memref<!tpu.dma_semaphore, #tpu.memory_space<semaphore_mem>>)
      } else {
      }
      %mul3A_75 = arith.constant 2 : i32
      %mul3A_76 = arith.muli %mul3A_75, %scan3A_54 : i32
      %add3A_77 = arith.constant 1 : i32
      %add3A_78 = arith.addi %mul3A_76, %add3A_77 : i32
      %add3A_79 = arith.constant 1 : i32
      %add3A_80 = arith.addi %add3A_78, %add3A_79 : i32
      %lt3A_81 = arith.constant 125 : i32
      %lt3A_82 = arith.cmpi slt, %add3A_80, %lt3A_81 : i32
      %convert_element_type3A_83 = arith.extui %lt3A_82 : i1 to i32
      %cond3A_84 = arith.constant 0 : i32
      %cond3A_85 = arith.cmpi ne, %convert_element_type3A_83, %cond3A_84 : i32
      scf.if %cond3A_85 {
        %add3A_96 = arith.constant 1 : i32
        %add3A_97 = arith.addi %add3A_78, %add3A_96 : i32
        %mul3A_98 = arith.constant 80 : i32
        %mul3A_99 = arith.muli %add3A_97, %mul3A_98 : i32
        %add3A_100 = arith.addi %mul3A_2, %mul3A_99 : i32
        %dma_wait3A_101 = tpu.memref_slice %arg3[%add3A_100] : memref<320000xi32, #tpu.memory_space<hbm>> -> memref<80xi32, #tpu.memory_space<hbm>>
        %dma_wait3A_102 = tpu.memref_slice %arg3[%add3A_100] : memref<320000xi32, #tpu.memory_space<hbm>> -> memref<80xi32, #tpu.memory_space<hbm>>
        tpu.wait_dma2 semaphore(%arg16 : memref<!tpu.dma_semaphore, #tpu.memory_space<semaphore_mem>>) src(%dma_wait3A_102 : memref<80xi32, #tpu.memory_space<hbm>>) dst(%arg7 : memref<80xi32, #tpu.memory_space<vmem>>)
        %dma_wait3A_103 = tpu.memref_slice %arg4[%add3A_100] : memref<320000xi32, #tpu.memory_space<hbm>> -> memref<80xi32, #tpu.memory_space<hbm>>
        %dma_wait3A_104 = tpu.memref_slice %arg4[%add3A_100] : memref<320000xi32, #tpu.memory_space<hbm>> -> memref<80xi32, #tpu.memory_space<hbm>>
        tpu.wait_dma2 semaphore(%arg16 : memref<!tpu.dma_semaphore, #tpu.memory_space<semaphore_mem>>) src(%dma_wait3A_104 : memref<80xi32, #tpu.memory_space<hbm>>) dst(%arg9 : memref<80xi32, #tpu.memory_space<vmem>>)
        %dma_start3A_105 = arith.constant 0 : i32
        %dma_start3A_106 = arith.constant 0 : i32
        %dma_start3A_107 = tpu.memref_slice %arg2[%dma_start3A_105, %dma_start3A_106] : memref<10000x128xf32, #tpu.memory_space<hbm>> -> memref<10000x128xf32, #tpu.memory_space<hbm>>
        tpu.enqueue_indirect_dma source(%dma_start3A_107 : memref<10000x128xf32, #tpu.memory_space<hbm>>) target(%arg11 : memref<80x128xf32, #tpu.memory_space<vmem>>) offsets(%arg7 : memref<80xi32, #tpu.memory_space<vmem>>) semaphore(%arg14 : memref<!tpu.dma_semaphore, #tpu.memory_space<semaphore_mem>>)
      } else {
      }
      %dma_wait3A_86 = arith.constant 0 : i32
      %dma_wait3A_87 = arith.constant 0 : i32
      %dma_wait3A_88 = tpu.memref_slice %arg2[%dma_wait3A_86, %dma_wait3A_87] : memref<10000x128xf32, #tpu.memory_space<hbm>> -> memref<10000x128xf32, #tpu.memory_space<hbm>>
      tpu.wait_indirect_dma semaphore(%arg15 : memref<!tpu.dma_semaphore, #tpu.memory_space<semaphore_mem>>) src(%dma_wait3A_88 : memref<10000x128xf32, #tpu.memory_space<hbm>>) dst(%arg12 : memref<80x128xf32, #tpu.memory_space<vmem>>)
      "tpu.region"() ({
        %run_scoped3A = tpu.sem_alloc : memref<!tpu.dma_semaphore, #tpu.memory_space<semaphore_mem>>
        %dma_start3A_96 = arith.constant 0 : i32
        %dma_start3A_97 = arith.constant 0 : i32
        %dma_start3A_98 = tpu.memref_slice %arg13[%dma_start3A_96, %dma_start3A_97] : memref<10008x128xf32, #tpu.memory_space<vmem_shared>> -> memref<10008x128xf32, #tpu.memory_space<vmem_shared>>
        tpu.enqueue_indirect_dma source(%arg12 : memref<80x128xf32, #tpu.memory_space<vmem>>) target(%dma_start3A_98 : memref<10008x128xf32, #tpu.memory_space<vmem_shared>>) offsets(%arg10 : memref<80xi32, #tpu.memory_space<vmem>>) semaphore(%run_scoped3A : memref<!tpu.dma_semaphore, #tpu.memory_space<semaphore_mem>>) {add = true}
        %dma_wait3A_99 = arith.constant 0 : i32
        %dma_wait3A_100 = arith.constant 0 : i32
        %dma_wait3A_101 = tpu.memref_slice %arg13[%dma_wait3A_99, %dma_wait3A_100] : memref<10008x128xf32, #tpu.memory_space<vmem_shared>> -> memref<10008x128xf32, #tpu.memory_space<vmem_shared>>
        tpu.wait_indirect_dma semaphore(%run_scoped3A : memref<!tpu.dma_semaphore, #tpu.memory_space<semaphore_mem>>) src(%arg12 : memref<80x128xf32, #tpu.memory_space<vmem>>) dst(%dma_wait3A_101 : memref<10008x128xf32, #tpu.memory_space<vmem_shared>>)
        tpu.yield
      }) : () -> ()
      %add3A_89 = arith.constant 2 : i32
      %add3A_90 = arith.addi %add3A_78, %add3A_89 : i32
      %lt3A_91 = arith.constant 125 : i32
      %lt3A_92 = arith.cmpi slt, %add3A_90, %lt3A_91 : i32
      %convert_element_type3A_93 = arith.extui %lt3A_92 : i1 to i32
      %cond3A_94 = arith.constant 0 : i32
      %cond3A_95 = arith.cmpi ne, %convert_element_type3A_93, %cond3A_94 : i32
      scf.if %cond3A_95 {
        %add3A_96 = arith.constant 2 : i32
        %add3A_97 = arith.addi %add3A_78, %add3A_96 : i32
        %mul3A_98 = arith.constant 80 : i32
        %mul3A_99 = arith.muli %add3A_97, %mul3A_98 : i32
        %add3A_100 = arith.addi %mul3A_2, %mul3A_99 : i32
        %dma_start3A_101 = tpu.memref_slice %arg3[%add3A_100] : memref<320000xi32, #tpu.memory_space<hbm>> -> memref<80xi32, #tpu.memory_space<hbm>>
        %dma_start3A_102 = tpu.memref_slice %arg3[%add3A_100] : memref<320000xi32, #tpu.memory_space<hbm>> -> memref<80xi32, #tpu.memory_space<hbm>>
        tpu.enqueue_dma source(%dma_start3A_102 : memref<80xi32, #tpu.memory_space<hbm>>) target(%arg8 : memref<80xi32, #tpu.memory_space<vmem>>) target_semaphore(%arg17 : memref<!tpu.dma_semaphore, #tpu.memory_space<semaphore_mem>>)
        %dma_start3A_103 = tpu.memref_slice %arg4[%add3A_100] : memref<320000xi32, #tpu.memory_space<hbm>> -> memref<80xi32, #tpu.memory_space<hbm>>
        %dma_start3A_104 = tpu.memref_slice %arg4[%add3A_100] : memref<320000xi32, #tpu.memory_space<hbm>> -> memref<80xi32, #tpu.memory_space<hbm>>
        tpu.enqueue_dma source(%dma_start3A_104 : memref<80xi32, #tpu.memory_space<hbm>>) target(%arg10 : memref<80xi32, #tpu.memory_space<vmem>>) target_semaphore(%arg17 : memref<!tpu.dma_semaphore, #tpu.memory_space<semaphore_mem>>)
      } else {
      }
    }
    %scan3A_40 = arith.constant 62 : i32
    %dma_wait3A_41 = arith.constant 0 : i32
    %dma_wait3A_42 = arith.constant 0 : i32
    %dma_wait3A_43 = tpu.memref_slice %arg2[%dma_wait3A_41, %dma_wait3A_42] : memref<10000x128xf32, #tpu.memory_space<hbm>> -> memref<10000x128xf32, #tpu.memory_space<hbm>>
    tpu.wait_indirect_dma semaphore(%arg14 : memref<!tpu.dma_semaphore, #tpu.memory_space<semaphore_mem>>) src(%dma_wait3A_43 : memref<10000x128xf32, #tpu.memory_space<hbm>>) dst(%arg11 : memref<80x128xf32, #tpu.memory_space<vmem>>)
    "tpu.region"() ({
      %run_scoped3A = tpu.sem_alloc : memref<!tpu.dma_semaphore, #tpu.memory_space<semaphore_mem>>
      %dma_start3A_54 = arith.constant 0 : i32
      %dma_start3A_55 = arith.constant 0 : i32
      %dma_start3A_56 = tpu.memref_slice %arg13[%dma_start3A_54, %dma_start3A_55] : memref<10008x128xf32, #tpu.memory_space<vmem_shared>> -> memref<10008x128xf32, #tpu.memory_space<vmem_shared>>
      tpu.enqueue_indirect_dma source(%arg11 : memref<80x128xf32, #tpu.memory_space<vmem>>) target(%dma_start3A_56 : memref<10008x128xf32, #tpu.memory_space<vmem_shared>>) offsets(%arg9 : memref<80xi32, #tpu.memory_space<vmem>>) semaphore(%run_scoped3A : memref<!tpu.dma_semaphore, #tpu.memory_space<semaphore_mem>>) {add = true}
      %dma_wait3A_57 = arith.constant 0 : i32
      %dma_wait3A_58 = arith.constant 0 : i32
      %dma_wait3A_59 = tpu.memref_slice %arg13[%dma_wait3A_57, %dma_wait3A_58] : memref<10008x128xf32, #tpu.memory_space<vmem_shared>> -> memref<10008x128xf32, #tpu.memory_space<vmem_shared>>
      tpu.wait_indirect_dma semaphore(%run_scoped3A : memref<!tpu.dma_semaphore, #tpu.memory_space<semaphore_mem>>) src(%arg11 : memref<80x128xf32, #tpu.memory_space<vmem>>) dst(%dma_wait3A_59 : memref<10008x128xf32, #tpu.memory_space<vmem_shared>>)
      tpu.yield
    }) : () -> ()
    %barrier3A_44 = arith.constant 0 : index
    tpu.barrier barrier_id(%barrier3A_44)
    %mul3A_45 = arith.constant 624 : i32
    %mul3A_46 = arith.muli %arg1, %mul3A_45 : i32
    %mul3A_47 = arith.constant 624 : i32
    %mul3A_48 = arith.muli %arg1, %mul3A_47 : i32
    "tpu.region"() ({
      %run_scoped3A = tpu.sem_alloc : memref<!tpu.dma_semaphore, #tpu.memory_space<semaphore_mem>>
      %dma_start3A_54 = arith.constant 0 : i32
      %dma_start3A_55 = tpu.memref_slice %arg6[%arg0, %mul3A_48, %dma_start3A_54] : memref<2x10000x128xf32, #tpu.memory_space<hbm>> -> memref<1x624x128xf32, #tpu.memory_space<hbm>>
      %dma_start3A_56 = tpu.memref_squeeze %dma_start3A_55 : memref<1x624x128xf32, #tpu.memory_space<hbm>> -> memref<624x128xf32, #tpu.memory_space<hbm>>
      %dma_start3A_57 = arith.constant 0 : i32
      %dma_start3A_58 = tpu.memref_slice %arg13[%mul3A_46, %dma_start3A_57] : memref<10008x128xf32, #tpu.memory_space<vmem_shared>> -> memref<624x128xf32, #tpu.memory_space<vmem_shared>>
      tpu.enqueue_dma source(%dma_start3A_58 : memref<624x128xf32, #tpu.memory_space<vmem_shared>>) target(%dma_start3A_56 : memref<624x128xf32, #tpu.memory_space<hbm>>) target_semaphore(%run_scoped3A : memref<!tpu.dma_semaphore, #tpu.memory_space<semaphore_mem>>)
      %dma_wait3A_59 = arith.constant 0 : i32
      %dma_wait3A_60 = tpu.memref_slice %arg6[%arg0, %mul3A_48, %dma_wait3A_59] : memref<2x10000x128xf32, #tpu.memory_space<hbm>> -> memref<1x624x128xf32, #tpu.memory_space<hbm>>
      %dma_wait3A_61 = tpu.memref_squeeze %dma_wait3A_60 : memref<1x624x128xf32, #tpu.memory_space<hbm>> -> memref<624x128xf32, #tpu.memory_space<hbm>>
      %dma_wait3A_62 = arith.constant 0 : i32
      %dma_wait3A_63 = tpu.memref_slice %arg13[%mul3A_46, %dma_wait3A_62] : memref<10008x128xf32, #tpu.memory_space<vmem_shared>> -> memref<624x128xf32, #tpu.memory_space<vmem_shared>>
      tpu.wait_dma2 semaphore(%run_scoped3A : memref<!tpu.dma_semaphore, #tpu.memory_space<semaphore_mem>>) src(%dma_wait3A_63 : memref<624x128xf32, #tpu.memory_space<vmem_shared>>) dst(%dma_wait3A_61 : memref<624x128xf32, #tpu.memory_space<hbm>>)
      tpu.yield
    }) : () -> ()
    %eq3A_49 = arith.constant 0 : i32
    %eq3A_50 = arith.cmpi eq, %arg1, %eq3A_49 : i32
    %convert_element_type3A_51 = arith.extui %eq3A_50 : i1 to i32
    %cond3A_52 = arith.constant 0 : i32
    %cond3A_53 = arith.cmpi ne, %convert_element_type3A_51, %cond3A_52 : i32
    scf.if %cond3A_53 {
      "tpu.region"() ({
        %run_scoped3A = tpu.sem_alloc : memref<!tpu.dma_semaphore, #tpu.memory_space<semaphore_mem>>
        %dma_start3A_54 = arith.constant 9984 : i32
        %dma_start3A_55 = arith.constant 0 : i32
        %dma_start3A_56 = tpu.memref_slice %arg6[%arg0, %dma_start3A_54, %dma_start3A_55] : memref<2x10000x128xf32, #tpu.memory_space<hbm>> -> memref<1x16x128xf32, #tpu.memory_space<hbm>>
        %dma_start3A_57 = tpu.memref_squeeze %dma_start3A_56 : memref<1x16x128xf32, #tpu.memory_space<hbm>> -> memref<16x128xf32, #tpu.memory_space<hbm>>
        %dma_start3A_58 = arith.constant 9984 : i32
        %dma_start3A_59 = arith.constant 0 : i32
        %dma_start3A_60 = tpu.memref_slice %arg13[%dma_start3A_58, %dma_start3A_59] : memref<10008x128xf32, #tpu.memory_space<vmem_shared>> -> memref<16x128xf32, #tpu.memory_space<vmem_shared>>
        tpu.enqueue_dma source(%dma_start3A_60 : memref<16x128xf32, #tpu.memory_space<vmem_shared>>) target(%dma_start3A_57 : memref<16x128xf32, #tpu.memory_space<hbm>>) target_semaphore(%run_scoped3A : memref<!tpu.dma_semaphore, #tpu.memory_space<semaphore_mem>>)
        %dma_wait3A_61 = arith.constant 9984 : i32
        %dma_wait3A_62 = arith.constant 0 : i32
        %dma_wait3A_63 = tpu.memref_slice %arg6[%arg0, %dma_wait3A_61, %dma_wait3A_62] : memref<2x10000x128xf32, #tpu.memory_space<hbm>> -> memref<1x16x128xf32, #tpu.memory_space<hbm>>
        %dma_wait3A_64 = tpu.memref_squeeze %dma_wait3A_63 : memref<1x16x128xf32, #tpu.memory_space<hbm>> -> memref<16x128xf32, #tpu.memory_space<hbm>>
        %dma_wait3A_65 = arith.constant 9984 : i32
        %dma_wait3A_66 = arith.constant 0 : i32
        %dma_wait3A_67 = tpu.memref_slice %arg13[%dma_wait3A_65, %dma_wait3A_66] : memref<10008x128xf32, #tpu.memory_space<vmem_shared>> -> memref<16x128xf32, #tpu.memory_space<vmem_shared>>
        tpu.wait_dma2 semaphore(%run_scoped3A : memref<!tpu.dma_semaphore, #tpu.memory_space<semaphore_mem>>) src(%dma_wait3A_67 : memref<16x128xf32, #tpu.memory_space<vmem_shared>>) dst(%dma_wait3A_64 : memref<16x128xf32, #tpu.memory_space<hbm>>)
        tpu.yield
      }) : () -> ()
    } else {
    }
    return
  }
}

#map = affine_map<(d0, d1) -> (0, 0)>
#map1 = affine_map<(d0, d1) -> (0)>
#map2 = affine_map<(d0, d1) -> (0, 0, 0)>
module attributes {stable_mosaic.version = 14 : i64} {
  func.func @k(%arg0: i32, %arg1: i32, %arg2: memref<10000x128xf32, #tpu.memory_space<hbm>>, %arg3: memref<320000xi32, #tpu.memory_space<hbm>>, %arg4: memref<320000xi32, #tpu.memory_space<hbm>>, %arg5: memref<208x128xf32, #tpu.memory_space<hbm>>, %arg6: memref<2x10000x128xf32, #tpu.memory_space<hbm>>, %arg7: memref<80xi32, #tpu.memory_space<vmem>>, %arg8: memref<80xi32, #tpu.memory_space<vmem>>, %arg9: memref<80xi32, #tpu.memory_space<vmem>>, %arg10: memref<80xi32, #tpu.memory_space<vmem>>, %arg11: memref<80x128xf32, #tpu.memory_space<vmem>>, %arg12: memref<80x128xf32, #tpu.memory_space<vmem>>, %arg13: memref<10008x128xf32, #tpu.memory_space<vmem_shared>>, %arg14: memref<!tpu.dma_semaphore, #tpu.memory_space<semaphore_mem>>, %arg15: memref<!tpu.dma_semaphore, #tpu.memory_space<semaphore_mem>>, %arg16: memref<!tpu.dma_semaphore, #tpu.memory_space<semaphore_mem>>, %arg17: memref<!tpu.dma_semaphore, #tpu.memory_space<semaphore_mem>>) attributes {dimension_semantics = [#tpu.dimension_semantics<core_parallel>, #tpu.dimension_semantics<subcore_parallel>], iteration_bounds = array<i64: 2, 16>, scalar_prefetch = 0 : i64, scratch_operands = 11 : i64, tpu.core_type = #tpu.core_type<sc_vector_subcore>, window_params = [{transform_indices = #map}, {transform_indices = #map1}, {transform_indices = #map1}, {transform_indices = #map}, {transform_indices = #map2}]} {
    %mul3A = arith.constant 16 : i32
    %mul3A_0 = arith.muli %arg0, %mul3A : i32
    %add3A = arith.addi %mul3A_0, %arg1 : i32
    %mul3A_1 = arith.constant 10000 : i32
    %mul3A_2 = arith.muli %add3A, %mul3A_1 : i32
    %mul3A_3 = arith.constant 624 : i32
    %mul3A_4 = arith.muli %arg1, %mul3A_3 : i32
    %add3A_5 = arith.constant 0 : i32
    %add3A_6 = arith.addi %mul3A_4, %add3A_5 : i32
    "tpu.region"() ({
      %run_scoped3A = tpu.sem_alloc : memref<!tpu.dma_semaphore, #tpu.memory_space<semaphore_mem>>
      %dma_start3A_54 = arith.constant 0 : i32
      %dma_start3A_55 = tpu.memref_slice %arg13[%add3A_6, %dma_start3A_54] : memref<10008x128xf32, #tpu.memory_space<vmem_shared>> -> memref<208x128xf32, #tpu.memory_space<vmem_shared>>
      tpu.enqueue_dma source(%arg5 : memref<208x128xf32, #tpu.memory_space<hbm>>) target(%dma_start3A_55 : memref<208x128xf32, #tpu.memory_space<vmem_shared>>) target_semaphore(%run_scoped3A : memref<!tpu.dma_semaphore, #tpu.memory_space<semaphore_mem>>)
      %dma_wait3A_56 = arith.constant 0 : i32
      %dma_wait3A_57 = tpu.memref_slice %arg13[%add3A_6, %dma_wait3A_56] : memref<10008x128xf32, #tpu.memory_space<vmem_shared>> -> memref<208x128xf32, #tpu.memory_space<vmem_shared>>
      tpu.wait_dma2 semaphore(%run_scoped3A : memref<!tpu.dma_semaphore, #tpu.memory_space<semaphore_mem>>) src(%arg5 : memref<208x128xf32, #tpu.memory_space<hbm>>) dst(%dma_wait3A_57 : memref<208x128xf32, #tpu.memory_space<vmem_shared>>)
      tpu.yield
    }) : () -> ()
    %mul3A_7 = arith.constant 624 : i32
    %mul3A_8 = arith.muli %arg1, %mul3A_7 : i32
    %add3A_9 = arith.constant 208 : i32
    %add3A_10 = arith.addi %mul3A_8, %add3A_9 : i32
    "tpu.region"() ({
      %run_scoped3A = tpu.sem_alloc : memref<!tpu.dma_semaphore, #tpu.memory_space<semaphore_mem>>
      %dma_start3A_54 = arith.constant 0 : i32
      %dma_start3A_55 = tpu.memref_slice %arg13[%add3A_10, %dma_start3A_54] : memref<10008x128xf32, #tpu.memory_space<vmem_shared>> -> memref<208x128xf32, #tpu.memory_space<vmem_shared>>
      tpu.enqueue_dma source(%arg5 : memref<208x128xf32, #tpu.memory_space<hbm>>) target(%dma_start3A_55 : memref<208x128xf32, #tpu.memory_space<vmem_shared>>) target_semaphore(%run_scoped3A : memref<!tpu.dma_semaphore, #tpu.memory_space<semaphore_mem>>)
      %dma_wait3A_56 = arith.constant 0 : i32
      %dma_wait3A_57 = tpu.memref_slice %arg13[%add3A_10, %dma_wait3A_56] : memref<10008x128xf32, #tpu.memory_space<vmem_shared>> -> memref<208x128xf32, #tpu.memory_space<vmem_shared>>
      tpu.wait_dma2 semaphore(%run_scoped3A : memref<!tpu.dma_semaphore, #tpu.memory_space<semaphore_mem>>) src(%arg5 : memref<208x128xf32, #tpu.memory_space<hbm>>) dst(%dma_wait3A_57 : memref<208x128xf32, #tpu.memory_space<vmem_shared>>)
      tpu.yield
    }) : () -> ()
    %mul3A_11 = arith.constant 624 : i32
    %mul3A_12 = arith.muli %arg1, %mul3A_11 : i32
    %add3A_13 = arith.constant 416 : i32
    %add3A_14 = arith.addi %mul3A_12, %add3A_13 : i32
    "tpu.region"() ({
      %run_scoped3A = tpu.sem_alloc : memref<!tpu.dma_semaphore, #tpu.memory_space<semaphore_mem>>
      %dma_start3A_54 = arith.constant 0 : i32
      %dma_start3A_55 = tpu.memref_slice %arg13[%add3A_14, %dma_start3A_54] : memref<10008x128xf32, #tpu.memory_space<vmem_shared>> -> memref<208x128xf32, #tpu.memory_space<vmem_shared>>
      tpu.enqueue_dma source(%arg5 : memref<208x128xf32, #tpu.memory_space<hbm>>) target(%dma_start3A_55 : memref<208x128xf32, #tpu.memory_space<vmem_shared>>) target_semaphore(%run_scoped3A : memref<!tpu.dma_semaphore, #tpu.memory_space<semaphore_mem>>)
      %dma_wait3A_56 = arith.constant 0 : i32
      %dma_wait3A_57 = tpu.memref_slice %arg13[%add3A_14, %dma_wait3A_56] : memref<10008x128xf32, #tpu.memory_space<vmem_shared>> -> memref<208x128xf32, #tpu.memory_space<vmem_shared>>
      tpu.wait_dma2 semaphore(%run_scoped3A : memref<!tpu.dma_semaphore, #tpu.memory_space<semaphore_mem>>) src(%arg5 : memref<208x128xf32, #tpu.memory_space<hbm>>) dst(%dma_wait3A_57 : memref<208x128xf32, #tpu.memory_space<vmem_shared>>)
      tpu.yield
    }) : () -> ()
    %eq3A = arith.constant 0 : i32
    %eq3A_15 = arith.cmpi eq, %arg1, %eq3A : i32
    %convert_element_type3A = arith.extui %eq3A_15 : i1 to i32
    %cond3A = arith.constant 0 : i32
    %cond3A_16 = arith.cmpi ne, %convert_element_type3A, %cond3A : i32
    scf.if %cond3A_16 {
      "tpu.region"() ({
        %run_scoped3A = tpu.sem_alloc : memref<!tpu.dma_semaphore, #tpu.memory_space<semaphore_mem>>
        %dma_start3A_54 = arith.constant 9984 : i32
        %dma_start3A_55 = arith.constant 0 : i32
        %dma_start3A_56 = tpu.memref_slice %arg13[%dma_start3A_54, %dma_start3A_55] : memref<10008x128xf32, #tpu.memory_space<vmem_shared>> -> memref<24x128xf32, #tpu.memory_space<vmem_shared>>
        %dma_start3A_57 = arith.constant 0 : i32
        %dma_start3A_58 = arith.constant 0 : i32
        %dma_start3A_59 = tpu.memref_slice %arg5[%dma_start3A_57, %dma_start3A_58] : memref<208x128xf32, #tpu.memory_space<hbm>> -> memref<24x128xf32, #tpu.memory_space<hbm>>
        tpu.enqueue_dma source(%dma_start3A_59 : memref<24x128xf32, #tpu.memory_space<hbm>>) target(%dma_start3A_56 : memref<24x128xf32, #tpu.memory_space<vmem_shared>>) target_semaphore(%run_scoped3A : memref<!tpu.dma_semaphore, #tpu.memory_space<semaphore_mem>>)
        %dma_wait3A_60 = arith.constant 9984 : i32
        %dma_wait3A_61 = arith.constant 0 : i32
        %dma_wait3A_62 = tpu.memref_slice %arg13[%dma_wait3A_60, %dma_wait3A_61] : memref<10008x128xf32, #tpu.memory_space<vmem_shared>> -> memref<24x128xf32, #tpu.memory_space<vmem_shared>>
        %dma_wait3A_63 = arith.constant 0 : i32
        %dma_wait3A_64 = arith.constant 0 : i32
        %dma_wait3A_65 = tpu.memref_slice %arg5[%dma_wait3A_63, %dma_wait3A_64] : memref<208x128xf32, #tpu.memory_space<hbm>> -> memref<24x128xf32, #tpu.memory_space<hbm>>
        tpu.wait_dma2 semaphore(%run_scoped3A : memref<!tpu.dma_semaphore, #tpu.memory_space<semaphore_mem>>) src(%dma_wait3A_65 : memref<24x128xf32, #tpu.memory_space<hbm>>) dst(%dma_wait3A_62 : memref<24x128xf32, #tpu.memory_space<vmem_shared>>)
        tpu.yield
      }) : () -> ()
    } else {
    }
    %barrier3A = arith.constant 0 : index
    tpu.barrier barrier_id(%barrier3A)
    %add3A_17 = arith.constant 0 : i32
    %add3A_18 = arith.addi %mul3A_2, %add3A_17 : i32
    %dma_start3A = tpu.memref_slice %arg3[%add3A_18] : memref<320000xi32, #tpu.memory_space<hbm>> -> memref<80xi32, #tpu.memory_space<hbm>>
    %dma_start3A_19 = tpu.memref_slice %arg3[%add3A_18] : memref<320000xi32, #tpu.memory_space<hbm>> -> memref<80xi32, #tpu.memory_space<hbm>>
    tpu.enqueue_dma source(%dma_start3A_19 : memref<80xi32, #tpu.memory_space<hbm>>) target(%arg7 : memref<80xi32, #tpu.memory_space<vmem>>) target_semaphore(%arg16 : memref<!tpu.dma_semaphore, #tpu.memory_space<semaphore_mem>>)
    %dma_start3A_20 = tpu.memref_slice %arg4[%add3A_18] : memref<320000xi32, #tpu.memory_space<hbm>> -> memref<80xi32, #tpu.memory_space<hbm>>
    %dma_start3A_21 = tpu.memref_slice %arg4[%add3A_18] : memref<320000xi32, #tpu.memory_space<hbm>> -> memref<80xi32, #tpu.memory_space<hbm>>
    tpu.enqueue_dma source(%dma_start3A_21 : memref<80xi32, #tpu.memory_space<hbm>>) target(%arg9 : memref<80xi32, #tpu.memory_space<vmem>>) target_semaphore(%arg16 : memref<!tpu.dma_semaphore, #tpu.memory_space<semaphore_mem>>)
    %add3A_22 = arith.constant 80 : i32
    %add3A_23 = arith.addi %mul3A_2, %add3A_22 : i32
    %dma_start3A_24 = tpu.memref_slice %arg3[%add3A_23] : memref<320000xi32, #tpu.memory_space<hbm>> -> memref<80xi32, #tpu.memory_space<hbm>>
    %dma_start3A_25 = tpu.memref_slice %arg3[%add3A_23] : memref<320000xi32, #tpu.memory_space<hbm>> -> memref<80xi32, #tpu.memory_space<hbm>>
    tpu.enqueue_dma source(%dma_start3A_25 : memref<80xi32, #tpu.memory_space<hbm>>) target(%arg8 : memref<80xi32, #tpu.memory_space<vmem>>) target_semaphore(%arg17 : memref<!tpu.dma_semaphore, #tpu.memory_space<semaphore_mem>>)
    %dma_start3A_26 = tpu.memref_slice %arg4[%add3A_23] : memref<320000xi32, #tpu.memory_space<hbm>> -> memref<80xi32, #tpu.memory_space<hbm>>
    %dma_start3A_27 = tpu.memref_slice %arg4[%add3A_23] : memref<320000xi32, #tpu.memory_space<hbm>> -> memref<80xi32, #tpu.memory_space<hbm>>
    tpu.enqueue_dma source(%dma_start3A_27 : memref<80xi32, #tpu.memory_space<hbm>>) target(%arg10 : memref<80xi32, #tpu.memory_space<vmem>>) target_semaphore(%arg17 : memref<!tpu.dma_semaphore, #tpu.memory_space<semaphore_mem>>)
    %add3A_28 = arith.constant 0 : i32
    %add3A_29 = arith.addi %mul3A_2, %add3A_28 : i32
    %dma_wait3A = tpu.memref_slice %arg3[%add3A_29] : memref<320000xi32, #tpu.memory_space<hbm>> -> memref<80xi32, #tpu.memory_space<hbm>>
    %dma_wait3A_30 = tpu.memref_slice %arg3[%add3A_29] : memref<320000xi32, #tpu.memory_space<hbm>> -> memref<80xi32, #tpu.memory_space<hbm>>
    tpu.wait_dma2 semaphore(%arg16 : memref<!tpu.dma_semaphore, #tpu.memory_space<semaphore_mem>>) src(%dma_wait3A_30 : memref<80xi32, #tpu.memory_space<hbm>>) dst(%arg7 : memref<80xi32, #tpu.memory_space<vmem>>)
    %dma_wait3A_31 = tpu.memref_slice %arg4[%add3A_29] : memref<320000xi32, #tpu.memory_space<hbm>> -> memref<80xi32, #tpu.memory_space<hbm>>
    %dma_wait3A_32 = tpu.memref_slice %arg4[%add3A_29] : memref<320000xi32, #tpu.memory_space<hbm>> -> memref<80xi32, #tpu.memory_space<hbm>>
    tpu.wait_dma2 semaphore(%arg16 : memref<!tpu.dma_semaphore, #tpu.memory_space<semaphore_mem>>) src(%dma_wait3A_32 : memref<80xi32, #tpu.memory_space<hbm>>) dst(%arg9 : memref<80xi32, #tpu.memory_space<vmem>>)
    %dma_start3A_33 = arith.constant 0 : i32
    %dma_start3A_34 = arith.constant 0 : i32
    %dma_start3A_35 = tpu.memref_slice %arg2[%dma_start3A_33, %dma_start3A_34] : memref<10000x128xf32, #tpu.memory_space<hbm>> -> memref<10000x128xf32, #tpu.memory_space<hbm>>
    tpu.enqueue_indirect_dma source(%dma_start3A_35 : memref<10000x128xf32, #tpu.memory_space<hbm>>) target(%arg11 : memref<80x128xf32, #tpu.memory_space<vmem>>) offsets(%arg7 : memref<80xi32, #tpu.memory_space<vmem>>) semaphore(%arg14 : memref<!tpu.dma_semaphore, #tpu.memory_space<semaphore_mem>>)
    %scan3A = arith.constant 0 : i32
    %scan3A_36 = arith.constant 0 : i32
    %scan3A_37 = arith.constant 62 : i32
    %scan3A_38 = arith.addi %scan3A_36, %scan3A_37 : i32
    %scan3A_39 = arith.constant 1 : i32
    scf.for %scan3A_54 = %scan3A_36 to %scan3A_38 step %scan3A_39  : i32 {
      %mul3A_55 = arith.constant 2 : i32
      %mul3A_56 = arith.muli %mul3A_55, %scan3A_54 : i32
      %add3A_57 = arith.constant 0 : i32
      %add3A_58 = arith.addi %mul3A_56, %add3A_57 : i32
      %add3A_59 = arith.constant 1 : i32
      %add3A_60 = arith.addi %add3A_58, %add3A_59 : i32
      %lt3A = arith.constant 125 : i32
      %lt3A_61 = arith.cmpi slt, %add3A_60, %lt3A : i32
      %convert_element_type3A_62 = arith.extui %lt3A_61 : i1 to i32
      %cond3A_63 = arith.constant 0 : i32
      %cond3A_64 = arith.cmpi ne, %convert_element_type3A_62, %cond3A_63 : i32
      scf.if %cond3A_64 {
        %add3A_96 = arith.constant 1 : i32
        %add3A_97 = arith.addi %add3A_58, %add3A_96 : i32
        %mul3A_98 = arith.constant 80 : i32
        %mul3A_99 = arith.muli %add3A_97, %mul3A_98 : i32
        %add3A_100 = arith.addi %mul3A_2, %mul3A_99 : i32
        %dma_wait3A_101 = tpu.memref_slice %arg3[%add3A_100] : memref<320000xi32, #tpu.memory_space<hbm>> -> memref<80xi32, #tpu.memory_space<hbm>>
        %dma_wait3A_102 = tpu.memref_slice %arg3[%add3A_100] : memref<320000xi32, #tpu.memory_space<hbm>> -> memref<80xi32, #tpu.memory_space<hbm>>
        tpu.wait_dma2 semaphore(%arg17 : memref<!tpu.dma_semaphore, #tpu.memory_space<semaphore_mem>>) src(%dma_wait3A_102 : memref<80xi32, #tpu.memory_space<hbm>>) dst(%arg8 : memref<80xi32, #tpu.memory_space<vmem>>)
        %dma_wait3A_103 = tpu.memref_slice %arg4[%add3A_100] : memref<320000xi32, #tpu.memory_space<hbm>> -> memref<80xi32, #tpu.memory_space<hbm>>
        %dma_wait3A_104 = tpu.memref_slice %arg4[%add3A_100] : memref<320000xi32, #tpu.memory_space<hbm>> -> memref<80xi32, #tpu.memory_space<hbm>>
        tpu.wait_dma2 semaphore(%arg17 : memref<!tpu.dma_semaphore, #tpu.memory_space<semaphore_mem>>) src(%dma_wait3A_104 : memref<80xi32, #tpu.memory_space<hbm>>) dst(%arg10 : memref<80xi32, #tpu.memory_space<vmem>>)
        %dma_start3A_105 = arith.constant 0 : i32
        %dma_start3A_106 = arith.constant 0 : i32
        %dma_start3A_107 = tpu.memref_slice %arg2[%dma_start3A_105, %dma_start3A_106] : memref<10000x128xf32, #tpu.memory_space<hbm>> -> memref<10000x128xf32, #tpu.memory_space<hbm>>
        tpu.enqueue_indirect_dma source(%dma_start3A_107 : memref<10000x128xf32, #tpu.memory_space<hbm>>) target(%arg12 : memref<80x128xf32, #tpu.memory_space<vmem>>) offsets(%arg8 : memref<80xi32, #tpu.memory_space<vmem>>) semaphore(%arg15 : memref<!tpu.dma_semaphore, #tpu.memory_space<semaphore_mem>>)
      } else {
      }
      %dma_wait3A_65 = arith.constant 0 : i32
      %dma_wait3A_66 = arith.constant 0 : i32
      %dma_wait3A_67 = tpu.memref_slice %arg2[%dma_wait3A_65, %dma_wait3A_66] : memref<10000x128xf32, #tpu.memory_space<hbm>> -> memref<10000x128xf32, #tpu.memory_space<hbm>>
      tpu.wait_indirect_dma semaphore(%arg14 : memref<!tpu.dma_semaphore, #tpu.memory_space<semaphore_mem>>) src(%dma_wait3A_67 : memref<10000x128xf32, #tpu.memory_space<hbm>>) dst(%arg11 : memref<80x128xf32, #tpu.memory_space<vmem>>)
      "tpu.region"() ({
        %run_scoped3A = tpu.sem_alloc : memref<!tpu.dma_semaphore, #tpu.memory_space<semaphore_mem>>
        %dma_start3A_96 = arith.constant 0 : i32
        %dma_start3A_97 = arith.constant 0 : i32
        %dma_start3A_98 = tpu.memref_slice %arg13[%dma_start3A_96, %dma_start3A_97] : memref<10008x128xf32, #tpu.memory_space<vmem_shared>> -> memref<10008x128xf32, #tpu.memory_space<vmem_shared>>
        tpu.enqueue_indirect_dma source(%arg11 : memref<80x128xf32, #tpu.memory_space<vmem>>) target(%dma_start3A_98 : memref<10008x128xf32, #tpu.memory_space<vmem_shared>>) offsets(%arg9 : memref<80xi32, #tpu.memory_space<vmem>>) semaphore(%run_scoped3A : memref<!tpu.dma_semaphore, #tpu.memory_space<semaphore_mem>>) {add = true}
        %dma_wait3A_99 = arith.constant 0 : i32
        %dma_wait3A_100 = arith.constant 0 : i32
        %dma_wait3A_101 = tpu.memref_slice %arg13[%dma_wait3A_99, %dma_wait3A_100] : memref<10008x128xf32, #tpu.memory_space<vmem_shared>> -> memref<10008x128xf32, #tpu.memory_space<vmem_shared>>
        tpu.wait_indirect_dma semaphore(%run_scoped3A : memref<!tpu.dma_semaphore, #tpu.memory_space<semaphore_mem>>) src(%arg11 : memref<80x128xf32, #tpu.memory_space<vmem>>) dst(%dma_wait3A_101 : memref<10008x128xf32, #tpu.memory_space<vmem_shared>>)
        tpu.yield
      }) : () -> ()
      %add3A_68 = arith.constant 2 : i32
      %add3A_69 = arith.addi %add3A_58, %add3A_68 : i32
      %lt3A_70 = arith.constant 125 : i32
      %lt3A_71 = arith.cmpi slt, %add3A_69, %lt3A_70 : i32
      %convert_element_type3A_72 = arith.extui %lt3A_71 : i1 to i32
      %cond3A_73 = arith.constant 0 : i32
      %cond3A_74 = arith.cmpi ne, %convert_element_type3A_72, %cond3A_73 : i32
      scf.if %cond3A_74 {
        %add3A_96 = arith.constant 2 : i32
        %add3A_97 = arith.addi %add3A_58, %add3A_96 : i32
        %mul3A_98 = arith.constant 80 : i32
        %mul3A_99 = arith.muli %add3A_97, %mul3A_98 : i32
        %add3A_100 = arith.addi %mul3A_2, %mul3A_99 : i32
        %dma_start3A_101 = tpu.memref_slice %arg3[%add3A_100] : memref<320000xi32, #tpu.memory_space<hbm>> -> memref<80xi32, #tpu.memory_space<hbm>>
        %dma_start3A_102 = tpu.memref_slice %arg3[%add3A_100] : memref<320000xi32, #tpu.memory_space<hbm>> -> memref<80xi32, #tpu.memory_space<hbm>>
        tpu.enqueue_dma source(%dma_start3A_102 : memref<80xi32, #tpu.memory_space<hbm>>) target(%arg7 : memref<80xi32, #tpu.memory_space<vmem>>) target_semaphore(%arg16 : memref<!tpu.dma_semaphore, #tpu.memory_space<semaphore_mem>>)
        %dma_start3A_103 = tpu.memref_slice %arg4[%add3A_100] : memref<320000xi32, #tpu.memory_space<hbm>> -> memref<80xi32, #tpu.memory_space<hbm>>
        %dma_start3A_104 = tpu.memref_slice %arg4[%add3A_100] : memref<320000xi32, #tpu.memory_space<hbm>> -> memref<80xi32, #tpu.memory_space<hbm>>
        tpu.enqueue_dma source(%dma_start3A_104 : memref<80xi32, #tpu.memory_space<hbm>>) target(%arg9 : memref<80xi32, #tpu.memory_space<vmem>>) target_semaphore(%arg16 : memref<!tpu.dma_semaphore, #tpu.memory_space<semaphore_mem>>)
      } else {
      }
      %mul3A_75 = arith.constant 2 : i32
      %mul3A_76 = arith.muli %mul3A_75, %scan3A_54 : i32
      %add3A_77 = arith.constant 1 : i32
      %add3A_78 = arith.addi %mul3A_76, %add3A_77 : i32
      %add3A_79 = arith.constant 1 : i32
      %add3A_80 = arith.addi %add3A_78, %add3A_79 : i32
      %lt3A_81 = arith.constant 125 : i32
      %lt3A_82 = arith.cmpi slt, %add3A_80, %lt3A_81 : i32
      %convert_element_type3A_83 = arith.extui %lt3A_82 : i1 to i32
      %cond3A_84 = arith.constant 0 : i32
      %cond3A_85 = arith.cmpi ne, %convert_element_type3A_83, %cond3A_84 : i32
      scf.if %cond3A_85 {
        %add3A_96 = arith.constant 1 : i32
        %add3A_97 = arith.addi %add3A_78, %add3A_96 : i32
        %mul3A_98 = arith.constant 80 : i32
        %mul3A_99 = arith.muli %add3A_97, %mul3A_98 : i32
        %add3A_100 = arith.addi %mul3A_2, %mul3A_99 : i32
        %dma_wait3A_101 = tpu.memref_slice %arg3[%add3A_100] : memref<320000xi32, #tpu.memory_space<hbm>> -> memref<80xi32, #tpu.memory_space<hbm>>
        %dma_wait3A_102 = tpu.memref_slice %arg3[%add3A_100] : memref<320000xi32, #tpu.memory_space<hbm>> -> memref<80xi32, #tpu.memory_space<hbm>>
        tpu.wait_dma2 semaphore(%arg16 : memref<!tpu.dma_semaphore, #tpu.memory_space<semaphore_mem>>) src(%dma_wait3A_102 : memref<80xi32, #tpu.memory_space<hbm>>) dst(%arg7 : memref<80xi32, #tpu.memory_space<vmem>>)
        %dma_wait3A_103 = tpu.memref_slice %arg4[%add3A_100] : memref<320000xi32, #tpu.memory_space<hbm>> -> memref<80xi32, #tpu.memory_space<hbm>>
        %dma_wait3A_104 = tpu.memref_slice %arg4[%add3A_100] : memref<320000xi32, #tpu.memory_space<hbm>> -> memref<80xi32, #tpu.memory_space<hbm>>
        tpu.wait_dma2 semaphore(%arg16 : memref<!tpu.dma_semaphore, #tpu.memory_space<semaphore_mem>>) src(%dma_wait3A_104 : memref<80xi32, #tpu.memory_space<hbm>>) dst(%arg9 : memref<80xi32, #tpu.memory_space<vmem>>)
        %dma_start3A_105 = arith.constant 0 : i32
        %dma_start3A_106 = arith.constant 0 : i32
        %dma_start3A_107 = tpu.memref_slice %arg2[%dma_start3A_105, %dma_start3A_106] : memref<10000x128xf32, #tpu.memory_space<hbm>> -> memref<10000x128xf32, #tpu.memory_space<hbm>>
        tpu.enqueue_indirect_dma source(%dma_start3A_107 : memref<10000x128xf32, #tpu.memory_space<hbm>>) target(%arg11 : memref<80x128xf32, #tpu.memory_space<vmem>>) offsets(%arg7 : memref<80xi32, #tpu.memory_space<vmem>>) semaphore(%arg14 : memref<!tpu.dma_semaphore, #tpu.memory_space<semaphore_mem>>)
      } else {
      }
      %dma_wait3A_86 = arith.constant 0 : i32
      %dma_wait3A_87 = arith.constant 0 : i32
      %dma_wait3A_88 = tpu.memref_slice %arg2[%dma_wait3A_86, %dma_wait3A_87] : memref<10000x128xf32, #tpu.memory_space<hbm>> -> memref<10000x128xf32, #tpu.memory_space<hbm>>
      tpu.wait_indirect_dma semaphore(%arg15 : memref<!tpu.dma_semaphore, #tpu.memory_space<semaphore_mem>>) src(%dma_wait3A_88 : memref<10000x128xf32, #tpu.memory_space<hbm>>) dst(%arg12 : memref<80x128xf32, #tpu.memory_space<vmem>>)
      "tpu.region"() ({
        %run_scoped3A = tpu.sem_alloc : memref<!tpu.dma_semaphore, #tpu.memory_space<semaphore_mem>>
        %dma_start3A_96 = arith.constant 0 : i32
        %dma_start3A_97 = arith.constant 0 : i32
        %dma_start3A_98 = tpu.memref_slice %arg13[%dma_start3A_96, %dma_start3A_97] : memref<10008x128xf32, #tpu.memory_space<vmem_shared>> -> memref<10008x128xf32, #tpu.memory_space<vmem_shared>>
        tpu.enqueue_indirect_dma source(%arg12 : memref<80x128xf32, #tpu.memory_space<vmem>>) target(%dma_start3A_98 : memref<10008x128xf32, #tpu.memory_space<vmem_shared>>) offsets(%arg10 : memref<80xi32, #tpu.memory_space<vmem>>) semaphore(%run_scoped3A : memref<!tpu.dma_semaphore, #tpu.memory_space<semaphore_mem>>) {add = true}
        %dma_wait3A_99 = arith.constant 0 : i32
        %dma_wait3A_100 = arith.constant 0 : i32
        %dma_wait3A_101 = tpu.memref_slice %arg13[%dma_wait3A_99, %dma_wait3A_100] : memref<10008x128xf32, #tpu.memory_space<vmem_shared>> -> memref<10008x128xf32, #tpu.memory_space<vmem_shared>>
        tpu.wait_indirect_dma semaphore(%run_scoped3A : memref<!tpu.dma_semaphore, #tpu.memory_space<semaphore_mem>>) src(%arg12 : memref<80x128xf32, #tpu.memory_space<vmem>>) dst(%dma_wait3A_101 : memref<10008x128xf32, #tpu.memory_space<vmem_shared>>)
        tpu.yield
      }) : () -> ()
      %add3A_89 = arith.constant 2 : i32
      %add3A_90 = arith.addi %add3A_78, %add3A_89 : i32
      %lt3A_91 = arith.constant 125 : i32
      %lt3A_92 = arith.cmpi slt, %add3A_90, %lt3A_91 : i32
      %convert_element_type3A_93 = arith.extui %lt3A_92 : i1 to i32
      %cond3A_94 = arith.constant 0 : i32
      %cond3A_95 = arith.cmpi ne, %convert_element_type3A_93, %cond3A_94 : i32
      scf.if %cond3A_95 {
        %add3A_96 = arith.constant 2 : i32
        %add3A_97 = arith.addi %add3A_78, %add3A_96 : i32
        %mul3A_98 = arith.constant 80 : i32
        %mul3A_99 = arith.muli %add3A_97, %mul3A_98 : i32
        %add3A_100 = arith.addi %mul3A_2, %mul3A_99 : i32
        %dma_start3A_101 = tpu.memref_slice %arg3[%add3A_100] : memref<320000xi32, #tpu.memory_space<hbm>> -> memref<80xi32, #tpu.memory_space<hbm>>
        %dma_start3A_102 = tpu.memref_slice %arg3[%add3A_100] : memref<320000xi32, #tpu.memory_space<hbm>> -> memref<80xi32, #tpu.memory_space<hbm>>
        tpu.enqueue_dma source(%dma_start3A_102 : memref<80xi32, #tpu.memory_space<hbm>>) target(%arg8 : memref<80xi32, #tpu.memory_space<vmem>>) target_semaphore(%arg17 : memref<!tpu.dma_semaphore, #tpu.memory_space<semaphore_mem>>)
        %dma_start3A_103 = tpu.memref_slice %arg4[%add3A_100] : memref<320000xi32, #tpu.memory_space<hbm>> -> memref<80xi32, #tpu.memory_space<hbm>>
        %dma_start3A_104 = tpu.memref_slice %arg4[%add3A_100] : memref<320000xi32, #tpu.memory_space<hbm>> -> memref<80xi32, #tpu.memory_space<hbm>>
        tpu.enqueue_dma source(%dma_start3A_104 : memref<80xi32, #tpu.memory_space<hbm>>) target(%arg10 : memref<80xi32, #tpu.memory_space<vmem>>) target_semaphore(%arg17 : memref<!tpu.dma_semaphore, #tpu.memory_space<semaphore_mem>>)
      } else {
      }
    }
    %scan3A_40 = arith.constant 62 : i32
    %dma_wait3A_41 = arith.constant 0 : i32
    %dma_wait3A_42 = arith.constant 0 : i32
    %dma_wait3A_43 = tpu.memref_slice %arg2[%dma_wait3A_41, %dma_wait3A_42] : memref<10000x128xf32, #tpu.memory_space<hbm>> -> memref<10000x128xf32, #tpu.memory_space<hbm>>
    tpu.wait_indirect_dma semaphore(%arg14 : memref<!tpu.dma_semaphore, #tpu.memory_space<semaphore_mem>>) src(%dma_wait3A_43 : memref<10000x128xf32, #tpu.memory_space<hbm>>) dst(%arg11 : memref<80x128xf32, #tpu.memory_space<vmem>>)
    "tpu.region"() ({
      %run_scoped3A = tpu.sem_alloc : memref<!tpu.dma_semaphore, #tpu.memory_space<semaphore_mem>>
      %dma_start3A_54 = arith.constant 0 : i32
      %dma_start3A_55 = arith.constant 0 : i32
      %dma_start3A_56 = tpu.memref_slice %arg13[%dma_start3A_54, %dma_start3A_55] : memref<10008x128xf32, #tpu.memory_space<vmem_shared>> -> memref<10008x128xf32, #tpu.memory_space<vmem_shared>>
      tpu.enqueue_indirect_dma source(%arg11 : memref<80x128xf32, #tpu.memory_space<vmem>>) target(%dma_start3A_56 : memref<10008x128xf32, #tpu.memory_space<vmem_shared>>) offsets(%arg9 : memref<80xi32, #tpu.memory_space<vmem>>) semaphore(%run_scoped3A : memref<!tpu.dma_semaphore, #tpu.memory_space<semaphore_mem>>) {add = true}
      %dma_wait3A_57 = arith.constant 0 : i32
      %dma_wait3A_58 = arith.constant 0 : i32
      %dma_wait3A_59 = tpu.memref_slice %arg13[%dma_wait3A_57, %dma_wait3A_58] : memref<10008x128xf32, #tpu.memory_space<vmem_shared>> -> memref<10008x128xf32, #tpu.memory_space<vmem_shared>>
      tpu.wait_indirect_dma semaphore(%run_scoped3A : memref<!tpu.dma_semaphore, #tpu.memory_space<semaphore_mem>>) src(%arg11 : memref<80x128xf32, #tpu.memory_space<vmem>>) dst(%dma_wait3A_59 : memref<10008x128xf32, #tpu.memory_space<vmem_shared>>)
      tpu.yield
    }) : () -> ()
    %barrier3A_44 = arith.constant 0 : index
    tpu.barrier barrier_id(%barrier3A_44)
    %mul3A_45 = arith.constant 624 : i32
    %mul3A_46 = arith.muli %arg1, %mul3A_45 : i32
    %mul3A_47 = arith.constant 624 : i32
    %mul3A_48 = arith.muli %arg1, %mul3A_47 : i32
    "tpu.region"() ({
      %run_scoped3A = tpu.sem_alloc : memref<!tpu.dma_semaphore, #tpu.memory_space<semaphore_mem>>
      %dma_start3A_54 = arith.constant 0 : i32
      %dma_start3A_55 = tpu.memref_slice %arg6[%arg0, %mul3A_48, %dma_start3A_54] : memref<2x10000x128xf32, #tpu.memory_space<hbm>> -> memref<1x624x128xf32, #tpu.memory_space<hbm>>
      %dma_start3A_56 = tpu.memref_squeeze %dma_start3A_55 : memref<1x624x128xf32, #tpu.memory_space<hbm>> -> memref<624x128xf32, #tpu.memory_space<hbm>>
      %dma_start3A_57 = arith.constant 0 : i32
      %dma_start3A_58 = tpu.memref_slice %arg13[%mul3A_46, %dma_start3A_57] : memref<10008x128xf32, #tpu.memory_space<vmem_shared>> -> memref<624x128xf32, #tpu.memory_space<vmem_shared>>
      tpu.enqueue_dma source(%dma_start3A_58 : memref<624x128xf32, #tpu.memory_space<vmem_shared>>) target(%dma_start3A_56 : memref<624x128xf32, #tpu.memory_space<hbm>>) target_semaphore(%run_scoped3A : memref<!tpu.dma_semaphore, #tpu.memory_space<semaphore_mem>>)
      %dma_wait3A_59 = arith.constant 0 : i32
      %dma_wait3A_60 = tpu.memref_slice %arg6[%arg0, %mul3A_48, %dma_wait3A_59] : memref<2x10000x128xf32, #tpu.memory_space<hbm>> -> memref<1x624x128xf32, #tpu.memory_space<hbm>>
      %dma_wait3A_61 = tpu.memref_squeeze %dma_wait3A_60 : memref<1x624x128xf32, #tpu.memory_space<hbm>> -> memref<624x128xf32, #tpu.memory_space<hbm>>
      %dma_wait3A_62 = arith.constant 0 : i32
      %dma_wait3A_63 = tpu.memref_slice %arg13[%mul3A_46, %dma_wait3A_62] : memref<10008x128xf32, #tpu.memory_space<vmem_shared>> -> memref<624x128xf32, #tpu.memory_space<vmem_shared>>
      tpu.wait_dma2 semaphore(%run_scoped3A : memref<!tpu.dma_semaphore, #tpu.memory_space<semaphore_mem>>) src(%dma_wait3A_63 : memref<624x128xf32, #tpu.memory_space<vmem_shared>>) dst(%dma_wait3A_61 : memref<624x128xf32, #tpu.memory_space<hbm>>)
      tpu.yield
    }) : () -> ()
    %eq3A_49 = arith.constant 0 : i32
    %eq3A_50 = arith.cmpi eq, %arg1, %eq3A_49 : i32
    %convert_element_type3A_51 = arith.extui %eq3A_50 : i1 to i32
    %cond3A_52 = arith.constant 0 : i32
    %cond3A_53 = arith.cmpi ne, %convert_element_type3A_51, %cond3A_52 : i32
    scf.if %cond3A_53 {
      "tpu.region"() ({
        %run_scoped3A = tpu.sem_alloc : memref<!tpu.dma_semaphore, #tpu.memory_space<semaphore_mem>>
        %dma_start3A_54 = arith.constant 9984 : i32
        %dma_start3A_55 = arith.constant 0 : i32
        %dma_start3A_56 = tpu.memref_slice %arg6[%arg0, %dma_start3A_54, %dma_start3A_55] : memref<2x10000x128xf32, #tpu.memory_space<hbm>> -> memref<1x16x128xf32, #tpu.memory_space<hbm>>
        %dma_start3A_57 = tpu.memref_squeeze %dma_start3A_56 : memref<1x16x128xf32, #tpu.memory_space<hbm>> -> memref<16x128xf32, #tpu.memory_space<hbm>>
        %dma_start3A_58 = arith.constant 9984 : i32
        %dma_start3A_59 = arith.constant 0 : i32
        %dma_start3A_60 = tpu.memref_slice %arg13[%dma_start3A_58, %dma_start3A_59] : memref<10008x128xf32, #tpu.memory_space<vmem_shared>> -> memref<16x128xf32, #tpu.memory_space<vmem_shared>>
        tpu.enqueue_dma source(%dma_start3A_60 : memref<16x128xf32, #tpu.memory_space<vmem_shared>>) target(%dma_start3A_57 : memref<16x128xf32, #tpu.memory_space<hbm>>) target_semaphore(%run_scoped3A : memref<!tpu.dma_semaphore, #tpu.memory_space<semaphore_mem>>)
        %dma_wait3A_61 = arith.constant 9984 : i32
        %dma_wait3A_62 = arith.constant 0 : i32
        %dma_wait3A_63 = tpu.memref_slice %arg6[%arg0, %dma_wait3A_61, %dma_wait3A_62] : memref<2x10000x128xf32, #tpu.memory_space<hbm>> -> memref<1x16x128xf32, #tpu.memory_space<hbm>>
        %dma_wait3A_64 = tpu.memref_squeeze %dma_wait3A_63 : memref<1x16x128xf32, #tpu.memory_space<hbm>> -> memref<16x128xf32, #tpu.memory_space<hbm>>
        %dma_wait3A_65 = arith.constant 9984 : i32
        %dma_wait3A_66 = arith.constant 0 : i32
        %dma_wait3A_67 = tpu.memref_slice %arg13[%dma_wait3A_65, %dma_wait3A_66] : memref<10008x128xf32, #tpu.memory_space<vmem_shared>> -> memref<16x128xf32, #tpu.memory_space<vmem_shared>>
        tpu.wait_dma2 semaphore(%run_scoped3A : memref<!tpu.dma_semaphore, #tpu.memory_space<semaphore_mem>>) src(%dma_wait3A_67 : memref<16x128xf32, #tpu.memory_space<vmem_shared>>) dst(%dma_wait3A_64 : memref<16x128xf32, #tpu.memory_space<hbm>>)
        tpu.yield
      }) : () -> ()
    } else {
    }
    return
  }
}

#map = affine_map<(d0, d1) -> (0)>
module attributes {stable_mosaic.version = 14 : i64} {
  func.func @k(%arg0: i32, %arg1: i32, %arg2: memref<320000xi32, #tpu.memory_space<hbm>>, %arg3: memref<640xf32, #tpu.memory_space<hbm>>, %arg4: memref<88xf32, #tpu.memory_space<hbm>>, %arg5: memref<20000xf32, #tpu.memory_space<hbm>>, %arg6: memref<80xi32, #tpu.memory_space<vmem>>, %arg7: memref<80xi32, #tpu.memory_space<vmem>>, %arg8: memref<80xf32, #tpu.memory_space<vmem>>, %arg9: memref<624xf32, #tpu.memory_space<vmem>>, %arg10: memref<10000xf32, #tpu.memory_space<vmem_shared>>, %arg11: memref<!tpu.dma_semaphore, #tpu.memory_space<semaphore_mem>>, %arg12: memref<!tpu.dma_semaphore, #tpu.memory_space<semaphore_mem>>) attributes {dimension_semantics = [#tpu.dimension_semantics<core_parallel>, #tpu.dimension_semantics<subcore_parallel>], iteration_bounds = array<i64: 2, 16>, scalar_prefetch = 0 : i64, scratch_operands = 7 : i64, tpu.core_type = #tpu.core_type<sc_vector_subcore>, window_params = [{transform_indices = #map}, {transform_indices = #map}, {transform_indices = #map}, {transform_indices = #map}]} {
    "tpu.region"() ({
      %run_scoped3A = tpu.sem_alloc : memref<!tpu.dma_semaphore, #tpu.memory_space<semaphore_mem>>
      %dma_start3A_35 = arith.constant 0 : i32
      %dma_start3A_36 = tpu.memref_slice %arg3[%dma_start3A_35] : memref<640xf32, #tpu.memory_space<hbm>> -> memref<624xf32, #tpu.memory_space<hbm>>
      %dma_start3A_37 = arith.constant 0 : i32
      %dma_start3A_38 = tpu.memref_slice %arg3[%dma_start3A_37] : memref<640xf32, #tpu.memory_space<hbm>> -> memref<624xf32, #tpu.memory_space<hbm>>
      tpu.enqueue_dma source(%dma_start3A_38 : memref<624xf32, #tpu.memory_space<hbm>>) target(%arg9 : memref<624xf32, #tpu.memory_space<vmem>>) target_semaphore(%run_scoped3A : memref<!tpu.dma_semaphore, #tpu.memory_space<semaphore_mem>>)
      %dma_wait3A_39 = arith.constant 0 : i32
      %dma_wait3A_40 = tpu.memref_slice %arg3[%dma_wait3A_39] : memref<640xf32, #tpu.memory_space<hbm>> -> memref<624xf32, #tpu.memory_space<hbm>>
      %dma_wait3A_41 = arith.constant 0 : i32
      %dma_wait3A_42 = tpu.memref_slice %arg3[%dma_wait3A_41] : memref<640xf32, #tpu.memory_space<hbm>> -> memref<624xf32, #tpu.memory_space<hbm>>
      tpu.wait_dma2 semaphore(%run_scoped3A : memref<!tpu.dma_semaphore, #tpu.memory_space<semaphore_mem>>) src(%dma_wait3A_42 : memref<624xf32, #tpu.memory_space<hbm>>) dst(%arg9 : memref<624xf32, #tpu.memory_space<vmem>>)
      tpu.yield
    }) : () -> ()
    %mul3A = arith.constant 624 : i32
    %mul3A_0 = arith.muli %arg1, %mul3A : i32
    "tpu.region"() ({
      %run_scoped3A = tpu.sem_alloc : memref<!tpu.dma_semaphore, #tpu.memory_space<semaphore_mem>>
      %dma_start3A_35 = tpu.memref_slice %arg10[%mul3A_0] : memref<10000xf32, #tpu.memory_space<vmem_shared>> -> memref<624xf32, #tpu.memory_space<vmem_shared>>
      %dma_start3A_36 = tpu.memref_slice %arg10[%mul3A_0] : memref<10000xf32, #tpu.memory_space<vmem_shared>> -> memref<624xf32, #tpu.memory_space<vmem_shared>>
      tpu.enqueue_dma source(%arg9 : memref<624xf32, #tpu.memory_space<vmem>>) target(%dma_start3A_36 : memref<624xf32, #tpu.memory_space<vmem_shared>>) target_semaphore(%run_scoped3A : memref<!tpu.dma_semaphore, #tpu.memory_space<semaphore_mem>>)
      %dma_wait3A_37 = tpu.memref_slice %arg10[%mul3A_0] : memref<10000xf32, #tpu.memory_space<vmem_shared>> -> memref<624xf32, #tpu.memory_space<vmem_shared>>
      %dma_wait3A_38 = tpu.memref_slice %arg10[%mul3A_0] : memref<10000xf32, #tpu.memory_space<vmem_shared>> -> memref<624xf32, #tpu.memory_space<vmem_shared>>
      tpu.wait_dma2 semaphore(%run_scoped3A : memref<!tpu.dma_semaphore, #tpu.memory_space<semaphore_mem>>) src(%arg9 : memref<624xf32, #tpu.memory_space<vmem>>) dst(%dma_wait3A_38 : memref<624xf32, #tpu.memory_space<vmem_shared>>)
      tpu.yield
    }) : () -> ()
    %eq3A = arith.constant 0 : i32
    %eq3A_1 = arith.cmpi eq, %arg1, %eq3A : i32
    %convert_element_type3A = arith.extui %eq3A_1 : i1 to i32
    %cond3A = arith.constant 0 : i32
    %cond3A_2 = arith.cmpi ne, %convert_element_type3A, %cond3A : i32
    scf.if %cond3A_2 {
      "tpu.region"() ({
        %run_scoped3A = tpu.sem_alloc : memref<!tpu.dma_semaphore, #tpu.memory_space<semaphore_mem>>
        %dma_start3A_35 = arith.constant 0 : i32
        %dma_start3A_36 = tpu.memref_slice %arg9[%dma_start3A_35] : memref<624xf32, #tpu.memory_space<vmem>> -> memref<16xf32, #tpu.memory_space<vmem>>
        %dma_start3A_37 = arith.constant 9984 : i32
        %dma_start3A_38 = tpu.memref_slice %arg10[%dma_start3A_37] : memref<10000xf32, #tpu.memory_space<vmem_shared>> -> memref<16xf32, #tpu.memory_space<vmem_shared>>
        %dma_start3A_39 = arith.constant 9984 : i32
        %dma_start3A_40 = tpu.memref_slice %arg10[%dma_start3A_39] : memref<10000xf32, #tpu.memory_space<vmem_shared>> -> memref<16xf32, #tpu.memory_space<vmem_shared>>
        %dma_start3A_41 = arith.constant 0 : i32
        %dma_start3A_42 = tpu.memref_slice %arg9[%dma_start3A_41] : memref<624xf32, #tpu.memory_space<vmem>> -> memref<16xf32, #tpu.memory_space<vmem>>
        tpu.enqueue_dma source(%dma_start3A_42 : memref<16xf32, #tpu.memory_space<vmem>>) target(%dma_start3A_40 : memref<16xf32, #tpu.memory_space<vmem_shared>>) target_semaphore(%run_scoped3A : memref<!tpu.dma_semaphore, #tpu.memory_space<semaphore_mem>>)
        %dma_wait3A_43 = arith.constant 0 : i32
        %dma_wait3A_44 = tpu.memref_slice %arg9[%dma_wait3A_43] : memref<624xf32, #tpu.memory_space<vmem>> -> memref<16xf32, #tpu.memory_space<vmem>>
        %dma_wait3A_45 = arith.constant 9984 : i32
        %dma_wait3A_46 = tpu.memref_slice %arg10[%dma_wait3A_45] : memref<10000xf32, #tpu.memory_space<vmem_shared>> -> memref<16xf32, #tpu.memory_space<vmem_shared>>
        %dma_wait3A_47 = arith.constant 9984 : i32
        %dma_wait3A_48 = tpu.memref_slice %arg10[%dma_wait3A_47] : memref<10000xf32, #tpu.memory_space<vmem_shared>> -> memref<16xf32, #tpu.memory_space<vmem_shared>>
        %dma_wait3A_49 = arith.constant 0 : i32
        %dma_wait3A_50 = tpu.memref_slice %arg9[%dma_wait3A_49] : memref<624xf32, #tpu.memory_space<vmem>> -> memref<16xf32, #tpu.memory_space<vmem>>
        tpu.wait_dma2 semaphore(%run_scoped3A : memref<!tpu.dma_semaphore, #tpu.memory_space<semaphore_mem>>) src(%dma_wait3A_50 : memref<16xf32, #tpu.memory_space<vmem>>) dst(%dma_wait3A_48 : memref<16xf32, #tpu.memory_space<vmem_shared>>)
        tpu.yield
      }) : () -> ()
    } else {
    }
    "tpu.region"() ({
      %run_scoped3A = tpu.sem_alloc : memref<!tpu.dma_semaphore, #tpu.memory_space<semaphore_mem>>
      %dma_start3A_35 = arith.constant 0 : i32
      %dma_start3A_36 = tpu.memref_slice %arg4[%dma_start3A_35] : memref<88xf32, #tpu.memory_space<hbm>> -> memref<80xf32, #tpu.memory_space<hbm>>
      %dma_start3A_37 = arith.constant 0 : i32
      %dma_start3A_38 = tpu.memref_slice %arg4[%dma_start3A_37] : memref<88xf32, #tpu.memory_space<hbm>> -> memref<80xf32, #tpu.memory_space<hbm>>
      tpu.enqueue_dma source(%dma_start3A_38 : memref<80xf32, #tpu.memory_space<hbm>>) target(%arg8 : memref<80xf32, #tpu.memory_space<vmem>>) target_semaphore(%run_scoped3A : memref<!tpu.dma_semaphore, #tpu.memory_space<semaphore_mem>>)
      %dma_wait3A_39 = arith.constant 0 : i32
      %dma_wait3A_40 = tpu.memref_slice %arg4[%dma_wait3A_39] : memref<88xf32, #tpu.memory_space<hbm>> -> memref<80xf32, #tpu.memory_space<hbm>>
      %dma_wait3A_41 = arith.constant 0 : i32
      %dma_wait3A_42 = tpu.memref_slice %arg4[%dma_wait3A_41] : memref<88xf32, #tpu.memory_space<hbm>> -> memref<80xf32, #tpu.memory_space<hbm>>
      tpu.wait_dma2 semaphore(%run_scoped3A : memref<!tpu.dma_semaphore, #tpu.memory_space<semaphore_mem>>) src(%dma_wait3A_42 : memref<80xf32, #tpu.memory_space<hbm>>) dst(%arg8 : memref<80xf32, #tpu.memory_space<vmem>>)
      tpu.yield
    }) : () -> ()
    %barrier3A = arith.constant 0 : index
    tpu.barrier barrier_id(%barrier3A)
    %mul3A_3 = arith.constant 16 : i32
    %mul3A_4 = arith.muli %arg0, %mul3A_3 : i32
    %add3A = arith.addi %mul3A_4, %arg1 : i32
    %mul3A_5 = arith.constant 10000 : i32
    %mul3A_6 = arith.muli %add3A, %mul3A_5 : i32
    %add3A_7 = arith.constant 0 : i32
    %add3A_8 = arith.addi %mul3A_6, %add3A_7 : i32
    %dma_start3A = tpu.memref_slice %arg2[%add3A_8] : memref<320000xi32, #tpu.memory_space<hbm>> -> memref<80xi32, #tpu.memory_space<hbm>>
    %dma_start3A_9 = tpu.memref_slice %arg2[%add3A_8] : memref<320000xi32, #tpu.memory_space<hbm>> -> memref<80xi32, #tpu.memory_space<hbm>>
    tpu.enqueue_dma source(%dma_start3A_9 : memref<80xi32, #tpu.memory_space<hbm>>) target(%arg6 : memref<80xi32, #tpu.memory_space<vmem>>) target_semaphore(%arg11 : memref<!tpu.dma_semaphore, #tpu.memory_space<semaphore_mem>>)
    %add3A_10 = arith.constant 80 : i32
    %add3A_11 = arith.addi %mul3A_6, %add3A_10 : i32
    %dma_start3A_12 = tpu.memref_slice %arg2[%add3A_11] : memref<320000xi32, #tpu.memory_space<hbm>> -> memref<80xi32, #tpu.memory_space<hbm>>
    %dma_start3A_13 = tpu.memref_slice %arg2[%add3A_11] : memref<320000xi32, #tpu.memory_space<hbm>> -> memref<80xi32, #tpu.memory_space<hbm>>
    tpu.enqueue_dma source(%dma_start3A_13 : memref<80xi32, #tpu.memory_space<hbm>>) target(%arg7 : memref<80xi32, #tpu.memory_space<vmem>>) target_semaphore(%arg12 : memref<!tpu.dma_semaphore, #tpu.memory_space<semaphore_mem>>)
    %scan3A = arith.constant 0 : i32
    %scan3A_14 = arith.constant 0 : i32
    %scan3A_15 = arith.constant 62 : i32
    %scan3A_16 = arith.addi %scan3A_14, %scan3A_15 : i32
    %scan3A_17 = arith.constant 1 : i32
    scf.for %scan3A_35 = %scan3A_14 to %scan3A_16 step %scan3A_17  : i32 {
      %mul3A_36 = arith.constant 2 : i32
      %mul3A_37 = arith.muli %mul3A_36, %scan3A_35 : i32
      %add3A_38 = arith.constant 0 : i32
      %add3A_39 = arith.addi %mul3A_37, %add3A_38 : i32
      %mul3A_40 = arith.constant 80 : i32
      %mul3A_41 = arith.muli %add3A_39, %mul3A_40 : i32
      %add3A_42 = arith.addi %mul3A_6, %mul3A_41 : i32
      %dma_wait3A_43 = tpu.memref_slice %arg2[%add3A_42] : memref<320000xi32, #tpu.memory_space<hbm>> -> memref<80xi32, #tpu.memory_space<hbm>>
      %dma_wait3A_44 = tpu.memref_slice %arg2[%add3A_42] : memref<320000xi32, #tpu.memory_space<hbm>> -> memref<80xi32, #tpu.memory_space<hbm>>
      tpu.wait_dma2 semaphore(%arg11 : memref<!tpu.dma_semaphore, #tpu.memory_space<semaphore_mem>>) src(%dma_wait3A_44 : memref<80xi32, #tpu.memory_space<hbm>>) dst(%arg6 : memref<80xi32, #tpu.memory_space<vmem>>)
      "tpu.region"() ({
        %run_scoped3A = tpu.sem_alloc : memref<!tpu.dma_semaphore, #tpu.memory_space<semaphore_mem>>
        %dma_start3A_67 = arith.constant 0 : i32
        %dma_start3A_68 = tpu.memref_slice %arg10[%dma_start3A_67] : memref<10000xf32, #tpu.memory_space<vmem_shared>> -> memref<10000xf32, #tpu.memory_space<vmem_shared>>
        tpu.enqueue_indirect_dma source(%arg8 : memref<80xf32, #tpu.memory_space<vmem>>) target(%dma_start3A_68 : memref<10000xf32, #tpu.memory_space<vmem_shared>>) offsets(%arg6 : memref<80xi32, #tpu.memory_space<vmem>>) semaphore(%run_scoped3A : memref<!tpu.dma_semaphore, #tpu.memory_space<semaphore_mem>>) {add = true}
        %dma_wait3A_69 = arith.constant 0 : i32
        %dma_wait3A_70 = tpu.memref_slice %arg10[%dma_wait3A_69] : memref<10000xf32, #tpu.memory_space<vmem_shared>> -> memref<10000xf32, #tpu.memory_space<vmem_shared>>
        tpu.wait_indirect_dma semaphore(%run_scoped3A : memref<!tpu.dma_semaphore, #tpu.memory_space<semaphore_mem>>) src(%arg8 : memref<80xf32, #tpu.memory_space<vmem>>) dst(%dma_wait3A_70 : memref<10000xf32, #tpu.memory_space<vmem_shared>>)
        tpu.yield
      }) : () -> ()
      %add3A_45 = arith.constant 2 : i32
      %add3A_46 = arith.addi %add3A_39, %add3A_45 : i32
      %lt3A = arith.constant 125 : i32
      %lt3A_47 = arith.cmpi slt, %add3A_46, %lt3A : i32
      %convert_element_type3A_48 = arith.extui %lt3A_47 : i1 to i32
      %cond3A_49 = arith.constant 0 : i32
      %cond3A_50 = arith.cmpi ne, %convert_element_type3A_48, %cond3A_49 : i32
      scf.if %cond3A_50 {
        %add3A_67 = arith.constant 2 : i32
        %add3A_68 = arith.addi %add3A_39, %add3A_67 : i32
        %mul3A_69 = arith.constant 80 : i32
        %mul3A_70 = arith.muli %add3A_68, %mul3A_69 : i32
        %add3A_71 = arith.addi %mul3A_6, %mul3A_70 : i32
        %dma_start3A_72 = tpu.memref_slice %arg2[%add3A_71] : memref<320000xi32, #tpu.memory_space<hbm>> -> memref<80xi32, #tpu.memory_space<hbm>>
        %dma_start3A_73 = tpu.memref_slice %arg2[%add3A_71] : memref<320000xi32, #tpu.memory_space<hbm>> -> memref<80xi32, #tpu.memory_space<hbm>>
        tpu.enqueue_dma source(%dma_start3A_73 : memref<80xi32, #tpu.memory_space<hbm>>) target(%arg6 : memref<80xi32, #tpu.memory_space<vmem>>) target_semaphore(%arg11 : memref<!tpu.dma_semaphore, #tpu.memory_space<semaphore_mem>>)
      } else {
      }
      %mul3A_51 = arith.constant 2 : i32
      %mul3A_52 = arith.muli %mul3A_51, %scan3A_35 : i32
      %add3A_53 = arith.constant 1 : i32
      %add3A_54 = arith.addi %mul3A_52, %add3A_53 : i32
      %mul3A_55 = arith.constant 80 : i32
      %mul3A_56 = arith.muli %add3A_54, %mul3A_55 : i32
      %add3A_57 = arith.addi %mul3A_6, %mul3A_56 : i32
      %dma_wait3A_58 = tpu.memref_slice %arg2[%add3A_57] : memref<320000xi32, #tpu.memory_space<hbm>> -> memref<80xi32, #tpu.memory_space<hbm>>
      %dma_wait3A_59 = tpu.memref_slice %arg2[%add3A_57] : memref<320000xi32, #tpu.memory_space<hbm>> -> memref<80xi32, #tpu.memory_space<hbm>>
      tpu.wait_dma2 semaphore(%arg12 : memref<!tpu.dma_semaphore, #tpu.memory_space<semaphore_mem>>) src(%dma_wait3A_59 : memref<80xi32, #tpu.memory_space<hbm>>) dst(%arg7 : memref<80xi32, #tpu.memory_space<vmem>>)
      "tpu.region"() ({
        %run_scoped3A = tpu.sem_alloc : memref<!tpu.dma_semaphore, #tpu.memory_space<semaphore_mem>>
        %dma_start3A_67 = arith.constant 0 : i32
        %dma_start3A_68 = tpu.memref_slice %arg10[%dma_start3A_67] : memref<10000xf32, #tpu.memory_space<vmem_shared>> -> memref<10000xf32, #tpu.memory_space<vmem_shared>>
        tpu.enqueue_indirect_dma source(%arg8 : memref<80xf32, #tpu.memory_space<vmem>>) target(%dma_start3A_68 : memref<10000xf32, #tpu.memory_space<vmem_shared>>) offsets(%arg7 : memref<80xi32, #tpu.memory_space<vmem>>) semaphore(%run_scoped3A : memref<!tpu.dma_semaphore, #tpu.memory_space<semaphore_mem>>) {add = true}
        %dma_wait3A_69 = arith.constant 0 : i32
        %dma_wait3A_70 = tpu.memref_slice %arg10[%dma_wait3A_69] : memref<10000xf32, #tpu.memory_space<vmem_shared>> -> memref<10000xf32, #tpu.memory_space<vmem_shared>>
        tpu.wait_indirect_dma semaphore(%run_scoped3A : memref<!tpu.dma_semaphore, #tpu.memory_space<semaphore_mem>>) src(%arg8 : memref<80xf32, #tpu.memory_space<vmem>>) dst(%dma_wait3A_70 : memref<10000xf32, #tpu.memory_space<vmem_shared>>)
        tpu.yield
      }) : () -> ()
      %add3A_60 = arith.constant 2 : i32
      %add3A_61 = arith.addi %add3A_54, %add3A_60 : i32
      %lt3A_62 = arith.constant 125 : i32
      %lt3A_63 = arith.cmpi slt, %add3A_61, %lt3A_62 : i32
      %convert_element_type3A_64 = arith.extui %lt3A_63 : i1 to i32
      %cond3A_65 = arith.constant 0 : i32
      %cond3A_66 = arith.cmpi ne, %convert_element_type3A_64, %cond3A_65 : i32
      scf.if %cond3A_66 {
        %add3A_67 = arith.constant 2 : i32
        %add3A_68 = arith.addi %add3A_54, %add3A_67 : i32
        %mul3A_69 = arith.constant 80 : i32
        %mul3A_70 = arith.muli %add3A_68, %mul3A_69 : i32
        %add3A_71 = arith.addi %mul3A_6, %mul3A_70 : i32
        %dma_start3A_72 = tpu.memref_slice %arg2[%add3A_71] : memref<320000xi32, #tpu.memory_space<hbm>> -> memref<80xi32, #tpu.memory_space<hbm>>
        %dma_start3A_73 = tpu.memref_slice %arg2[%add3A_71] : memref<320000xi32, #tpu.memory_space<hbm>> -> memref<80xi32, #tpu.memory_space<hbm>>
        tpu.enqueue_dma source(%dma_start3A_73 : memref<80xi32, #tpu.memory_space<hbm>>) target(%arg7 : memref<80xi32, #tpu.memory_space<vmem>>) target_semaphore(%arg12 : memref<!tpu.dma_semaphore, #tpu.memory_space<semaphore_mem>>)
      } else {
      }
    }
    %scan3A_18 = arith.constant 62 : i32
    %add3A_19 = arith.constant 9920 : i32
    %add3A_20 = arith.addi %mul3A_6, %add3A_19 : i32
    %dma_wait3A = tpu.memref_slice %arg2[%add3A_20] : memref<320000xi32, #tpu.memory_space<hbm>> -> memref<80xi32, #tpu.memory_space<hbm>>
    %dma_wait3A_21 = tpu.memref_slice %arg2[%add3A_20] : memref<320000xi32, #tpu.memory_space<hbm>> -> memref<80xi32, #tpu.memory_space<hbm>>
    tpu.wait_dma2 semaphore(%arg11 : memref<!tpu.dma_semaphore, #tpu.memory_space<semaphore_mem>>) src(%dma_wait3A_21 : memref<80xi32, #tpu.memory_space<hbm>>) dst(%arg6 : memref<80xi32, #tpu.memory_space<vmem>>)
    "tpu.region"() ({
      %run_scoped3A = tpu.sem_alloc : memref<!tpu.dma_semaphore, #tpu.memory_space<semaphore_mem>>
      %dma_start3A_35 = arith.constant 0 : i32
      %dma_start3A_36 = tpu.memref_slice %arg10[%dma_start3A_35] : memref<10000xf32, #tpu.memory_space<vmem_shared>> -> memref<10000xf32, #tpu.memory_space<vmem_shared>>
      tpu.enqueue_indirect_dma source(%arg8 : memref<80xf32, #tpu.memory_space<vmem>>) target(%dma_start3A_36 : memref<10000xf32, #tpu.memory_space<vmem_shared>>) offsets(%arg6 : memref<80xi32, #tpu.memory_space<vmem>>) semaphore(%run_scoped3A : memref<!tpu.dma_semaphore, #tpu.memory_space<semaphore_mem>>) {add = true}
      %dma_wait3A_37 = arith.constant 0 : i32
      %dma_wait3A_38 = tpu.memref_slice %arg10[%dma_wait3A_37] : memref<10000xf32, #tpu.memory_space<vmem_shared>> -> memref<10000xf32, #tpu.memory_space<vmem_shared>>
      tpu.wait_indirect_dma semaphore(%run_scoped3A : memref<!tpu.dma_semaphore, #tpu.memory_space<semaphore_mem>>) src(%arg8 : memref<80xf32, #tpu.memory_space<vmem>>) dst(%dma_wait3A_38 : memref<10000xf32, #tpu.memory_space<vmem_shared>>)
      tpu.yield
    }) : () -> ()
    %barrier3A_22 = arith.constant 0 : index
    tpu.barrier barrier_id(%barrier3A_22)
    %mul3A_23 = arith.constant 624 : i32
    %mul3A_24 = arith.muli %arg1, %mul3A_23 : i32
    "tpu.region"() ({
      %run_scoped3A = tpu.sem_alloc : memref<!tpu.dma_semaphore, #tpu.memory_space<semaphore_mem>>
      %dma_start3A_35 = tpu.memref_slice %arg10[%mul3A_24] : memref<10000xf32, #tpu.memory_space<vmem_shared>> -> memref<624xf32, #tpu.memory_space<vmem_shared>>
      %dma_start3A_36 = tpu.memref_slice %arg10[%mul3A_24] : memref<10000xf32, #tpu.memory_space<vmem_shared>> -> memref<624xf32, #tpu.memory_space<vmem_shared>>
      tpu.enqueue_dma source(%dma_start3A_36 : memref<624xf32, #tpu.memory_space<vmem_shared>>) target(%arg9 : memref<624xf32, #tpu.memory_space<vmem>>) target_semaphore(%run_scoped3A : memref<!tpu.dma_semaphore, #tpu.memory_space<semaphore_mem>>)
      %dma_wait3A_37 = tpu.memref_slice %arg10[%mul3A_24] : memref<10000xf32, #tpu.memory_space<vmem_shared>> -> memref<624xf32, #tpu.memory_space<vmem_shared>>
      %dma_wait3A_38 = tpu.memref_slice %arg10[%mul3A_24] : memref<10000xf32, #tpu.memory_space<vmem_shared>> -> memref<624xf32, #tpu.memory_space<vmem_shared>>
      tpu.wait_dma2 semaphore(%run_scoped3A : memref<!tpu.dma_semaphore, #tpu.memory_space<semaphore_mem>>) src(%dma_wait3A_38 : memref<624xf32, #tpu.memory_space<vmem_shared>>) dst(%arg9 : memref<624xf32, #tpu.memory_space<vmem>>)
      tpu.yield
    }) : () -> ()
    %mul3A_25 = arith.constant 10000 : i32
    %mul3A_26 = arith.muli %arg0, %mul3A_25 : i32
    %mul3A_27 = arith.constant 624 : i32
    %mul3A_28 = arith.muli %arg1, %mul3A_27 : i32
    %add3A_29 = arith.addi %mul3A_26, %mul3A_28 : i32
    "tpu.region"() ({
      %run_scoped3A = tpu.sem_alloc : memref<!tpu.dma_semaphore, #tpu.memory_space<semaphore_mem>>
      %dma_start3A_35 = tpu.memref_slice %arg5[%add3A_29] : memref<20000xf32, #tpu.memory_space<hbm>> -> memref<624xf32, #tpu.memory_space<hbm>>
      %dma_start3A_36 = tpu.memref_slice %arg5[%add3A_29] : memref<20000xf32, #tpu.memory_space<hbm>> -> memref<624xf32, #tpu.memory_space<hbm>>
      tpu.enqueue_dma source(%arg9 : memref<624xf32, #tpu.memory_space<vmem>>) target(%dma_start3A_36 : memref<624xf32, #tpu.memory_space<hbm>>) target_semaphore(%run_scoped3A : memref<!tpu.dma_semaphore, #tpu.memory_space<semaphore_mem>>)
      %dma_wait3A_37 = tpu.memref_slice %arg5[%add3A_29] : memref<20000xf32, #tpu.memory_space<hbm>> -> memref<624xf32, #tpu.memory_space<hbm>>
      %dma_wait3A_38 = tpu.memref_slice %arg5[%add3A_29] : memref<20000xf32, #tpu.memory_space<hbm>> -> memref<624xf32, #tpu.memory_space<hbm>>
      tpu.wait_dma2 semaphore(%run_scoped3A : memref<!tpu.dma_semaphore, #tpu.memory_space<semaphore_mem>>) src(%arg9 : memref<624xf32, #tpu.memory_space<vmem>>) dst(%dma_wait3A_38 : memref<624xf32, #tpu.memory_space<hbm>>)
      tpu.yield
    }) : () -> ()
    %eq3A_30 = arith.constant 0 : i32
    %eq3A_31 = arith.cmpi eq, %arg1, %eq3A_30 : i32
    %convert_element_type3A_32 = arith.extui %eq3A_31 : i1 to i32
    %cond3A_33 = arith.constant 0 : i32
    %cond3A_34 = arith.cmpi ne, %convert_element_type3A_32, %cond3A_33 : i32
    scf.if %cond3A_34 {
      "tpu.region"() ({
        %run_scoped3A = tpu.sem_alloc : memref<!tpu.dma_semaphore, #tpu.memory_space<semaphore_mem>>
        %dma_start3A_39 = arith.constant 0 : i32
        %dma_start3A_40 = tpu.memref_slice %arg8[%dma_start3A_39] : memref<80xf32, #tpu.memory_space<vmem>> -> memref<16xf32, #tpu.memory_space<vmem>>
        %dma_start3A_41 = arith.constant 9984 : i32
        %dma_start3A_42 = tpu.memref_slice %arg10[%dma_start3A_41] : memref<10000xf32, #tpu.memory_space<vmem_shared>> -> memref<16xf32, #tpu.memory_space<vmem_shared>>
        %dma_start3A_43 = arith.constant 0 : i32
        %dma_start3A_44 = tpu.memref_slice %arg8[%dma_start3A_43] : memref<80xf32, #tpu.memory_space<vmem>> -> memref<16xf32, #tpu.memory_space<vmem>>
        %dma_start3A_45 = arith.constant 9984 : i32
        %dma_start3A_46 = tpu.memref_slice %arg10[%dma_start3A_45] : memref<10000xf32, #tpu.memory_space<vmem_shared>> -> memref<16xf32, #tpu.memory_space<vmem_shared>>
        tpu.enqueue_dma source(%dma_start3A_46 : memref<16xf32, #tpu.memory_space<vmem_shared>>) target(%dma_start3A_44 : memref<16xf32, #tpu.memory_space<vmem>>) target_semaphore(%run_scoped3A : memref<!tpu.dma_semaphore, #tpu.memory_space<semaphore_mem>>)
        %dma_wait3A_47 = arith.constant 0 : i32
        %dma_wait3A_48 = tpu.memref_slice %arg8[%dma_wait3A_47] : memref<80xf32, #tpu.memory_space<vmem>> -> memref<16xf32, #tpu.memory_space<vmem>>
        %dma_wait3A_49 = arith.constant 9984 : i32
        %dma_wait3A_50 = tpu.memref_slice %arg10[%dma_wait3A_49] : memref<10000xf32, #tpu.memory_space<vmem_shared>> -> memref<16xf32, #tpu.memory_space<vmem_shared>>
        %dma_wait3A_51 = arith.constant 0 : i32
        %dma_wait3A_52 = tpu.memref_slice %arg8[%dma_wait3A_51] : memref<80xf32, #tpu.memory_space<vmem>> -> memref<16xf32, #tpu.memory_space<vmem>>
        %dma_wait3A_53 = arith.constant 9984 : i32
        %dma_wait3A_54 = tpu.memref_slice %arg10[%dma_wait3A_53] : memref<10000xf32, #tpu.memory_space<vmem_shared>> -> memref<16xf32, #tpu.memory_space<vmem_shared>>
        tpu.wait_dma2 semaphore(%run_scoped3A : memref<!tpu.dma_semaphore, #tpu.memory_space<semaphore_mem>>) src(%dma_wait3A_54 : memref<16xf32, #tpu.memory_space<vmem_shared>>) dst(%dma_wait3A_52 : memref<16xf32, #tpu.memory_space<vmem>>)
        tpu.yield
      }) : () -> ()
      %mul3A_35 = arith.constant 10000 : i32
      %mul3A_36 = arith.muli %arg0, %mul3A_35 : i32
      %add3A_37 = arith.constant 9984 : i32
      %add3A_38 = arith.addi %mul3A_36, %add3A_37 : i32
      "tpu.region"() ({
        %run_scoped3A = tpu.sem_alloc : memref<!tpu.dma_semaphore, #tpu.memory_space<semaphore_mem>>
        %dma_start3A_39 = arith.constant 0 : i32
        %dma_start3A_40 = tpu.memref_slice %arg8[%dma_start3A_39] : memref<80xf32, #tpu.memory_space<vmem>> -> memref<16xf32, #tpu.memory_space<vmem>>
        %dma_start3A_41 = tpu.memref_slice %arg5[%add3A_38] : memref<20000xf32, #tpu.memory_space<hbm>> -> memref<16xf32, #tpu.memory_space<hbm>>
        %dma_start3A_42 = tpu.memref_slice %arg5[%add3A_38] : memref<20000xf32, #tpu.memory_space<hbm>> -> memref<16xf32, #tpu.memory_space<hbm>>
        %dma_start3A_43 = arith.constant 0 : i32
        %dma_start3A_44 = tpu.memref_slice %arg8[%dma_start3A_43] : memref<80xf32, #tpu.memory_space<vmem>> -> memref<16xf32, #tpu.memory_space<vmem>>
        tpu.enqueue_dma source(%dma_start3A_44 : memref<16xf32, #tpu.memory_space<vmem>>) target(%dma_start3A_42 : memref<16xf32, #tpu.memory_space<hbm>>) target_semaphore(%run_scoped3A : memref<!tpu.dma_semaphore, #tpu.memory_space<semaphore_mem>>)
        %dma_wait3A_45 = arith.constant 0 : i32
        %dma_wait3A_46 = tpu.memref_slice %arg8[%dma_wait3A_45] : memref<80xf32, #tpu.memory_space<vmem>> -> memref<16xf32, #tpu.memory_space<vmem>>
        %dma_wait3A_47 = tpu.memref_slice %arg5[%add3A_38] : memref<20000xf32, #tpu.memory_space<hbm>> -> memref<16xf32, #tpu.memory_space<hbm>>
        %dma_wait3A_48 = tpu.memref_slice %arg5[%add3A_38] : memref<20000xf32, #tpu.memory_space<hbm>> -> memref<16xf32, #tpu.memory_space<hbm>>
        %dma_wait3A_49 = arith.constant 0 : i32
        %dma_wait3A_50 = tpu.memref_slice %arg8[%dma_wait3A_49] : memref<80xf32, #tpu.memory_space<vmem>> -> memref<16xf32, #tpu.memory_space<vmem>>
        tpu.wait_dma2 semaphore(%run_scoped3A : memref<!tpu.dma_semaphore, #tpu.memory_space<semaphore_mem>>) src(%dma_wait3A_50 : memref<16xf32, #tpu.memory_space<vmem>>) dst(%dma_wait3A_48 : memref<16xf32, #tpu.memory_space<hbm>>)
        tpu.yield
      }) : () -> ()
    } else {
    }
    return
  }
}

#map = affine_map<(d0, d1) -> (0, 0)>
#map1 = affine_map<(d0, d1) -> (0)>
#map2 = affine_map<(d0, d1) -> (0, 0, 0)>
module attributes {stable_mosaic.version = 14 : i64} {
  func.func @k(%arg0: i32, %arg1: i32, %arg2: memref<10000x128xf32, #tpu.memory_space<hbm>>, %arg3: memref<320000xi32, #tpu.memory_space<hbm>>, %arg4: memref<320000xi32, #tpu.memory_space<hbm>>, %arg5: memref<208x128xf32, #tpu.memory_space<hbm>>, %arg6: memref<2x10000x128xf32, #tpu.memory_space<hbm>>, %arg7: memref<80xi32, #tpu.memory_space<vmem>>, %arg8: memref<80xi32, #tpu.memory_space<vmem>>, %arg9: memref<80xi32, #tpu.memory_space<vmem>>, %arg10: memref<80xi32, #tpu.memory_space<vmem>>, %arg11: memref<80x128xf32, #tpu.memory_space<vmem>>, %arg12: memref<80x128xf32, #tpu.memory_space<vmem>>, %arg13: memref<10008x128xf32, #tpu.memory_space<vmem_shared>>, %arg14: memref<!tpu.dma_semaphore, #tpu.memory_space<semaphore_mem>>, %arg15: memref<!tpu.dma_semaphore, #tpu.memory_space<semaphore_mem>>, %arg16: memref<!tpu.dma_semaphore, #tpu.memory_space<semaphore_mem>>, %arg17: memref<!tpu.dma_semaphore, #tpu.memory_space<semaphore_mem>>) attributes {dimension_semantics = [#tpu.dimension_semantics<core_parallel>, #tpu.dimension_semantics<subcore_parallel>], iteration_bounds = array<i64: 2, 16>, scalar_prefetch = 0 : i64, scratch_operands = 11 : i64, tpu.core_type = #tpu.core_type<sc_vector_subcore>, window_params = [{transform_indices = #map}, {transform_indices = #map1}, {transform_indices = #map1}, {transform_indices = #map}, {transform_indices = #map2}]} {
    %mul3A = arith.constant 16 : i32
    %mul3A_0 = arith.muli %arg0, %mul3A : i32
    %add3A = arith.addi %mul3A_0, %arg1 : i32
    %mul3A_1 = arith.constant 10000 : i32
    %mul3A_2 = arith.muli %add3A, %mul3A_1 : i32
    %mul3A_3 = arith.constant 624 : i32
    %mul3A_4 = arith.muli %arg1, %mul3A_3 : i32
    %add3A_5 = arith.constant 0 : i32
    %add3A_6 = arith.addi %mul3A_4, %add3A_5 : i32
    "tpu.region"() ({
      %run_scoped3A = tpu.sem_alloc : memref<!tpu.dma_semaphore, #tpu.memory_space<semaphore_mem>>
      %dma_start3A_54 = arith.constant 0 : i32
      %dma_start3A_55 = tpu.memref_slice %arg13[%add3A_6, %dma_start3A_54] : memref<10008x128xf32, #tpu.memory_space<vmem_shared>> -> memref<208x128xf32, #tpu.memory_space<vmem_shared>>
      tpu.enqueue_dma source(%arg5 : memref<208x128xf32, #tpu.memory_space<hbm>>) target(%dma_start3A_55 : memref<208x128xf32, #tpu.memory_space<vmem_shared>>) target_semaphore(%run_scoped3A : memref<!tpu.dma_semaphore, #tpu.memory_space<semaphore_mem>>)
      %dma_wait3A_56 = arith.constant 0 : i32
      %dma_wait3A_57 = tpu.memref_slice %arg13[%add3A_6, %dma_wait3A_56] : memref<10008x128xf32, #tpu.memory_space<vmem_shared>> -> memref<208x128xf32, #tpu.memory_space<vmem_shared>>
      tpu.wait_dma2 semaphore(%run_scoped3A : memref<!tpu.dma_semaphore, #tpu.memory_space<semaphore_mem>>) src(%arg5 : memref<208x128xf32, #tpu.memory_space<hbm>>) dst(%dma_wait3A_57 : memref<208x128xf32, #tpu.memory_space<vmem_shared>>)
      tpu.yield
    }) : () -> ()
    %mul3A_7 = arith.constant 624 : i32
    %mul3A_8 = arith.muli %arg1, %mul3A_7 : i32
    %add3A_9 = arith.constant 208 : i32
    %add3A_10 = arith.addi %mul3A_8, %add3A_9 : i32
    "tpu.region"() ({
      %run_scoped3A = tpu.sem_alloc : memref<!tpu.dma_semaphore, #tpu.memory_space<semaphore_mem>>
      %dma_start3A_54 = arith.constant 0 : i32
      %dma_start3A_55 = tpu.memref_slice %arg13[%add3A_10, %dma_start3A_54] : memref<10008x128xf32, #tpu.memory_space<vmem_shared>> -> memref<208x128xf32, #tpu.memory_space<vmem_shared>>
      tpu.enqueue_dma source(%arg5 : memref<208x128xf32, #tpu.memory_space<hbm>>) target(%dma_start3A_55 : memref<208x128xf32, #tpu.memory_space<vmem_shared>>) target_semaphore(%run_scoped3A : memref<!tpu.dma_semaphore, #tpu.memory_space<semaphore_mem>>)
      %dma_wait3A_56 = arith.constant 0 : i32
      %dma_wait3A_57 = tpu.memref_slice %arg13[%add3A_10, %dma_wait3A_56] : memref<10008x128xf32, #tpu.memory_space<vmem_shared>> -> memref<208x128xf32, #tpu.memory_space<vmem_shared>>
      tpu.wait_dma2 semaphore(%run_scoped3A : memref<!tpu.dma_semaphore, #tpu.memory_space<semaphore_mem>>) src(%arg5 : memref<208x128xf32, #tpu.memory_space<hbm>>) dst(%dma_wait3A_57 : memref<208x128xf32, #tpu.memory_space<vmem_shared>>)
      tpu.yield
    }) : () -> ()
    %mul3A_11 = arith.constant 624 : i32
    %mul3A_12 = arith.muli %arg1, %mul3A_11 : i32
    %add3A_13 = arith.constant 416 : i32
    %add3A_14 = arith.addi %mul3A_12, %add3A_13 : i32
    "tpu.region"() ({
      %run_scoped3A = tpu.sem_alloc : memref<!tpu.dma_semaphore, #tpu.memory_space<semaphore_mem>>
      %dma_start3A_54 = arith.constant 0 : i32
      %dma_start3A_55 = tpu.memref_slice %arg13[%add3A_14, %dma_start3A_54] : memref<10008x128xf32, #tpu.memory_space<vmem_shared>> -> memref<208x128xf32, #tpu.memory_space<vmem_shared>>
      tpu.enqueue_dma source(%arg5 : memref<208x128xf32, #tpu.memory_space<hbm>>) target(%dma_start3A_55 : memref<208x128xf32, #tpu.memory_space<vmem_shared>>) target_semaphore(%run_scoped3A : memref<!tpu.dma_semaphore, #tpu.memory_space<semaphore_mem>>)
      %dma_wait3A_56 = arith.constant 0 : i32
      %dma_wait3A_57 = tpu.memref_slice %arg13[%add3A_14, %dma_wait3A_56] : memref<10008x128xf32, #tpu.memory_space<vmem_shared>> -> memref<208x128xf32, #tpu.memory_space<vmem_shared>>
      tpu.wait_dma2 semaphore(%run_scoped3A : memref<!tpu.dma_semaphore, #tpu.memory_space<semaphore_mem>>) src(%arg5 : memref<208x128xf32, #tpu.memory_space<hbm>>) dst(%dma_wait3A_57 : memref<208x128xf32, #tpu.memory_space<vmem_shared>>)
      tpu.yield
    }) : () -> ()
    %eq3A = arith.constant 0 : i32
    %eq3A_15 = arith.cmpi eq, %arg1, %eq3A : i32
    %convert_element_type3A = arith.extui %eq3A_15 : i1 to i32
    %cond3A = arith.constant 0 : i32
    %cond3A_16 = arith.cmpi ne, %convert_element_type3A, %cond3A : i32
    scf.if %cond3A_16 {
      "tpu.region"() ({
        %run_scoped3A = tpu.sem_alloc : memref<!tpu.dma_semaphore, #tpu.memory_space<semaphore_mem>>
        %dma_start3A_54 = arith.constant 9984 : i32
        %dma_start3A_55 = arith.constant 0 : i32
        %dma_start3A_56 = tpu.memref_slice %arg13[%dma_start3A_54, %dma_start3A_55] : memref<10008x128xf32, #tpu.memory_space<vmem_shared>> -> memref<24x128xf32, #tpu.memory_space<vmem_shared>>
        %dma_start3A_57 = arith.constant 0 : i32
        %dma_start3A_58 = arith.constant 0 : i32
        %dma_start3A_59 = tpu.memref_slice %arg5[%dma_start3A_57, %dma_start3A_58] : memref<208x128xf32, #tpu.memory_space<hbm>> -> memref<24x128xf32, #tpu.memory_space<hbm>>
        tpu.enqueue_dma source(%dma_start3A_59 : memref<24x128xf32, #tpu.memory_space<hbm>>) target(%dma_start3A_56 : memref<24x128xf32, #tpu.memory_space<vmem_shared>>) target_semaphore(%run_scoped3A : memref<!tpu.dma_semaphore, #tpu.memory_space<semaphore_mem>>)
        %dma_wait3A_60 = arith.constant 9984 : i32
        %dma_wait3A_61 = arith.constant 0 : i32
        %dma_wait3A_62 = tpu.memref_slice %arg13[%dma_wait3A_60, %dma_wait3A_61] : memref<10008x128xf32, #tpu.memory_space<vmem_shared>> -> memref<24x128xf32, #tpu.memory_space<vmem_shared>>
        %dma_wait3A_63 = arith.constant 0 : i32
        %dma_wait3A_64 = arith.constant 0 : i32
        %dma_wait3A_65 = tpu.memref_slice %arg5[%dma_wait3A_63, %dma_wait3A_64] : memref<208x128xf32, #tpu.memory_space<hbm>> -> memref<24x128xf32, #tpu.memory_space<hbm>>
        tpu.wait_dma2 semaphore(%run_scoped3A : memref<!tpu.dma_semaphore, #tpu.memory_space<semaphore_mem>>) src(%dma_wait3A_65 : memref<24x128xf32, #tpu.memory_space<hbm>>) dst(%dma_wait3A_62 : memref<24x128xf32, #tpu.memory_space<vmem_shared>>)
        tpu.yield
      }) : () -> ()
    } else {
    }
    %barrier3A = arith.constant 0 : index
    tpu.barrier barrier_id(%barrier3A)
    %add3A_17 = arith.constant 0 : i32
    %add3A_18 = arith.addi %mul3A_2, %add3A_17 : i32
    %dma_start3A = tpu.memref_slice %arg3[%add3A_18] : memref<320000xi32, #tpu.memory_space<hbm>> -> memref<80xi32, #tpu.memory_space<hbm>>
    %dma_start3A_19 = tpu.memref_slice %arg3[%add3A_18] : memref<320000xi32, #tpu.memory_space<hbm>> -> memref<80xi32, #tpu.memory_space<hbm>>
    tpu.enqueue_dma source(%dma_start3A_19 : memref<80xi32, #tpu.memory_space<hbm>>) target(%arg7 : memref<80xi32, #tpu.memory_space<vmem>>) target_semaphore(%arg16 : memref<!tpu.dma_semaphore, #tpu.memory_space<semaphore_mem>>)
    %dma_start3A_20 = tpu.memref_slice %arg4[%add3A_18] : memref<320000xi32, #tpu.memory_space<hbm>> -> memref<80xi32, #tpu.memory_space<hbm>>
    %dma_start3A_21 = tpu.memref_slice %arg4[%add3A_18] : memref<320000xi32, #tpu.memory_space<hbm>> -> memref<80xi32, #tpu.memory_space<hbm>>
    tpu.enqueue_dma source(%dma_start3A_21 : memref<80xi32, #tpu.memory_space<hbm>>) target(%arg9 : memref<80xi32, #tpu.memory_space<vmem>>) target_semaphore(%arg16 : memref<!tpu.dma_semaphore, #tpu.memory_space<semaphore_mem>>)
    %add3A_22 = arith.constant 80 : i32
    %add3A_23 = arith.addi %mul3A_2, %add3A_22 : i32
    %dma_start3A_24 = tpu.memref_slice %arg3[%add3A_23] : memref<320000xi32, #tpu.memory_space<hbm>> -> memref<80xi32, #tpu.memory_space<hbm>>
    %dma_start3A_25 = tpu.memref_slice %arg3[%add3A_23] : memref<320000xi32, #tpu.memory_space<hbm>> -> memref<80xi32, #tpu.memory_space<hbm>>
    tpu.enqueue_dma source(%dma_start3A_25 : memref<80xi32, #tpu.memory_space<hbm>>) target(%arg8 : memref<80xi32, #tpu.memory_space<vmem>>) target_semaphore(%arg17 : memref<!tpu.dma_semaphore, #tpu.memory_space<semaphore_mem>>)
    %dma_start3A_26 = tpu.memref_slice %arg4[%add3A_23] : memref<320000xi32, #tpu.memory_space<hbm>> -> memref<80xi32, #tpu.memory_space<hbm>>
    %dma_start3A_27 = tpu.memref_slice %arg4[%add3A_23] : memref<320000xi32, #tpu.memory_space<hbm>> -> memref<80xi32, #tpu.memory_space<hbm>>
    tpu.enqueue_dma source(%dma_start3A_27 : memref<80xi32, #tpu.memory_space<hbm>>) target(%arg10 : memref<80xi32, #tpu.memory_space<vmem>>) target_semaphore(%arg17 : memref<!tpu.dma_semaphore, #tpu.memory_space<semaphore_mem>>)
    %add3A_28 = arith.constant 0 : i32
    %add3A_29 = arith.addi %mul3A_2, %add3A_28 : i32
    %dma_wait3A = tpu.memref_slice %arg3[%add3A_29] : memref<320000xi32, #tpu.memory_space<hbm>> -> memref<80xi32, #tpu.memory_space<hbm>>
    %dma_wait3A_30 = tpu.memref_slice %arg3[%add3A_29] : memref<320000xi32, #tpu.memory_space<hbm>> -> memref<80xi32, #tpu.memory_space<hbm>>
    tpu.wait_dma2 semaphore(%arg16 : memref<!tpu.dma_semaphore, #tpu.memory_space<semaphore_mem>>) src(%dma_wait3A_30 : memref<80xi32, #tpu.memory_space<hbm>>) dst(%arg7 : memref<80xi32, #tpu.memory_space<vmem>>)
    %dma_wait3A_31 = tpu.memref_slice %arg4[%add3A_29] : memref<320000xi32, #tpu.memory_space<hbm>> -> memref<80xi32, #tpu.memory_space<hbm>>
    %dma_wait3A_32 = tpu.memref_slice %arg4[%add3A_29] : memref<320000xi32, #tpu.memory_space<hbm>> -> memref<80xi32, #tpu.memory_space<hbm>>
    tpu.wait_dma2 semaphore(%arg16 : memref<!tpu.dma_semaphore, #tpu.memory_space<semaphore_mem>>) src(%dma_wait3A_32 : memref<80xi32, #tpu.memory_space<hbm>>) dst(%arg9 : memref<80xi32, #tpu.memory_space<vmem>>)
    %dma_start3A_33 = arith.constant 0 : i32
    %dma_start3A_34 = arith.constant 0 : i32
    %dma_start3A_35 = tpu.memref_slice %arg2[%dma_start3A_33, %dma_start3A_34] : memref<10000x128xf32, #tpu.memory_space<hbm>> -> memref<10000x128xf32, #tpu.memory_space<hbm>>
    tpu.enqueue_indirect_dma source(%dma_start3A_35 : memref<10000x128xf32, #tpu.memory_space<hbm>>) target(%arg11 : memref<80x128xf32, #tpu.memory_space<vmem>>) offsets(%arg7 : memref<80xi32, #tpu.memory_space<vmem>>) semaphore(%arg14 : memref<!tpu.dma_semaphore, #tpu.memory_space<semaphore_mem>>)
    %scan3A = arith.constant 0 : i32
    %scan3A_36 = arith.constant 0 : i32
    %scan3A_37 = arith.constant 62 : i32
    %scan3A_38 = arith.addi %scan3A_36, %scan3A_37 : i32
    %scan3A_39 = arith.constant 1 : i32
    scf.for %scan3A_54 = %scan3A_36 to %scan3A_38 step %scan3A_39  : i32 {
      %mul3A_55 = arith.constant 2 : i32
      %mul3A_56 = arith.muli %mul3A_55, %scan3A_54 : i32
      %add3A_57 = arith.constant 0 : i32
      %add3A_58 = arith.addi %mul3A_56, %add3A_57 : i32
      %add3A_59 = arith.constant 1 : i32
      %add3A_60 = arith.addi %add3A_58, %add3A_59 : i32
      %lt3A = arith.constant 125 : i32
      %lt3A_61 = arith.cmpi slt, %add3A_60, %lt3A : i32
      %convert_element_type3A_62 = arith.extui %lt3A_61 : i1 to i32
      %cond3A_63 = arith.constant 0 : i32
      %cond3A_64 = arith.cmpi ne, %convert_element_type3A_62, %cond3A_63 : i32
      scf.if %cond3A_64 {
        %add3A_96 = arith.constant 1 : i32
        %add3A_97 = arith.addi %add3A_58, %add3A_96 : i32
        %mul3A_98 = arith.constant 80 : i32
        %mul3A_99 = arith.muli %add3A_97, %mul3A_98 : i32
        %add3A_100 = arith.addi %mul3A_2, %mul3A_99 : i32
        %dma_wait3A_101 = tpu.memref_slice %arg3[%add3A_100] : memref<320000xi32, #tpu.memory_space<hbm>> -> memref<80xi32, #tpu.memory_space<hbm>>
        %dma_wait3A_102 = tpu.memref_slice %arg3[%add3A_100] : memref<320000xi32, #tpu.memory_space<hbm>> -> memref<80xi32, #tpu.memory_space<hbm>>
        tpu.wait_dma2 semaphore(%arg17 : memref<!tpu.dma_semaphore, #tpu.memory_space<semaphore_mem>>) src(%dma_wait3A_102 : memref<80xi32, #tpu.memory_space<hbm>>) dst(%arg8 : memref<80xi32, #tpu.memory_space<vmem>>)
        %dma_wait3A_103 = tpu.memref_slice %arg4[%add3A_100] : memref<320000xi32, #tpu.memory_space<hbm>> -> memref<80xi32, #tpu.memory_space<hbm>>
        %dma_wait3A_104 = tpu.memref_slice %arg4[%add3A_100] : memref<320000xi32, #tpu.memory_space<hbm>> -> memref<80xi32, #tpu.memory_space<hbm>>
        tpu.wait_dma2 semaphore(%arg17 : memref<!tpu.dma_semaphore, #tpu.memory_space<semaphore_mem>>) src(%dma_wait3A_104 : memref<80xi32, #tpu.memory_space<hbm>>) dst(%arg10 : memref<80xi32, #tpu.memory_space<vmem>>)
        %dma_start3A_105 = arith.constant 0 : i32
        %dma_start3A_106 = arith.constant 0 : i32
        %dma_start3A_107 = tpu.memref_slice %arg2[%dma_start3A_105, %dma_start3A_106] : memref<10000x128xf32, #tpu.memory_space<hbm>> -> memref<10000x128xf32, #tpu.memory_space<hbm>>
        tpu.enqueue_indirect_dma source(%dma_start3A_107 : memref<10000x128xf32, #tpu.memory_space<hbm>>) target(%arg12 : memref<80x128xf32, #tpu.memory_space<vmem>>) offsets(%arg8 : memref<80xi32, #tpu.memory_space<vmem>>) semaphore(%arg15 : memref<!tpu.dma_semaphore, #tpu.memory_space<semaphore_mem>>)
      } else {
      }
      %dma_wait3A_65 = arith.constant 0 : i32
      %dma_wait3A_66 = arith.constant 0 : i32
      %dma_wait3A_67 = tpu.memref_slice %arg2[%dma_wait3A_65, %dma_wait3A_66] : memref<10000x128xf32, #tpu.memory_space<hbm>> -> memref<10000x128xf32, #tpu.memory_space<hbm>>
      tpu.wait_indirect_dma semaphore(%arg14 : memref<!tpu.dma_semaphore, #tpu.memory_space<semaphore_mem>>) src(%dma_wait3A_67 : memref<10000x128xf32, #tpu.memory_space<hbm>>) dst(%arg11 : memref<80x128xf32, #tpu.memory_space<vmem>>)
      "tpu.region"() ({
        %run_scoped3A = tpu.sem_alloc : memref<!tpu.dma_semaphore, #tpu.memory_space<semaphore_mem>>
        %dma_start3A_96 = arith.constant 0 : i32
        %dma_start3A_97 = arith.constant 0 : i32
        %dma_start3A_98 = tpu.memref_slice %arg13[%dma_start3A_96, %dma_start3A_97] : memref<10008x128xf32, #tpu.memory_space<vmem_shared>> -> memref<10008x128xf32, #tpu.memory_space<vmem_shared>>
        tpu.enqueue_indirect_dma source(%arg11 : memref<80x128xf32, #tpu.memory_space<vmem>>) target(%dma_start3A_98 : memref<10008x128xf32, #tpu.memory_space<vmem_shared>>) offsets(%arg9 : memref<80xi32, #tpu.memory_space<vmem>>) semaphore(%run_scoped3A : memref<!tpu.dma_semaphore, #tpu.memory_space<semaphore_mem>>) {add = true}
        %dma_wait3A_99 = arith.constant 0 : i32
        %dma_wait3A_100 = arith.constant 0 : i32
        %dma_wait3A_101 = tpu.memref_slice %arg13[%dma_wait3A_99, %dma_wait3A_100] : memref<10008x128xf32, #tpu.memory_space<vmem_shared>> -> memref<10008x128xf32, #tpu.memory_space<vmem_shared>>
        tpu.wait_indirect_dma semaphore(%run_scoped3A : memref<!tpu.dma_semaphore, #tpu.memory_space<semaphore_mem>>) src(%arg11 : memref<80x128xf32, #tpu.memory_space<vmem>>) dst(%dma_wait3A_101 : memref<10008x128xf32, #tpu.memory_space<vmem_shared>>)
        tpu.yield
      }) : () -> ()
      %add3A_68 = arith.constant 2 : i32
      %add3A_69 = arith.addi %add3A_58, %add3A_68 : i32
      %lt3A_70 = arith.constant 125 : i32
      %lt3A_71 = arith.cmpi slt, %add3A_69, %lt3A_70 : i32
      %convert_element_type3A_72 = arith.extui %lt3A_71 : i1 to i32
      %cond3A_73 = arith.constant 0 : i32
      %cond3A_74 = arith.cmpi ne, %convert_element_type3A_72, %cond3A_73 : i32
      scf.if %cond3A_74 {
        %add3A_96 = arith.constant 2 : i32
        %add3A_97 = arith.addi %add3A_58, %add3A_96 : i32
        %mul3A_98 = arith.constant 80 : i32
        %mul3A_99 = arith.muli %add3A_97, %mul3A_98 : i32
        %add3A_100 = arith.addi %mul3A_2, %mul3A_99 : i32
        %dma_start3A_101 = tpu.memref_slice %arg3[%add3A_100] : memref<320000xi32, #tpu.memory_space<hbm>> -> memref<80xi32, #tpu.memory_space<hbm>>
        %dma_start3A_102 = tpu.memref_slice %arg3[%add3A_100] : memref<320000xi32, #tpu.memory_space<hbm>> -> memref<80xi32, #tpu.memory_space<hbm>>
        tpu.enqueue_dma source(%dma_start3A_102 : memref<80xi32, #tpu.memory_space<hbm>>) target(%arg7 : memref<80xi32, #tpu.memory_space<vmem>>) target_semaphore(%arg16 : memref<!tpu.dma_semaphore, #tpu.memory_space<semaphore_mem>>)
        %dma_start3A_103 = tpu.memref_slice %arg4[%add3A_100] : memref<320000xi32, #tpu.memory_space<hbm>> -> memref<80xi32, #tpu.memory_space<hbm>>
        %dma_start3A_104 = tpu.memref_slice %arg4[%add3A_100] : memref<320000xi32, #tpu.memory_space<hbm>> -> memref<80xi32, #tpu.memory_space<hbm>>
        tpu.enqueue_dma source(%dma_start3A_104 : memref<80xi32, #tpu.memory_space<hbm>>) target(%arg9 : memref<80xi32, #tpu.memory_space<vmem>>) target_semaphore(%arg16 : memref<!tpu.dma_semaphore, #tpu.memory_space<semaphore_mem>>)
      } else {
      }
      %mul3A_75 = arith.constant 2 : i32
      %mul3A_76 = arith.muli %mul3A_75, %scan3A_54 : i32
      %add3A_77 = arith.constant 1 : i32
      %add3A_78 = arith.addi %mul3A_76, %add3A_77 : i32
      %add3A_79 = arith.constant 1 : i32
      %add3A_80 = arith.addi %add3A_78, %add3A_79 : i32
      %lt3A_81 = arith.constant 125 : i32
      %lt3A_82 = arith.cmpi slt, %add3A_80, %lt3A_81 : i32
      %convert_element_type3A_83 = arith.extui %lt3A_82 : i1 to i32
      %cond3A_84 = arith.constant 0 : i32
      %cond3A_85 = arith.cmpi ne, %convert_element_type3A_83, %cond3A_84 : i32
      scf.if %cond3A_85 {
        %add3A_96 = arith.constant 1 : i32
        %add3A_97 = arith.addi %add3A_78, %add3A_96 : i32
        %mul3A_98 = arith.constant 80 : i32
        %mul3A_99 = arith.muli %add3A_97, %mul3A_98 : i32
        %add3A_100 = arith.addi %mul3A_2, %mul3A_99 : i32
        %dma_wait3A_101 = tpu.memref_slice %arg3[%add3A_100] : memref<320000xi32, #tpu.memory_space<hbm>> -> memref<80xi32, #tpu.memory_space<hbm>>
        %dma_wait3A_102 = tpu.memref_slice %arg3[%add3A_100] : memref<320000xi32, #tpu.memory_space<hbm>> -> memref<80xi32, #tpu.memory_space<hbm>>
        tpu.wait_dma2 semaphore(%arg16 : memref<!tpu.dma_semaphore, #tpu.memory_space<semaphore_mem>>) src(%dma_wait3A_102 : memref<80xi32, #tpu.memory_space<hbm>>) dst(%arg7 : memref<80xi32, #tpu.memory_space<vmem>>)
        %dma_wait3A_103 = tpu.memref_slice %arg4[%add3A_100] : memref<320000xi32, #tpu.memory_space<hbm>> -> memref<80xi32, #tpu.memory_space<hbm>>
        %dma_wait3A_104 = tpu.memref_slice %arg4[%add3A_100] : memref<320000xi32, #tpu.memory_space<hbm>> -> memref<80xi32, #tpu.memory_space<hbm>>
        tpu.wait_dma2 semaphore(%arg16 : memref<!tpu.dma_semaphore, #tpu.memory_space<semaphore_mem>>) src(%dma_wait3A_104 : memref<80xi32, #tpu.memory_space<hbm>>) dst(%arg9 : memref<80xi32, #tpu.memory_space<vmem>>)
        %dma_start3A_105 = arith.constant 0 : i32
        %dma_start3A_106 = arith.constant 0 : i32
        %dma_start3A_107 = tpu.memref_slice %arg2[%dma_start3A_105, %dma_start3A_106] : memref<10000x128xf32, #tpu.memory_space<hbm>> -> memref<10000x128xf32, #tpu.memory_space<hbm>>
        tpu.enqueue_indirect_dma source(%dma_start3A_107 : memref<10000x128xf32, #tpu.memory_space<hbm>>) target(%arg11 : memref<80x128xf32, #tpu.memory_space<vmem>>) offsets(%arg7 : memref<80xi32, #tpu.memory_space<vmem>>) semaphore(%arg14 : memref<!tpu.dma_semaphore, #tpu.memory_space<semaphore_mem>>)
      } else {
      }
      %dma_wait3A_86 = arith.constant 0 : i32
      %dma_wait3A_87 = arith.constant 0 : i32
      %dma_wait3A_88 = tpu.memref_slice %arg2[%dma_wait3A_86, %dma_wait3A_87] : memref<10000x128xf32, #tpu.memory_space<hbm>> -> memref<10000x128xf32, #tpu.memory_space<hbm>>
      tpu.wait_indirect_dma semaphore(%arg15 : memref<!tpu.dma_semaphore, #tpu.memory_space<semaphore_mem>>) src(%dma_wait3A_88 : memref<10000x128xf32, #tpu.memory_space<hbm>>) dst(%arg12 : memref<80x128xf32, #tpu.memory_space<vmem>>)
      "tpu.region"() ({
        %run_scoped3A = tpu.sem_alloc : memref<!tpu.dma_semaphore, #tpu.memory_space<semaphore_mem>>
        %dma_start3A_96 = arith.constant 0 : i32
        %dma_start3A_97 = arith.constant 0 : i32
        %dma_start3A_98 = tpu.memref_slice %arg13[%dma_start3A_96, %dma_start3A_97] : memref<10008x128xf32, #tpu.memory_space<vmem_shared>> -> memref<10008x128xf32, #tpu.memory_space<vmem_shared>>
        tpu.enqueue_indirect_dma source(%arg12 : memref<80x128xf32, #tpu.memory_space<vmem>>) target(%dma_start3A_98 : memref<10008x128xf32, #tpu.memory_space<vmem_shared>>) offsets(%arg10 : memref<80xi32, #tpu.memory_space<vmem>>) semaphore(%run_scoped3A : memref<!tpu.dma_semaphore, #tpu.memory_space<semaphore_mem>>) {add = true}
        %dma_wait3A_99 = arith.constant 0 : i32
        %dma_wait3A_100 = arith.constant 0 : i32
        %dma_wait3A_101 = tpu.memref_slice %arg13[%dma_wait3A_99, %dma_wait3A_100] : memref<10008x128xf32, #tpu.memory_space<vmem_shared>> -> memref<10008x128xf32, #tpu.memory_space<vmem_shared>>
        tpu.wait_indirect_dma semaphore(%run_scoped3A : memref<!tpu.dma_semaphore, #tpu.memory_space<semaphore_mem>>) src(%arg12 : memref<80x128xf32, #tpu.memory_space<vmem>>) dst(%dma_wait3A_101 : memref<10008x128xf32, #tpu.memory_space<vmem_shared>>)
        tpu.yield
      }) : () -> ()
      %add3A_89 = arith.constant 2 : i32
      %add3A_90 = arith.addi %add3A_78, %add3A_89 : i32
      %lt3A_91 = arith.constant 125 : i32
      %lt3A_92 = arith.cmpi slt, %add3A_90, %lt3A_91 : i32
      %convert_element_type3A_93 = arith.extui %lt3A_92 : i1 to i32
      %cond3A_94 = arith.constant 0 : i32
      %cond3A_95 = arith.cmpi ne, %convert_element_type3A_93, %cond3A_94 : i32
      scf.if %cond3A_95 {
        %add3A_96 = arith.constant 2 : i32
        %add3A_97 = arith.addi %add3A_78, %add3A_96 : i32
        %mul3A_98 = arith.constant 80 : i32
        %mul3A_99 = arith.muli %add3A_97, %mul3A_98 : i32
        %add3A_100 = arith.addi %mul3A_2, %mul3A_99 : i32
        %dma_start3A_101 = tpu.memref_slice %arg3[%add3A_100] : memref<320000xi32, #tpu.memory_space<hbm>> -> memref<80xi32, #tpu.memory_space<hbm>>
        %dma_start3A_102 = tpu.memref_slice %arg3[%add3A_100] : memref<320000xi32, #tpu.memory_space<hbm>> -> memref<80xi32, #tpu.memory_space<hbm>>
        tpu.enqueue_dma source(%dma_start3A_102 : memref<80xi32, #tpu.memory_space<hbm>>) target(%arg8 : memref<80xi32, #tpu.memory_space<vmem>>) target_semaphore(%arg17 : memref<!tpu.dma_semaphore, #tpu.memory_space<semaphore_mem>>)
        %dma_start3A_103 = tpu.memref_slice %arg4[%add3A_100] : memref<320000xi32, #tpu.memory_space<hbm>> -> memref<80xi32, #tpu.memory_space<hbm>>
        %dma_start3A_104 = tpu.memref_slice %arg4[%add3A_100] : memref<320000xi32, #tpu.memory_space<hbm>> -> memref<80xi32, #tpu.memory_space<hbm>>
        tpu.enqueue_dma source(%dma_start3A_104 : memref<80xi32, #tpu.memory_space<hbm>>) target(%arg10 : memref<80xi32, #tpu.memory_space<vmem>>) target_semaphore(%arg17 : memref<!tpu.dma_semaphore, #tpu.memory_space<semaphore_mem>>)
      } else {
      }
    }
    %scan3A_40 = arith.constant 62 : i32
    %dma_wait3A_41 = arith.constant 0 : i32
    %dma_wait3A_42 = arith.constant 0 : i32
    %dma_wait3A_43 = tpu.memref_slice %arg2[%dma_wait3A_41, %dma_wait3A_42] : memref<10000x128xf32, #tpu.memory_space<hbm>> -> memref<10000x128xf32, #tpu.memory_space<hbm>>
    tpu.wait_indirect_dma semaphore(%arg14 : memref<!tpu.dma_semaphore, #tpu.memory_space<semaphore_mem>>) src(%dma_wait3A_43 : memref<10000x128xf32, #tpu.memory_space<hbm>>) dst(%arg11 : memref<80x128xf32, #tpu.memory_space<vmem>>)
    "tpu.region"() ({
      %run_scoped3A = tpu.sem_alloc : memref<!tpu.dma_semaphore, #tpu.memory_space<semaphore_mem>>
      %dma_start3A_54 = arith.constant 0 : i32
      %dma_start3A_55 = arith.constant 0 : i32
      %dma_start3A_56 = tpu.memref_slice %arg13[%dma_start3A_54, %dma_start3A_55] : memref<10008x128xf32, #tpu.memory_space<vmem_shared>> -> memref<10008x128xf32, #tpu.memory_space<vmem_shared>>
      tpu.enqueue_indirect_dma source(%arg11 : memref<80x128xf32, #tpu.memory_space<vmem>>) target(%dma_start3A_56 : memref<10008x128xf32, #tpu.memory_space<vmem_shared>>) offsets(%arg9 : memref<80xi32, #tpu.memory_space<vmem>>) semaphore(%run_scoped3A : memref<!tpu.dma_semaphore, #tpu.memory_space<semaphore_mem>>) {add = true}
      %dma_wait3A_57 = arith.constant 0 : i32
      %dma_wait3A_58 = arith.constant 0 : i32
      %dma_wait3A_59 = tpu.memref_slice %arg13[%dma_wait3A_57, %dma_wait3A_58] : memref<10008x128xf32, #tpu.memory_space<vmem_shared>> -> memref<10008x128xf32, #tpu.memory_space<vmem_shared>>
      tpu.wait_indirect_dma semaphore(%run_scoped3A : memref<!tpu.dma_semaphore, #tpu.memory_space<semaphore_mem>>) src(%arg11 : memref<80x128xf32, #tpu.memory_space<vmem>>) dst(%dma_wait3A_59 : memref<10008x128xf32, #tpu.memory_space<vmem_shared>>)
      tpu.yield
    }) : () -> ()
    %barrier3A_44 = arith.constant 0 : index
    tpu.barrier barrier_id(%barrier3A_44)
    %mul3A_45 = arith.constant 624 : i32
    %mul3A_46 = arith.muli %arg1, %mul3A_45 : i32
    %mul3A_47 = arith.constant 624 : i32
    %mul3A_48 = arith.muli %arg1, %mul3A_47 : i32
    "tpu.region"() ({
      %run_scoped3A = tpu.sem_alloc : memref<!tpu.dma_semaphore, #tpu.memory_space<semaphore_mem>>
      %dma_start3A_54 = arith.constant 0 : i32
      %dma_start3A_55 = tpu.memref_slice %arg6[%arg0, %mul3A_48, %dma_start3A_54] : memref<2x10000x128xf32, #tpu.memory_space<hbm>> -> memref<1x624x128xf32, #tpu.memory_space<hbm>>
      %dma_start3A_56 = tpu.memref_squeeze %dma_start3A_55 : memref<1x624x128xf32, #tpu.memory_space<hbm>> -> memref<624x128xf32, #tpu.memory_space<hbm>>
      %dma_start3A_57 = arith.constant 0 : i32
      %dma_start3A_58 = tpu.memref_slice %arg13[%mul3A_46, %dma_start3A_57] : memref<10008x128xf32, #tpu.memory_space<vmem_shared>> -> memref<624x128xf32, #tpu.memory_space<vmem_shared>>
      tpu.enqueue_dma source(%dma_start3A_58 : memref<624x128xf32, #tpu.memory_space<vmem_shared>>) target(%dma_start3A_56 : memref<624x128xf32, #tpu.memory_space<hbm>>) target_semaphore(%run_scoped3A : memref<!tpu.dma_semaphore, #tpu.memory_space<semaphore_mem>>)
      %dma_wait3A_59 = arith.constant 0 : i32
      %dma_wait3A_60 = tpu.memref_slice %arg6[%arg0, %mul3A_48, %dma_wait3A_59] : memref<2x10000x128xf32, #tpu.memory_space<hbm>> -> memref<1x624x128xf32, #tpu.memory_space<hbm>>
      %dma_wait3A_61 = tpu.memref_squeeze %dma_wait3A_60 : memref<1x624x128xf32, #tpu.memory_space<hbm>> -> memref<624x128xf32, #tpu.memory_space<hbm>>
      %dma_wait3A_62 = arith.constant 0 : i32
      %dma_wait3A_63 = tpu.memref_slice %arg13[%mul3A_46, %dma_wait3A_62] : memref<10008x128xf32, #tpu.memory_space<vmem_shared>> -> memref<624x128xf32, #tpu.memory_space<vmem_shared>>
      tpu.wait_dma2 semaphore(%run_scoped3A : memref<!tpu.dma_semaphore, #tpu.memory_space<semaphore_mem>>) src(%dma_wait3A_63 : memref<624x128xf32, #tpu.memory_space<vmem_shared>>) dst(%dma_wait3A_61 : memref<624x128xf32, #tpu.memory_space<hbm>>)
      tpu.yield
    }) : () -> ()
    %eq3A_49 = arith.constant 0 : i32
    %eq3A_50 = arith.cmpi eq, %arg1, %eq3A_49 : i32
    %convert_element_type3A_51 = arith.extui %eq3A_50 : i1 to i32
    %cond3A_52 = arith.constant 0 : i32
    %cond3A_53 = arith.cmpi ne, %convert_element_type3A_51, %cond3A_52 : i32
    scf.if %cond3A_53 {
      "tpu.region"() ({
        %run_scoped3A = tpu.sem_alloc : memref<!tpu.dma_semaphore, #tpu.memory_space<semaphore_mem>>
        %dma_start3A_54 = arith.constant 9984 : i32
        %dma_start3A_55 = arith.constant 0 : i32
        %dma_start3A_56 = tpu.memref_slice %arg6[%arg0, %dma_start3A_54, %dma_start3A_55] : memref<2x10000x128xf32, #tpu.memory_space<hbm>> -> memref<1x16x128xf32, #tpu.memory_space<hbm>>
        %dma_start3A_57 = tpu.memref_squeeze %dma_start3A_56 : memref<1x16x128xf32, #tpu.memory_space<hbm>> -> memref<16x128xf32, #tpu.memory_space<hbm>>
        %dma_start3A_58 = arith.constant 9984 : i32
        %dma_start3A_59 = arith.constant 0 : i32
        %dma_start3A_60 = tpu.memref_slice %arg13[%dma_start3A_58, %dma_start3A_59] : memref<10008x128xf32, #tpu.memory_space<vmem_shared>> -> memref<16x128xf32, #tpu.memory_space<vmem_shared>>
        tpu.enqueue_dma source(%dma_start3A_60 : memref<16x128xf32, #tpu.memory_space<vmem_shared>>) target(%dma_start3A_57 : memref<16x128xf32, #tpu.memory_space<hbm>>) target_semaphore(%run_scoped3A : memref<!tpu.dma_semaphore, #tpu.memory_space<semaphore_mem>>)
        %dma_wait3A_61 = arith.constant 9984 : i32
        %dma_wait3A_62 = arith.constant 0 : i32
        %dma_wait3A_63 = tpu.memref_slice %arg6[%arg0, %dma_wait3A_61, %dma_wait3A_62] : memref<2x10000x128xf32, #tpu.memory_space<hbm>> -> memref<1x16x128xf32, #tpu.memory_space<hbm>>
        %dma_wait3A_64 = tpu.memref_squeeze %dma_wait3A_63 : memref<1x16x128xf32, #tpu.memory_space<hbm>> -> memref<16x128xf32, #tpu.memory_space<hbm>>
        %dma_wait3A_65 = arith.constant 9984 : i32
        %dma_wait3A_66 = arith.constant 0 : i32
        %dma_wait3A_67 = tpu.memref_slice %arg13[%dma_wait3A_65, %dma_wait3A_66] : memref<10008x128xf32, #tpu.memory_space<vmem_shared>> -> memref<16x128xf32, #tpu.memory_space<vmem_shared>>
        tpu.wait_dma2 semaphore(%run_scoped3A : memref<!tpu.dma_semaphore, #tpu.memory_space<semaphore_mem>>) src(%dma_wait3A_67 : memref<16x128xf32, #tpu.memory_space<vmem_shared>>) dst(%dma_wait3A_64 : memref<16x128xf32, #tpu.memory_space<hbm>>)
        tpu.yield
      }) : () -> ()
    } else {
    }
    return
  }
}

module attributes {stable_mosaic.version = 14 : i64} {
  func.func @body(%arg0: i32, %arg1: memref<2x1000x1xf32, #tpu.memory_space<vmem>>, %arg2: memref<1000x128xf32, #tpu.memory_space<vmem>>, %arg3: memref<128x128xf32, #tpu.memory_space<vmem>>, %arg4: memref<1000x1xf32, #tpu.memory_space<vmem>>, %arg5: memref<1000x128xf32, #tpu.memory_space<vmem>>) attributes {dimension_semantics = [#tpu.dimension_semantics<arbitrary>], iteration_bounds = array<i64: 10>, scalar_prefetch = 0 : i64, scratch_operands = 0 : i64, tpu.core_type = #tpu.core_type<tc>, window_params = [{transform_indices = @transform_0, window_bounds = array<i64: 2, 1000, 1>}, {transform_indices = @transform_1, window_bounds = array<i64: 1000, 128>}, {pipeline_mode = #tpu.pipeline_mode<synchronous>, transform_indices = @transform_2, window_bounds = array<i64: 128, 128>}, {transform_indices = @transform_3, window_bounds = array<i64: 1000, 1>}, {transform_indices = @transform_4, window_bounds = array<i64: 1000, 128>}]} {
    %get3A = arith.constant 0 : index
    %get3A_0 = arith.constant 0 : index
    %get3A_1 = arith.constant 0 : index
    %get3A_2 = vector.load %arg1[%get3A, %get3A_0, %get3A_1] : memref<2x1000x1xf32, #tpu.memory_space<vmem>>, vector<1x1000x1xf32>
    %get3A_3 = vector.shape_cast %get3A_2 : vector<1x1000x1xf32> to vector<1000x1xf32>
    %get3A_4 = arith.constant 1 : index
    %get3A_5 = arith.constant 0 : index
    %get3A_6 = arith.constant 0 : index
    %get3A_7 = vector.load %arg1[%get3A_4, %get3A_5, %get3A_6] : memref<2x1000x1xf32, #tpu.memory_space<vmem>>, vector<1x1000x1xf32>
    %get3A_8 = vector.shape_cast %get3A_7 : vector<1x1000x1xf32> to vector<1000x1xf32>
    %add3A = arith.addf %get3A_3, %get3A_8 : vector<1000x1xf32>
    %add3A_9 = arith.constant 1.000000e+00 : f32
    %add3A_10 = vector.broadcast %add3A_9 : f32 to vector<1000x1xf32>
    %add3A_11 = arith.addf %add3A, %add3A_10 : vector<1000x1xf32>
    %rsqrt3A = math.rsqrt %add3A_11 : vector<1000x1xf32>
    %swap3A = arith.constant 0 : index
    %swap3A_12 = arith.constant 0 : index
    %swap3A_13 = vector.load %arg4[%swap3A, %swap3A_12] : memref<1000x1xf32, #tpu.memory_space<vmem>>, vector<1000x1xf32>
    tpu.vector_store %arg4[%swap3A, %swap3A_12], %rsqrt3A {strides = array<i32>} : memref<1000x1xf32, #tpu.memory_space<vmem>>, vector<1000x1xf32>,
    %get3A_14 = arith.constant 0 : index
    %get3A_15 = arith.constant 0 : index
    %get3A_16 = vector.load %arg2[%get3A_14, %get3A_15] : memref<1000x128xf32, #tpu.memory_space<vmem>>, vector<1000x128xf32>
    %get3A_17 = arith.constant 0 : index
    %get3A_18 = arith.constant 0 : index
    %get3A_19 = vector.load %arg3[%get3A_17, %get3A_18] : memref<128x128xf32, #tpu.memory_space<vmem>>, vector<128x128xf32>
    %dot_general3A = arith.constant dense<0.000000e+00> : vector<1000x128xf32>
    %dot_general3A_20 = tpu.matmul %get3A_16, %get3A_19, %dot_general3A {dimension_numbers = #tpu.dot_dimension_numbers<[1], [0], [0], [1], [0, 0, 1, 1], [], []>, transpose_lhs_hint = false} : vector<1000x128xf32>, vector<128x128xf32>, vector<1000x128xf32> -> vector<1000x128xf32>
    %mul3A = vector.broadcast %rsqrt3A : vector<1000x1xf32> to vector<1000x128xf32>
    %mul3A_21 = arith.mulf %mul3A, %dot_general3A_20 : vector<1000x128xf32>
    %swap3A_22 = arith.constant 0 : index
    %swap3A_23 = arith.constant 0 : index
    %swap3A_24 = vector.load %arg5[%swap3A_22, %swap3A_23] : memref<1000x128xf32, #tpu.memory_space<vmem>>, vector<1000x128xf32>
    tpu.vector_store %arg5[%swap3A_22, %swap3A_23], %mul3A_21 {strides = array<i32>} : memref<1000x128xf32, #tpu.memory_space<vmem>>, vector<1000x128xf32>,
    return
  }
  func.func @transform_0(%arg0: i32) -> (i32, i32, i32) {
    %c0_i32 = arith.constant 0 : i32
    %c0_i32_0 = arith.constant 0 : i32
    %c0_i32_1 = arith.constant 0 : i32
    return %c0_i32, %arg0, %c0_i32_0 : i32, i32, i32
  }
  func.func @transform_1(%arg0: i32) -> (i32, i32) {
    %c0_i32 = arith.constant 0 : i32
    %c0_i32_0 = arith.constant 0 : i32
    return %arg0, %c0_i32 : i32, i32
  }
  func.func @transform_2(%arg0: i32) -> (i32, i32) {
    %c0_i32 = arith.constant 0 : i32
    %c0_i32_0 = arith.constant 0 : i32
    %c0_i32_1 = arith.constant 0 : i32
    return %c0_i32, %c0_i32_0 : i32, i32
  }
  func.func @transform_3(%arg0: i32) -> (i32, i32) {
    %c0_i32 = arith.constant 0 : i32
    %c0_i32_0 = arith.constant 0 : i32
    return %arg0, %c0_i32 : i32, i32
  }
  func.func @transform_4(%arg0: i32) -> (i32, i32) {
    %c0_i32 = arith.constant 0 : i32
    %c0_i32_0 = arith.constant 0 : i32
    return %arg0, %c0_i32 : i32, i32
  }
}

module attributes {stable_mosaic.version = 14 : i64} {
  func.func @body(%arg0: i32, %arg1: memref<2x1000x128xf32, #tpu.memory_space<vmem>>, %arg2: memref<1000x128xf32, #tpu.memory_space<vmem>>, %arg3: memref<1000x1xf32, #tpu.memory_space<vmem>>, %arg4: memref<1x128xf32, #tpu.memory_space<vmem>>, %arg5: memref<1x128xf32, #tpu.memory_space<vmem>>, %arg6: memref<1x128xf32, #tpu.memory_space<vmem>>, %arg7: memref<1x128xf32, #tpu.memory_space<vmem>>, %arg8: memref<1x128xf32, #tpu.memory_space<vmem>>, %arg9: memref<128x128xf32, #tpu.memory_space<vmem>>, %arg10: memref<1000x128xf32, #tpu.memory_space<vmem>>, %arg11: memref<1000x128xf32, #tpu.memory_space<vmem>>) attributes {dimension_semantics = [#tpu.dimension_semantics<arbitrary>], iteration_bounds = array<i64: 10>, scalar_prefetch = 0 : i64, scratch_operands = 0 : i64, tpu.core_type = #tpu.core_type<tc>, window_params = [{transform_indices = @transform_0, window_bounds = array<i64: 2, 1000, 128>}, {transform_indices = @transform_1, window_bounds = array<i64: 1000, 128>}, {transform_indices = @transform_2, window_bounds = array<i64: 1000, 1>}, {pipeline_mode = #tpu.pipeline_mode<synchronous>, transform_indices = @transform_3, window_bounds = array<i64: 1, 128>}, {pipeline_mode = #tpu.pipeline_mode<synchronous>, transform_indices = @transform_4, window_bounds = array<i64: 1, 128>}, {pipeline_mode = #tpu.pipeline_mode<synchronous>, transform_indices = @transform_5, window_bounds = array<i64: 1, 128>}, {pipeline_mode = #tpu.pipeline_mode<synchronous>, transform_indices = @transform_6, window_bounds = array<i64: 1, 128>}, {pipeline_mode = #tpu.pipeline_mode<synchronous>, transform_indices = @transform_7, window_bounds = array<i64: 1, 128>}, {pipeline_mode = #tpu.pipeline_mode<synchronous>, transform_indices = @transform_8, window_bounds = array<i64: 128, 128>}, {transform_indices = @transform_9, window_bounds = array<i64: 1000, 128>}, {transform_indices = @transform_10, window_bounds = array<i64: 1000, 128>}]} {
    %get3A = arith.constant 0 : index
    %get3A_0 = arith.constant 0 : index
    %get3A_1 = vector.load %arg3[%get3A, %get3A_0] : memref<1000x1xf32, #tpu.memory_space<vmem>>, vector<1000x1xf32>
    %get3A_2 = arith.constant 0 : index
    %get3A_3 = arith.constant 0 : index
    %get3A_4 = arith.constant 0 : index
    %get3A_5 = vector.load %arg1[%get3A_2, %get3A_3, %get3A_4] : memref<2x1000x128xf32, #tpu.memory_space<vmem>>, vector<1x1000x128xf32>
    %get3A_6 = vector.shape_cast %get3A_5 : vector<1x1000x128xf32> to vector<1000x128xf32>
    %get3A_7 = arith.constant 1 : index
    %get3A_8 = arith.constant 0 : index
    %get3A_9 = arith.constant 0 : index
    %get3A_10 = vector.load %arg1[%get3A_7, %get3A_8, %get3A_9] : memref<2x1000x128xf32, #tpu.memory_space<vmem>>, vector<1x1000x128xf32>
    %get3A_11 = vector.shape_cast %get3A_10 : vector<1x1000x128xf32> to vector<1000x128xf32>
    %add3A = arith.addf %get3A_6, %get3A_11 : vector<1000x128xf32>
    %get3A_12 = arith.constant 0 : index
    %get3A_13 = arith.constant 0 : index
    %get3A_14 = vector.load %arg2[%get3A_12, %get3A_13] : memref<1000x128xf32, #tpu.memory_space<vmem>>, vector<1000x128xf32>
    %add3A_15 = arith.addf %add3A, %get3A_14 : vector<1000x128xf32>
    %mul3A = vector.broadcast %get3A_1 : vector<1000x1xf32> to vector<1000x128xf32>
    %mul3A_16 = arith.mulf %mul3A, %add3A_15 : vector<1000x128xf32>
    %get3A_17 = arith.constant 0 : index
    %get3A_18 = arith.constant 0 : index
    %get3A_19 = vector.load %arg4[%get3A_17, %get3A_18] : memref<1x128xf32, #tpu.memory_space<vmem>>, vector<1x128xf32>
    %add3A_20 = vector.broadcast %get3A_19 : vector<1x128xf32> to vector<1000x128xf32>
    %add3A_21 = arith.addf %mul3A_16, %add3A_20 : vector<1000x128xf32>
    %get3A_22 = arith.constant 0 : index
    %get3A_23 = arith.constant 0 : index
    %get3A_24 = vector.load %arg5[%get3A_22, %get3A_23] : memref<1x128xf32, #tpu.memory_space<vmem>>, vector<1x128xf32>
    %get3A_25 = arith.constant 0 : index
    %get3A_26 = arith.constant 0 : index
    %get3A_27 = vector.load %arg8[%get3A_25, %get3A_26] : memref<1x128xf32, #tpu.memory_space<vmem>>, vector<1x128xf32>
    %add3A_28 = arith.constant 9.99999974E-6 : f32
    %add3A_29 = vector.broadcast %add3A_28 : f32 to vector<1x128xf32>
    %add3A_30 = arith.addf %get3A_27, %add3A_29 : vector<1x128xf32>
    %rsqrt3A = math.rsqrt %add3A_30 : vector<1x128xf32>
    %mul3A_31 = arith.mulf %get3A_24, %rsqrt3A : vector<1x128xf32>
    %get3A_32 = arith.constant 0 : index
    %get3A_33 = arith.constant 0 : index
    %get3A_34 = vector.load %arg6[%get3A_32, %get3A_33] : memref<1x128xf32, #tpu.memory_space<vmem>>, vector<1x128xf32>
    %get3A_35 = arith.constant 0 : index
    %get3A_36 = arith.constant 0 : index
    %get3A_37 = vector.load %arg7[%get3A_35, %get3A_36] : memref<1x128xf32, #tpu.memory_space<vmem>>, vector<1x128xf32>
    %mul3A_38 = arith.mulf %get3A_37, %mul3A_31 : vector<1x128xf32>
    %sub3A = arith.subf %get3A_34, %mul3A_38 : vector<1x128xf32>
    %mul3A_39 = vector.broadcast %mul3A_31 : vector<1x128xf32> to vector<1000x128xf32>
    %mul3A_40 = arith.mulf %add3A_21, %mul3A_39 : vector<1000x128xf32>
    %add3A_41 = vector.broadcast %sub3A : vector<1x128xf32> to vector<1000x128xf32>
    %add3A_42 = arith.addf %mul3A_40, %add3A_41 : vector<1000x128xf32>
    %max3A = arith.constant 0.000000e+00 : f32
    %max3A_43 = vector.broadcast %max3A : f32 to vector<1000x128xf32>
    %max3A_44 = arith.maximumf %add3A_42, %max3A_43 : vector<1000x128xf32>
    %swap3A = arith.constant 0 : index
    %swap3A_45 = arith.constant 0 : index
    %swap3A_46 = vector.load %arg10[%swap3A, %swap3A_45] : memref<1000x128xf32, #tpu.memory_space<vmem>>, vector<1000x128xf32>
    tpu.vector_store %arg10[%swap3A, %swap3A_45], %max3A_44 {strides = array<i32>} : memref<1000x128xf32, #tpu.memory_space<vmem>>, vector<1000x128xf32>,
    %get3A_47 = arith.constant 0 : index
    %get3A_48 = arith.constant 0 : index
    %get3A_49 = vector.load %arg9[%get3A_47, %get3A_48] : memref<128x128xf32, #tpu.memory_space<vmem>>, vector<128x128xf32>
    %dot_general3A = arith.constant dense<0.000000e+00> : vector<1000x128xf32>
    %dot_general3A_50 = tpu.matmul %max3A_44, %get3A_49, %dot_general3A {dimension_numbers = #tpu.dot_dimension_numbers<[1], [0], [0], [1], [0, 0, 1, 1], [], []>, transpose_lhs_hint = false} : vector<1000x128xf32>, vector<128x128xf32>, vector<1000x128xf32> -> vector<1000x128xf32>
    %mul3A_51 = vector.broadcast %get3A_1 : vector<1000x1xf32> to vector<1000x128xf32>
    %mul3A_52 = arith.mulf %mul3A_51, %dot_general3A_50 : vector<1000x128xf32>
    %swap3A_53 = arith.constant 0 : index
    %swap3A_54 = arith.constant 0 : index
    %swap3A_55 = vector.load %arg11[%swap3A_53, %swap3A_54] : memref<1000x128xf32, #tpu.memory_space<vmem>>, vector<1000x128xf32>
    tpu.vector_store %arg11[%swap3A_53, %swap3A_54], %mul3A_52 {strides = array<i32>} : memref<1000x128xf32, #tpu.memory_space<vmem>>, vector<1000x128xf32>,
    return
  }
  func.func @transform_0(%arg0: i32) -> (i32, i32, i32) {
    %c0_i32 = arith.constant 0 : i32
    %c0_i32_0 = arith.constant 0 : i32
    %c0_i32_1 = arith.constant 0 : i32
    return %c0_i32, %arg0, %c0_i32_0 : i32, i32, i32
  }
  func.func @transform_1(%arg0: i32) -> (i32, i32) {
    %c0_i32 = arith.constant 0 : i32
    %c0_i32_0 = arith.constant 0 : i32
    return %arg0, %c0_i32 : i32, i32
  }
  func.func @transform_2(%arg0: i32) -> (i32, i32) {
    %c0_i32 = arith.constant 0 : i32
    %c0_i32_0 = arith.constant 0 : i32
    return %arg0, %c0_i32 : i32, i32
  }
  func.func @transform_3(%arg0: i32) -> (i32, i32) {
    %c0_i32 = arith.constant 0 : i32
    %c0_i32_0 = arith.constant 0 : i32
    %c0_i32_1 = arith.constant 0 : i32
    return %c0_i32, %c0_i32_0 : i32, i32
  }
  func.func @transform_4(%arg0: i32) -> (i32, i32) {
    %c0_i32 = arith.constant 0 : i32
    %c0_i32_0 = arith.constant 0 : i32
    %c0_i32_1 = arith.constant 0 : i32
    return %c0_i32, %c0_i32_0 : i32, i32
  }
  func.func @transform_5(%arg0: i32) -> (i32, i32) {
    %c0_i32 = arith.constant 0 : i32
    %c0_i32_0 = arith.constant 0 : i32
    %c0_i32_1 = arith.constant 0 : i32
    return %c0_i32, %c0_i32_0 : i32, i32
  }
  func.func @transform_6(%arg0: i32) -> (i32, i32) {
    %c0_i32 = arith.constant 0 : i32
    %c0_i32_0 = arith.constant 0 : i32
    %c0_i32_1 = arith.constant 0 : i32
    return %c0_i32, %c0_i32_0 : i32, i32
  }
  func.func @transform_7(%arg0: i32) -> (i32, i32) {
    %c0_i32 = arith.constant 0 : i32
    %c0_i32_0 = arith.constant 0 : i32
    %c0_i32_1 = arith.constant 0 : i32
    return %c0_i32, %c0_i32_0 : i32, i32
  }
  func.func @transform_8(%arg0: i32) -> (i32, i32) {
    %c0_i32 = arith.constant 0 : i32
    %c0_i32_0 = arith.constant 0 : i32
    %c0_i32_1 = arith.constant 0 : i32
    return %c0_i32, %c0_i32_0 : i32, i32
  }
  func.func @transform_9(%arg0: i32) -> (i32, i32) {
    %c0_i32 = arith.constant 0 : i32
    %c0_i32_0 = arith.constant 0 : i32
    return %arg0, %c0_i32 : i32, i32
  }
  func.func @transform_10(%arg0: i32) -> (i32, i32) {
    %c0_i32 = arith.constant 0 : i32
    %c0_i32_0 = arith.constant 0 : i32
    return %arg0, %c0_i32 : i32, i32
  }
}

module attributes {stable_mosaic.version = 14 : i64} {
  func.func @body(%arg0: i32, %arg1: memref<2x1000x128xf32, #tpu.memory_space<vmem>>, %arg2: memref<1000x128xf32, #tpu.memory_space<vmem>>, %arg3: memref<1000x1xf32, #tpu.memory_space<vmem>>, %arg4: memref<1000x128xf32, #tpu.memory_space<vmem>>, %arg5: memref<1x128xf32, #tpu.memory_space<vmem>>, %arg6: memref<1x128xf32, #tpu.memory_space<vmem>>, %arg7: memref<1x128xf32, #tpu.memory_space<vmem>>, %arg8: memref<1x128xf32, #tpu.memory_space<vmem>>, %arg9: memref<1x128xf32, #tpu.memory_space<vmem>>, %arg10: memref<128x128xf32, #tpu.memory_space<vmem>>, %arg11: memref<1000x128xf32, #tpu.memory_space<vmem>>, %arg12: memref<1000x128xf32, #tpu.memory_space<vmem>>) attributes {dimension_semantics = [#tpu.dimension_semantics<arbitrary>], iteration_bounds = array<i64: 10>, scalar_prefetch = 0 : i64, scratch_operands = 0 : i64, tpu.core_type = #tpu.core_type<tc>, window_params = [{transform_indices = @transform_0, window_bounds = array<i64: 2, 1000, 128>}, {transform_indices = @transform_1, window_bounds = array<i64: 1000, 128>}, {transform_indices = @transform_2, window_bounds = array<i64: 1000, 1>}, {transform_indices = @transform_3, window_bounds = array<i64: 1000, 128>}, {pipeline_mode = #tpu.pipeline_mode<synchronous>, transform_indices = @transform_4, window_bounds = array<i64: 1, 128>}, {pipeline_mode = #tpu.pipeline_mode<synchronous>, transform_indices = @transform_5, window_bounds = array<i64: 1, 128>}, {pipeline_mode = #tpu.pipeline_mode<synchronous>, transform_indices = @transform_6, window_bounds = array<i64: 1, 128>}, {pipeline_mode = #tpu.pipeline_mode<synchronous>, transform_indices = @transform_7, window_bounds = array<i64: 1, 128>}, {pipeline_mode = #tpu.pipeline_mode<synchronous>, transform_indices = @transform_8, window_bounds = array<i64: 1, 128>}, {pipeline_mode = #tpu.pipeline_mode<synchronous>, transform_indices = @transform_9, window_bounds = array<i64: 128, 128>}, {transform_indices = @transform_10, window_bounds = array<i64: 1000, 128>}, {transform_indices = @transform_11, window_bounds = array<i64: 1000, 128>}]} {
    %get3A = arith.constant 0 : index
    %get3A_0 = arith.constant 0 : index
    %get3A_1 = vector.load %arg3[%get3A, %get3A_0] : memref<1000x1xf32, #tpu.memory_space<vmem>>, vector<1000x1xf32>
    %get3A_2 = arith.constant 0 : index
    %get3A_3 = arith.constant 0 : index
    %get3A_4 = arith.constant 0 : index
    %get3A_5 = vector.load %arg1[%get3A_2, %get3A_3, %get3A_4] : memref<2x1000x128xf32, #tpu.memory_space<vmem>>, vector<1x1000x128xf32>
    %get3A_6 = vector.shape_cast %get3A_5 : vector<1x1000x128xf32> to vector<1000x128xf32>
    %get3A_7 = arith.constant 1 : index
    %get3A_8 = arith.constant 0 : index
    %get3A_9 = arith.constant 0 : index
    %get3A_10 = vector.load %arg1[%get3A_7, %get3A_8, %get3A_9] : memref<2x1000x128xf32, #tpu.memory_space<vmem>>, vector<1x1000x128xf32>
    %get3A_11 = vector.shape_cast %get3A_10 : vector<1x1000x128xf32> to vector<1000x128xf32>
    %add3A = arith.addf %get3A_6, %get3A_11 : vector<1000x128xf32>
    %get3A_12 = arith.constant 0 : index
    %get3A_13 = arith.constant 0 : index
    %get3A_14 = vector.load %arg2[%get3A_12, %get3A_13] : memref<1000x128xf32, #tpu.memory_space<vmem>>, vector<1000x128xf32>
    %add3A_15 = arith.addf %add3A, %get3A_14 : vector<1000x128xf32>
    %mul3A = vector.broadcast %get3A_1 : vector<1000x1xf32> to vector<1000x128xf32>
    %mul3A_16 = arith.mulf %mul3A, %add3A_15 : vector<1000x128xf32>
    %get3A_17 = arith.constant 0 : index
    %get3A_18 = arith.constant 0 : index
    %get3A_19 = vector.load %arg5[%get3A_17, %get3A_18] : memref<1x128xf32, #tpu.memory_space<vmem>>, vector<1x128xf32>
    %add3A_20 = vector.broadcast %get3A_19 : vector<1x128xf32> to vector<1000x128xf32>
    %add3A_21 = arith.addf %mul3A_16, %add3A_20 : vector<1000x128xf32>
    %get3A_22 = arith.constant 0 : index
    %get3A_23 = arith.constant 0 : index
    %get3A_24 = vector.load %arg6[%get3A_22, %get3A_23] : memref<1x128xf32, #tpu.memory_space<vmem>>, vector<1x128xf32>
    %get3A_25 = arith.constant 0 : index
    %get3A_26 = arith.constant 0 : index
    %get3A_27 = vector.load %arg9[%get3A_25, %get3A_26] : memref<1x128xf32, #tpu.memory_space<vmem>>, vector<1x128xf32>
    %add3A_28 = arith.constant 9.99999974E-6 : f32
    %add3A_29 = vector.broadcast %add3A_28 : f32 to vector<1x128xf32>
    %add3A_30 = arith.addf %get3A_27, %add3A_29 : vector<1x128xf32>
    %rsqrt3A = math.rsqrt %add3A_30 : vector<1x128xf32>
    %mul3A_31 = arith.mulf %get3A_24, %rsqrt3A : vector<1x128xf32>
    %get3A_32 = arith.constant 0 : index
    %get3A_33 = arith.constant 0 : index
    %get3A_34 = vector.load %arg7[%get3A_32, %get3A_33] : memref<1x128xf32, #tpu.memory_space<vmem>>, vector<1x128xf32>
    %get3A_35 = arith.constant 0 : index
    %get3A_36 = arith.constant 0 : index
    %get3A_37 = vector.load %arg8[%get3A_35, %get3A_36] : memref<1x128xf32, #tpu.memory_space<vmem>>, vector<1x128xf32>
    %mul3A_38 = arith.mulf %get3A_37, %mul3A_31 : vector<1x128xf32>
    %sub3A = arith.subf %get3A_34, %mul3A_38 : vector<1x128xf32>
    %mul3A_39 = vector.broadcast %mul3A_31 : vector<1x128xf32> to vector<1000x128xf32>
    %mul3A_40 = arith.mulf %add3A_21, %mul3A_39 : vector<1000x128xf32>
    %add3A_41 = vector.broadcast %sub3A : vector<1x128xf32> to vector<1000x128xf32>
    %add3A_42 = arith.addf %mul3A_40, %add3A_41 : vector<1000x128xf32>
    %get3A_43 = arith.constant 0 : index
    %get3A_44 = arith.constant 0 : index
    %get3A_45 = vector.load %arg4[%get3A_43, %get3A_44] : memref<1000x128xf32, #tpu.memory_space<vmem>>, vector<1000x128xf32>
    %add3A_46 = arith.addf %add3A_42, %get3A_45 : vector<1000x128xf32>
    %max3A = arith.constant 0.000000e+00 : f32
    %max3A_47 = vector.broadcast %max3A : f32 to vector<1000x128xf32>
    %max3A_48 = arith.maximumf %add3A_46, %max3A_47 : vector<1000x128xf32>
    %swap3A = arith.constant 0 : index
    %swap3A_49 = arith.constant 0 : index
    %swap3A_50 = vector.load %arg11[%swap3A, %swap3A_49] : memref<1000x128xf32, #tpu.memory_space<vmem>>, vector<1000x128xf32>
    tpu.vector_store %arg11[%swap3A, %swap3A_49], %max3A_48 {strides = array<i32>} : memref<1000x128xf32, #tpu.memory_space<vmem>>, vector<1000x128xf32>,
    %get3A_51 = arith.constant 0 : index
    %get3A_52 = arith.constant 0 : index
    %get3A_53 = vector.load %arg10[%get3A_51, %get3A_52] : memref<128x128xf32, #tpu.memory_space<vmem>>, vector<128x128xf32>
    %dot_general3A = arith.constant dense<0.000000e+00> : vector<1000x128xf32>
    %dot_general3A_54 = tpu.matmul %max3A_48, %get3A_53, %dot_general3A {dimension_numbers = #tpu.dot_dimension_numbers<[1], [0], [0], [1], [0, 0, 1, 1], [], []>, transpose_lhs_hint = false} : vector<1000x128xf32>, vector<128x128xf32>, vector<1000x128xf32> -> vector<1000x128xf32>
    %mul3A_55 = vector.broadcast %get3A_1 : vector<1000x1xf32> to vector<1000x128xf32>
    %mul3A_56 = arith.mulf %mul3A_55, %dot_general3A_54 : vector<1000x128xf32>
    %swap3A_57 = arith.constant 0 : index
    %swap3A_58 = arith.constant 0 : index
    %swap3A_59 = vector.load %arg12[%swap3A_57, %swap3A_58] : memref<1000x128xf32, #tpu.memory_space<vmem>>, vector<1000x128xf32>
    tpu.vector_store %arg12[%swap3A_57, %swap3A_58], %mul3A_56 {strides = array<i32>} : memref<1000x128xf32, #tpu.memory_space<vmem>>, vector<1000x128xf32>,
    return
  }
  func.func @transform_0(%arg0: i32) -> (i32, i32, i32) {
    %c0_i32 = arith.constant 0 : i32
    %c0_i32_0 = arith.constant 0 : i32
    %c0_i32_1 = arith.constant 0 : i32
    return %c0_i32, %arg0, %c0_i32_0 : i32, i32, i32
  }
  func.func @transform_1(%arg0: i32) -> (i32, i32) {
    %c0_i32 = arith.constant 0 : i32
    %c0_i32_0 = arith.constant 0 : i32
    return %arg0, %c0_i32 : i32, i32
  }
  func.func @transform_2(%arg0: i32) -> (i32, i32) {
    %c0_i32 = arith.constant 0 : i32
    %c0_i32_0 = arith.constant 0 : i32
    return %arg0, %c0_i32 : i32, i32
  }
  func.func @transform_3(%arg0: i32) -> (i32, i32) {
    %c0_i32 = arith.constant 0 : i32
    %c0_i32_0 = arith.constant 0 : i32
    return %arg0, %c0_i32 : i32, i32
  }
  func.func @transform_4(%arg0: i32) -> (i32, i32) {
    %c0_i32 = arith.constant 0 : i32
    %c0_i32_0 = arith.constant 0 : i32
    %c0_i32_1 = arith.constant 0 : i32
    return %c0_i32, %c0_i32_0 : i32, i32
  }
  func.func @transform_5(%arg0: i32) -> (i32, i32) {
    %c0_i32 = arith.constant 0 : i32
    %c0_i32_0 = arith.constant 0 : i32
    %c0_i32_1 = arith.constant 0 : i32
    return %c0_i32, %c0_i32_0 : i32, i32
  }
  func.func @transform_6(%arg0: i32) -> (i32, i32) {
    %c0_i32 = arith.constant 0 : i32
    %c0_i32_0 = arith.constant 0 : i32
    %c0_i32_1 = arith.constant 0 : i32
    return %c0_i32, %c0_i32_0 : i32, i32
  }
  func.func @transform_7(%arg0: i32) -> (i32, i32) {
    %c0_i32 = arith.constant 0 : i32
    %c0_i32_0 = arith.constant 0 : i32
    %c0_i32_1 = arith.constant 0 : i32
    return %c0_i32, %c0_i32_0 : i32, i32
  }
  func.func @transform_8(%arg0: i32) -> (i32, i32) {
    %c0_i32 = arith.constant 0 : i32
    %c0_i32_0 = arith.constant 0 : i32
    %c0_i32_1 = arith.constant 0 : i32
    return %c0_i32, %c0_i32_0 : i32, i32
  }
  func.func @transform_9(%arg0: i32) -> (i32, i32) {
    %c0_i32 = arith.constant 0 : i32
    %c0_i32_0 = arith.constant 0 : i32
    %c0_i32_1 = arith.constant 0 : i32
    return %c0_i32, %c0_i32_0 : i32, i32
  }
  func.func @transform_10(%arg0: i32) -> (i32, i32) {
    %c0_i32 = arith.constant 0 : i32
    %c0_i32_0 = arith.constant 0 : i32
    return %arg0, %c0_i32 : i32, i32
  }
  func.func @transform_11(%arg0: i32) -> (i32, i32) {
    %c0_i32 = arith.constant 0 : i32
    %c0_i32_0 = arith.constant 0 : i32
    return %arg0, %c0_i32 : i32, i32
  }
}

module attributes {stable_mosaic.version = 14 : i64} {
  func.func @body(%arg0: i32, %arg1: memref<2x1000x128xf32, #tpu.memory_space<vmem>>, %arg2: memref<1000x128xf32, #tpu.memory_space<vmem>>, %arg3: memref<1000x1xf32, #tpu.memory_space<vmem>>, %arg4: memref<1000x128xf32, #tpu.memory_space<vmem>>, %arg5: memref<1x128xf32, #tpu.memory_space<vmem>>, %arg6: memref<1x128xf32, #tpu.memory_space<vmem>>, %arg7: memref<1x128xf32, #tpu.memory_space<vmem>>, %arg8: memref<1x128xf32, #tpu.memory_space<vmem>>, %arg9: memref<1x128xf32, #tpu.memory_space<vmem>>, %arg10: memref<1000x1xi32, #tpu.memory_space<vmem>>, %arg11: memref<384x40xf32, #tpu.memory_space<vmem>>, %arg12: memref<1x40xf32, #tpu.memory_space<vmem>>, %arg13: memref<64x40xf32, #tpu.memory_space<vmem>>, %arg14: memref<64x128xf32, #tpu.memory_space<vmem>>, %arg15: memref<64x128xf32, #tpu.memory_space<vmem>>, %arg16: memref<64x128xf32, #tpu.memory_space<vmem>>) attributes {dimension_semantics = [#tpu.dimension_semantics<arbitrary>], iteration_bounds = array<i64: 10>, scalar_prefetch = 0 : i64, scratch_operands = 3 : i64, tpu.core_type = #tpu.core_type<tc>, window_params = [{transform_indices = @transform_0, window_bounds = array<i64: 2, 1000, 128>}, {transform_indices = @transform_1, window_bounds = array<i64: 1000, 128>}, {transform_indices = @transform_2, window_bounds = array<i64: 1000, 1>}, {transform_indices = @transform_3, window_bounds = array<i64: 1000, 128>}, {pipeline_mode = #tpu.pipeline_mode<synchronous>, transform_indices = @transform_4, window_bounds = array<i64: 1, 128>}, {pipeline_mode = #tpu.pipeline_mode<synchronous>, transform_indices = @transform_5, window_bounds = array<i64: 1, 128>}, {pipeline_mode = #tpu.pipeline_mode<synchronous>, transform_indices = @transform_6, window_bounds = array<i64: 1, 128>}, {pipeline_mode = #tpu.pipeline_mode<synchronous>, transform_indices = @transform_7, window_bounds = array<i64: 1, 128>}, {pipeline_mode = #tpu.pipeline_mode<synchronous>, transform_indices = @transform_8, window_bounds = array<i64: 1, 128>}, {transform_indices = @transform_9, window_bounds = array<i64: 1000, 1>}, {pipeline_mode = #tpu.pipeline_mode<synchronous>, transform_indices = @transform_10, window_bounds = array<i64: 384, 40>}, {pipeline_mode = #tpu.pipeline_mode<synchronous>, transform_indices = @transform_11, window_bounds = array<i64: 1, 40>}, {pipeline_mode = #tpu.pipeline_mode<synchronous>, transform_indices = @transform_12, window_bounds = array<i64: 64, 40>}]} {
    %eq3A = arith.constant 0 : i32
    %eq3A_0 = arith.cmpi eq, %arg0, %eq3A : i32
    %convert_element_type3A = arith.extui %eq3A_0 : i1 to i32
    %cond3A = arith.constant 0 : i32
    %cond3A_1 = arith.cmpi ne, %convert_element_type3A, %cond3A : i32
    scf.if %cond3A_1 {
      %broadcast_in_dim3A_98 = arith.constant 0.000000e+00 : f32
      %broadcast_in_dim3A_99 = vector.broadcast %broadcast_in_dim3A_98 : f32 to vector<64x128xf32>
      %swap3A_100 = arith.constant 0 : index
      %swap3A_101 = arith.constant 0 : index
      %swap3A_102 = vector.load %arg14[%swap3A_100, %swap3A_101] : memref<64x128xf32, #tpu.memory_space<vmem>>, vector<64x128xf32>
      tpu.vector_store %arg14[%swap3A_100, %swap3A_101], %broadcast_in_dim3A_99 {strides = array<i32>} : memref<64x128xf32, #tpu.memory_space<vmem>>, vector<64x128xf32>,
      %broadcast_in_dim3A_103 = arith.constant 0.000000e+00 : f32
      %broadcast_in_dim3A_104 = vector.broadcast %broadcast_in_dim3A_103 : f32 to vector<64x128xf32>
      %swap3A_105 = arith.constant 0 : index
      %swap3A_106 = arith.constant 0 : index
      %swap3A_107 = vector.load %arg15[%swap3A_105, %swap3A_106] : memref<64x128xf32, #tpu.memory_space<vmem>>, vector<64x128xf32>
      tpu.vector_store %arg15[%swap3A_105, %swap3A_106], %broadcast_in_dim3A_104 {strides = array<i32>} : memref<64x128xf32, #tpu.memory_space<vmem>>, vector<64x128xf32>,
      %broadcast_in_dim3A_108 = arith.constant 0xFF800000 : f32
      %broadcast_in_dim3A_109 = vector.broadcast %broadcast_in_dim3A_108 : f32 to vector<64x128xf32>
      %swap3A_110 = arith.constant 0 : index
      %swap3A_111 = arith.constant 0 : index
      %swap3A_112 = vector.load %arg16[%swap3A_110, %swap3A_111] : memref<64x128xf32, #tpu.memory_space<vmem>>, vector<64x128xf32>
      tpu.vector_store %arg16[%swap3A_110, %swap3A_111], %broadcast_in_dim3A_109 {strides = array<i32>} : memref<64x128xf32, #tpu.memory_space<vmem>>, vector<64x128xf32>,
    } else {
    }
    %get3A = arith.constant 0 : index
    %get3A_2 = arith.constant 0 : index
    %get3A_3 = vector.load %arg3[%get3A, %get3A_2] : memref<1000x1xf32, #tpu.memory_space<vmem>>, vector<1000x1xf32>
    %get3A_4 = arith.constant 0 : index
    %get3A_5 = arith.constant 0 : index
    %get3A_6 = arith.constant 0 : index
    %get3A_7 = vector.load %arg1[%get3A_4, %get3A_5, %get3A_6] : memref<2x1000x128xf32, #tpu.memory_space<vmem>>, vector<1x1000x128xf32>
    %get3A_8 = vector.shape_cast %get3A_7 : vector<1x1000x128xf32> to vector<1000x128xf32>
    %get3A_9 = arith.constant 1 : index
    %get3A_10 = arith.constant 0 : index
    %get3A_11 = arith.constant 0 : index
    %get3A_12 = vector.load %arg1[%get3A_9, %get3A_10, %get3A_11] : memref<2x1000x128xf32, #tpu.memory_space<vmem>>, vector<1x1000x128xf32>
    %get3A_13 = vector.shape_cast %get3A_12 : vector<1x1000x128xf32> to vector<1000x128xf32>
    %add3A = arith.addf %get3A_8, %get3A_13 : vector<1000x128xf32>
    %get3A_14 = arith.constant 0 : index
    %get3A_15 = arith.constant 0 : index
    %get3A_16 = vector.load %arg2[%get3A_14, %get3A_15] : memref<1000x128xf32, #tpu.memory_space<vmem>>, vector<1000x128xf32>
    %add3A_17 = arith.addf %add3A, %get3A_16 : vector<1000x128xf32>
    %mul3A = vector.broadcast %get3A_3 : vector<1000x1xf32> to vector<1000x128xf32>
    %mul3A_18 = arith.mulf %mul3A, %add3A_17 : vector<1000x128xf32>
    %get3A_19 = arith.constant 0 : index
    %get3A_20 = arith.constant 0 : index
    %get3A_21 = vector.load %arg5[%get3A_19, %get3A_20] : memref<1x128xf32, #tpu.memory_space<vmem>>, vector<1x128xf32>
    %add3A_22 = vector.broadcast %get3A_21 : vector<1x128xf32> to vector<1000x128xf32>
    %add3A_23 = arith.addf %mul3A_18, %add3A_22 : vector<1000x128xf32>
    %get3A_24 = arith.constant 0 : index
    %get3A_25 = arith.constant 0 : index
    %get3A_26 = vector.load %arg6[%get3A_24, %get3A_25] : memref<1x128xf32, #tpu.memory_space<vmem>>, vector<1x128xf32>
    %get3A_27 = arith.constant 0 : index
    %get3A_28 = arith.constant 0 : index
    %get3A_29 = vector.load %arg9[%get3A_27, %get3A_28] : memref<1x128xf32, #tpu.memory_space<vmem>>, vector<1x128xf32>
    %add3A_30 = arith.constant 9.99999974E-6 : f32
    %add3A_31 = vector.broadcast %add3A_30 : f32 to vector<1x128xf32>
    %add3A_32 = arith.addf %get3A_29, %add3A_31 : vector<1x128xf32>
    %rsqrt3A = math.rsqrt %add3A_32 : vector<1x128xf32>
    %mul3A_33 = arith.mulf %get3A_26, %rsqrt3A : vector<1x128xf32>
    %get3A_34 = arith.constant 0 : index
    %get3A_35 = arith.constant 0 : index
    %get3A_36 = vector.load %arg7[%get3A_34, %get3A_35] : memref<1x128xf32, #tpu.memory_space<vmem>>, vector<1x128xf32>
    %get3A_37 = arith.constant 0 : index
    %get3A_38 = arith.constant 0 : index
    %get3A_39 = vector.load %arg8[%get3A_37, %get3A_38] : memref<1x128xf32, #tpu.memory_space<vmem>>, vector<1x128xf32>
    %mul3A_40 = arith.mulf %get3A_39, %mul3A_33 : vector<1x128xf32>
    %sub3A = arith.subf %get3A_36, %mul3A_40 : vector<1x128xf32>
    %mul3A_41 = vector.broadcast %mul3A_33 : vector<1x128xf32> to vector<1000x128xf32>
    %mul3A_42 = arith.mulf %add3A_23, %mul3A_41 : vector<1000x128xf32>
    %add3A_43 = vector.broadcast %sub3A : vector<1x128xf32> to vector<1000x128xf32>
    %add3A_44 = arith.addf %mul3A_42, %add3A_43 : vector<1000x128xf32>
    %get3A_45 = arith.constant 0 : index
    %get3A_46 = arith.constant 0 : index
    %get3A_47 = vector.load %arg4[%get3A_45, %get3A_46] : memref<1000x128xf32, #tpu.memory_space<vmem>>, vector<1000x128xf32>
    %add3A_48 = arith.addf %add3A_44, %get3A_47 : vector<1000x128xf32>
    %max3A = arith.constant 0.000000e+00 : f32
    %max3A_49 = vector.broadcast %max3A : f32 to vector<1000x128xf32>
    %max3A_50 = arith.maximumf %add3A_48, %max3A_49 : vector<1000x128xf32>
    %get3A_51 = arith.constant 0 : index
    %get3A_52 = arith.constant 0 : index
    %get3A_53 = vector.load %arg10[%get3A_51, %get3A_52] : memref<1000x1xi32, #tpu.memory_space<vmem>>, vector<1000x1xi32>
    %iota3A = tpu.iota {dimensions = array<i32: 1>} : vector<1000x64xi32>
    %eq3A_54 = vector.broadcast %get3A_53 : vector<1000x1xi32> to vector<1000x64xi32>
    %eq3A_55 = arith.cmpi eq, %eq3A_54, %iota3A : vector<1000x64xi32>
    %convert_element_type3A_56 = arith.extui %eq3A_55 : vector<1000x64xi1> to vector<1000x64xi32>
    %convert_element_type3A_57 = arith.sitofp %convert_element_type3A_56 : vector<1000x64xi32> to vector<1000x64xf32>
    %get3A_58 = arith.constant 0 : index
    %get3A_59 = arith.constant 0 : index
    %get3A_60 = vector.load %arg14[%get3A_58, %get3A_59] : memref<64x128xf32, #tpu.memory_space<vmem>>, vector<64x128xf32>
    %dot_general3A = arith.constant dense<0.000000e+00> : vector<64x128xf32>
    %dot_general3A_61 = tpu.matmul %convert_element_type3A_57, %max3A_50, %dot_general3A {dimension_numbers = #tpu.dot_dimension_numbers<[0], [0], [1], [1], [0, 1, 1, 1], [], []>, transpose_lhs_hint = false} : vector<1000x64xf32>, vector<1000x128xf32>, vector<64x128xf32> -> vector<64x128xf32>
    %add3A_62 = arith.addf %get3A_60, %dot_general3A_61 : vector<64x128xf32>
    %swap3A = arith.constant 0 : index
    %swap3A_63 = arith.constant 0 : index
    %swap3A_64 = vector.load %arg14[%swap3A, %swap3A_63] : memref<64x128xf32, #tpu.memory_space<vmem>>, vector<64x128xf32>
    tpu.vector_store %arg14[%swap3A, %swap3A_63], %add3A_62 {strides = array<i32>} : memref<64x128xf32, #tpu.memory_space<vmem>>, vector<64x128xf32>,
    %get3A_65 = arith.constant 0 : index
    %get3A_66 = arith.constant 0 : index
    %get3A_67 = vector.load %arg15[%get3A_65, %get3A_66] : memref<64x128xf32, #tpu.memory_space<vmem>>, vector<64x128xf32>
    %broadcast_in_dim3A = arith.constant 1.000000e+00 : f32
    %broadcast_in_dim3A_68 = vector.broadcast %broadcast_in_dim3A : f32 to vector<1000x128xf32>
    %dot_general3A_69 = arith.constant dense<0.000000e+00> : vector<64x128xf32>
    %dot_general3A_70 = tpu.matmul %convert_element_type3A_57, %broadcast_in_dim3A_68, %dot_general3A_69 {dimension_numbers = #tpu.dot_dimension_numbers<[0], [0], [1], [1], [0, 1, 1, 1], [], []>, transpose_lhs_hint = false} : vector<1000x64xf32>, vector<1000x128xf32>, vector<64x128xf32> -> vector<64x128xf32>
    %add3A_71 = arith.addf %get3A_67, %dot_general3A_70 : vector<64x128xf32>
    %swap3A_72 = arith.constant 0 : index
    %swap3A_73 = arith.constant 0 : index
    %swap3A_74 = vector.load %arg15[%swap3A_72, %swap3A_73] : memref<64x128xf32, #tpu.memory_space<vmem>>, vector<64x128xf32>
    tpu.vector_store %arg15[%swap3A_72, %swap3A_73], %add3A_71 {strides = array<i32>} : memref<64x128xf32, #tpu.memory_space<vmem>>, vector<64x128xf32>,
    %reduce_min3A = vector.shape_cast %get3A_53 : vector<1000x1xi32> to vector<1x1000x1xi32>
    %reduce_min3A_75 = arith.constant dense<2147483647> : vector<1xi32>
    %reduce_min3A_76 = vector.multi_reduction <minsi>, %reduce_min3A, %reduce_min3A_75 [1, 2] : vector<1x1000x1xi32> to vector<1xi32>
    %reduce_min3A_77 = vector.shape_cast %reduce_min3A_76 : vector<1xi32> to vector<1x1x1xi32>
    %reduce_min3A_78 = vector.extract %reduce_min3A_77[0, 0, 0] : i32 from vector<1x1x1xi32>
    %reduce_max3A = vector.shape_cast %get3A_53 : vector<1000x1xi32> to vector<1x1000x1xi32>
    %reduce_max3A_79 = arith.constant dense<-2147483648> : vector<1xi32>
    %reduce_max3A_80 = vector.multi_reduction <maxsi>, %reduce_max3A, %reduce_max3A_79 [1, 2] : vector<1x1000x1xi32> to vector<1xi32>
    %reduce_max3A_81 = vector.shape_cast %reduce_max3A_80 : vector<1xi32> to vector<1x1x1xi32>
    %reduce_max3A_82 = vector.extract %reduce_max3A_81[0, 0, 0] : i32 from vector<1x1x1xi32>
    %add3A_83 = arith.constant 1 : i32
    %add3A_84 = arith.addi %reduce_max3A_82, %add3A_83 : i32
    %while3A = arith.constant 0 : i32
    %while3A_85 = arith.subi %add3A_84, %reduce_min3A_78 : i32
    %while3A_86 = arith.addi %reduce_min3A_78, %while3A_85 : i32
    %while3A_87 = arith.constant 1 : i32
    %while3A_88 = arith.divsi %while3A_85, %while3A_87 : i32
    %while3A_89 = arith.muli %while3A_88, %while3A_87 : i32
    %while3A_90 = arith.addi %reduce_min3A_78, %while3A_89 : i32
    %while3A_91 = arith.constant 1 : i32
    scf.for %while3A_98 = %reduce_min3A_78 to %while3A_90 step %while3A_91  : i32 {
      %eq3A_99 = vector.broadcast %while3A_98 : i32 to vector<1000x1xi32>
      %eq3A_100 = arith.cmpi eq, %get3A_53, %eq3A_99 : vector<1000x1xi32>
      %jit3A = arith.constant 0xFF800000 : f32
      %broadcast_in_dim3A_101 = vector.shape_cast %eq3A_100 : vector<1000x1xi1> to vector<1000x1xi1>
      %broadcast_in_dim3A_102 = vector.broadcast %broadcast_in_dim3A_101 : vector<1000x1xi1> to vector<1000x128xi1>
      %broadcast_in_dim3A_103 = vector.broadcast %jit3A : f32 to vector<1000x128xf32>
      %select_n3A = arith.select %broadcast_in_dim3A_102, %max3A_50, %broadcast_in_dim3A_103 : vector<1000x128xi1>, vector<1000x128xf32>
      %reduce_max3A_104 = arith.constant dense<0xFF800000> : vector<128xf32>
      %reduce_max3A_105 = vector.multi_reduction <maximumf>, %select_n3A, %reduce_max3A_104 [0] : vector<1000x128xf32> to vector<128xf32>
      %broadcast_in_dim3A_106 = vector.shape_cast %reduce_max3A_105 : vector<128xf32> to vector<1x128xf32>
      %get3A_107 = arith.index_cast %while3A_98 : i32 to index
      %get3A_108 = arith.constant 0 : index
      %get3A_109 = vector.load %arg16[%get3A_107, %get3A_108] : memref<64x128xf32, #tpu.memory_space<vmem>>, vector<1x128xf32>
      %max3A_110 = arith.maximumf %get3A_109, %broadcast_in_dim3A_106 : vector<1x128xf32>
      %swap3A_111 = arith.index_cast %while3A_98 : i32 to index
      %swap3A_112 = arith.constant 0 : index
      %swap3A_113 = vector.load %arg16[%swap3A_111, %swap3A_112] : memref<64x128xf32, #tpu.memory_space<vmem>>, vector<1x128xf32>
      tpu.vector_store %arg16[%swap3A_111, %swap3A_112], %max3A_110 {strides = array<i32>} : memref<64x128xf32, #tpu.memory_space<vmem>>, vector<1x128xf32>,
    }
    %while3A_92 = arith.constant 1 : i32
    scf.for %while3A_98 = %while3A_90 to %while3A_86 step %while3A_92  : i32 {
      %eq3A_99 = vector.broadcast %while3A_98 : i32 to vector<1000x1xi32>
      %eq3A_100 = arith.cmpi eq, %get3A_53, %eq3A_99 : vector<1000x1xi32>
      %jit3A = arith.constant 0xFF800000 : f32
      %broadcast_in_dim3A_101 = vector.shape_cast %eq3A_100 : vector<1000x1xi1> to vector<1000x1xi1>
      %broadcast_in_dim3A_102 = vector.broadcast %broadcast_in_dim3A_101 : vector<1000x1xi1> to vector<1000x128xi1>
      %broadcast_in_dim3A_103 = vector.broadcast %jit3A : f32 to vector<1000x128xf32>
      %select_n3A = arith.select %broadcast_in_dim3A_102, %max3A_50, %broadcast_in_dim3A_103 : vector<1000x128xi1>, vector<1000x128xf32>
      %reduce_max3A_104 = arith.constant dense<0xFF800000> : vector<128xf32>
      %reduce_max3A_105 = vector.multi_reduction <maximumf>, %select_n3A, %reduce_max3A_104 [0] : vector<1000x128xf32> to vector<128xf32>
      %broadcast_in_dim3A_106 = vector.shape_cast %reduce_max3A_105 : vector<128xf32> to vector<1x128xf32>
      %get3A_107 = arith.index_cast %while3A_98 : i32 to index
      %get3A_108 = arith.constant 0 : index
      %get3A_109 = vector.load %arg16[%get3A_107, %get3A_108] : memref<64x128xf32, #tpu.memory_space<vmem>>, vector<1x128xf32>
      %max3A_110 = arith.maximumf %get3A_109, %broadcast_in_dim3A_106 : vector<1x128xf32>
      %swap3A_111 = arith.index_cast %while3A_98 : i32 to index
      %swap3A_112 = arith.constant 0 : index
      %swap3A_113 = vector.load %arg16[%swap3A_111, %swap3A_112] : memref<64x128xf32, #tpu.memory_space<vmem>>, vector<1x128xf32>
      tpu.vector_store %arg16[%swap3A_111, %swap3A_112], %max3A_110 {strides = array<i32>} : memref<64x128xf32, #tpu.memory_space<vmem>>, vector<1x128xf32>,
    }
    %eq3A_93 = arith.constant 9 : i32
    %eq3A_94 = arith.cmpi eq, %arg0, %eq3A_93 : i32
    %convert_element_type3A_95 = arith.extui %eq3A_94 : i1 to i32
    %cond3A_96 = arith.constant 0 : i32
    %cond3A_97 = arith.cmpi ne, %convert_element_type3A_95, %cond3A_96 : i32
    scf.if %cond3A_97 {
      %get3A_98 = arith.constant 0 : index
      %get3A_99 = arith.constant 0 : index
      %get3A_100 = vector.load %arg15[%get3A_98, %get3A_99] : memref<64x128xf32, #tpu.memory_space<vmem>>, vector<64x128xf32>
      %max3A_101 = arith.constant 1.000000e+00 : f32
      %max3A_102 = vector.broadcast %max3A_101 : f32 to vector<64x128xf32>
      %max3A_103 = arith.maximumf %get3A_100, %max3A_102 : vector<64x128xf32>
      %get3A_104 = arith.constant 0 : index
      %get3A_105 = arith.constant 0 : index
      %get3A_106 = vector.load %arg14[%get3A_104, %get3A_105] : memref<64x128xf32, #tpu.memory_space<vmem>>, vector<64x128xf32>
      %div3A = arith.divf %get3A_106, %max3A_103 : vector<64x128xf32>
      %get3A_107 = arith.constant 0 : index
      %get3A_108 = arith.constant 0 : index
      %get3A_109 = vector.load %arg14[%get3A_107, %get3A_108] : memref<64x128xf32, #tpu.memory_space<vmem>>, vector<64x128xf32>
      %get3A_110 = arith.constant 0 : index
      %get3A_111 = arith.constant 0 : index
      %get3A_112 = vector.load %arg16[%get3A_110, %get3A_111] : memref<64x128xf32, #tpu.memory_space<vmem>>, vector<64x128xf32>
      %concatenate3A = tpu.concatenate %div3A, %get3A_109, %get3A_112 in 1 : vector<64x128xf32>, vector<64x128xf32>, vector<64x128xf32> -> vector<64x384xf32>
      %get3A_113 = arith.constant 0 : index
      %get3A_114 = arith.constant 0 : index
      %get3A_115 = vector.load %arg11[%get3A_113, %get3A_114] : memref<384x40xf32, #tpu.memory_space<vmem>>, vector<384x40xf32>
      %dot_general3A_116 = arith.constant dense<0.000000e+00> : vector<64x40xf32>
      %dot_general3A_117 = tpu.matmul %concatenate3A, %get3A_115, %dot_general3A_116 {dimension_numbers = #tpu.dot_dimension_numbers<[1], [0], [0], [1], [0, 0, 1, 1], [], []>, transpose_lhs_hint = false} : vector<64x384xf32>, vector<384x40xf32>, vector<64x40xf32> -> vector<64x40xf32>
      %get3A_118 = arith.constant 0 : index
      %get3A_119 = arith.constant 0 : index
      %get3A_120 = vector.load %arg12[%get3A_118, %get3A_119] : memref<1x40xf32, #tpu.memory_space<vmem>>, vector<1x40xf32>
      %add3A_121 = vector.broadcast %get3A_120 : vector<1x40xf32> to vector<64x40xf32>
      %add3A_122 = arith.addf %dot_general3A_117, %add3A_121 : vector<64x40xf32>
      %swap3A_123 = arith.constant 0 : index
      %swap3A_124 = arith.constant 0 : index
      %swap3A_125 = vector.load %arg13[%swap3A_123, %swap3A_124] : memref<64x40xf32, #tpu.memory_space<vmem>>, vector<64x40xf32>
      tpu.vector_store %arg13[%swap3A_123, %swap3A_124], %add3A_122 {strides = array<i32>} : memref<64x40xf32, #tpu.memory_space<vmem>>, vector<64x40xf32>,
    } else {
    }
    return
  }
  func.func @transform_0(%arg0: i32) -> (i32, i32, i32) {
    %c0_i32 = arith.constant 0 : i32
    %c0_i32_0 = arith.constant 0 : i32
    %c0_i32_1 = arith.constant 0 : i32
    return %c0_i32, %arg0, %c0_i32_0 : i32, i32, i32
  }
  func.func @transform_1(%arg0: i32) -> (i32, i32) {
    %c0_i32 = arith.constant 0 : i32
    %c0_i32_0 = arith.constant 0 : i32
    return %arg0, %c0_i32 : i32, i32
  }
  func.func @transform_2(%arg0: i32) -> (i32, i32) {
    %c0_i32 = arith.constant 0 : i32
    %c0_i32_0 = arith.constant 0 : i32
    return %arg0, %c0_i32 : i32, i32
  }
  func.func @transform_3(%arg0: i32) -> (i32, i32) {
    %c0_i32 = arith.constant 0 : i32
    %c0_i32_0 = arith.constant 0 : i32
    return %arg0, %c0_i32 : i32, i32
  }
  func.func @transform_4(%arg0: i32) -> (i32, i32) {
    %c0_i32 = arith.constant 0 : i32
    %c0_i32_0 = arith.constant 0 : i32
    %c0_i32_1 = arith.constant 0 : i32
    return %c0_i32, %c0_i32_0 : i32, i32
  }
  func.func @transform_5(%arg0: i32) -> (i32, i32) {
    %c0_i32 = arith.constant 0 : i32
    %c0_i32_0 = arith.constant 0 : i32
    %c0_i32_1 = arith.constant 0 : i32
    return %c0_i32, %c0_i32_0 : i32, i32
  }
  func.func @transform_6(%arg0: i32) -> (i32, i32) {
    %c0_i32 = arith.constant 0 : i32
    %c0_i32_0 = arith.constant 0 : i32
    %c0_i32_1 = arith.constant 0 : i32
    return %c0_i32, %c0_i32_0 : i32, i32
  }
  func.func @transform_7(%arg0: i32) -> (i32, i32) {
    %c0_i32 = arith.constant 0 : i32
    %c0_i32_0 = arith.constant 0 : i32
    %c0_i32_1 = arith.constant 0 : i32
    return %c0_i32, %c0_i32_0 : i32, i32
  }
  func.func @transform_8(%arg0: i32) -> (i32, i32) {
    %c0_i32 = arith.constant 0 : i32
    %c0_i32_0 = arith.constant 0 : i32
    %c0_i32_1 = arith.constant 0 : i32
    return %c0_i32, %c0_i32_0 : i32, i32
  }
  func.func @transform_9(%arg0: i32) -> (i32, i32) {
    %c0_i32 = arith.constant 0 : i32
    %c0_i32_0 = arith.constant 0 : i32
    return %arg0, %c0_i32 : i32, i32
  }
  func.func @transform_10(%arg0: i32) -> (i32, i32) {
    %c0_i32 = arith.constant 0 : i32
    %c0_i32_0 = arith.constant 0 : i32
    %c0_i32_1 = arith.constant 0 : i32
    return %c0_i32, %c0_i32_0 : i32, i32
  }
  func.func @transform_11(%arg0: i32) -> (i32, i32) {
    %c0_i32 = arith.constant 0 : i32
    %c0_i32_0 = arith.constant 0 : i32
    %c0_i32_1 = arith.constant 0 : i32
    return %c0_i32, %c0_i32_0 : i32, i32
  }
  func.func @transform_12(%arg0: i32) -> (i32, i32) {
    %c0_i32 = arith.constant 0 : i32
    %c0_i32_0 = arith.constant 0 : i32
    %c0_i32_1 = arith.constant 0 : i32
    return %c0_i32, %c0_i32_0 : i32, i32
  }
}

</mosaic_0001>

<sc_bundles>
// kernel: kernel.10.cloned.1.call-start
scs
__scs_entry_jumppad:
0x0: {  	(pc) =	sbr.rel $0x88, $3  }
0x1: {  	(tag) =	ssettag $0x0;
	lr =	simm.s32 $0x1  }
0x2: {  	[smem:$0x3F8A] =	sst lr;
	_ =	strace $0xD0000000  }
0x3: {  	_ = 	snop  }
0x4: {  	_ = 	snop  }
0x5: {  	_ = 	snop  }
0x6: {  	_ = 	snop  }
0x7: {  	_ = 	snop  }
__scs_overlays_trampoline_lowered:
0x8: {  	[smem:$0x3F99] =	sst s0  }
0x9: {  	[smem:$0x3F9A] =	sst s1  }
0xa: {  	[smem:$0x3F9B] =	sst s2  }
0xb: {  	[smem:$0x3F9C] =	sst s3  }
0xc: {  	[smem:$0x3F9D] =	sst s4  }
0xd: {  	[smem:$0x3F9E] =	sst s5  }
0xe: {  	[smem:$0x3F9F] =	sst s6  }
0xf: {  	[smem:$0x3FA0] =	sst s7  }
0x10: {  	[smem:$0x3FA1] =	sst s8  }
0x11: {  	[smem:$0x3FA2] =	sst s9;
	s0 =	simm.s32 @!p0 $0x0  }
0x12: {  	s1 =	sld [smem:$0x3F88];
	s0 =	simm.s32 @p0 $0x1  }
0x13: {  	[smem:$0x3FA3] =	sst s0;
	s0 =	simm.s32 @!p1 $0x0  }
0x14: {  	s2 =	sld [smem:$0x3F87];
	s0 =	simm.s32 @p1 $0x1  }
0x15: {  	[smem:$0x3FA4] =	sst s0;
	s0 =	simm.s32 @!p2 $0x0  }
0x16: {  	s3 =	sld [smem:$0x3FDB];
	s0 =	simm.s32 @p2 $0x1  }
0x17: {  	s4 =	simm.s32 $0x1BF5;
	[smem:$0x3FA6] =	sst s0  }
0x18: {  	s0 =	sld [smem:$0x3F89];
	_ =	swait.ge [sflag:s4], $0x0  }
0x19: {  	s7 =	sld [smem:$0x3F8A]  }
0x1a: {  	s8 =	sadd.s32 $0xFFFFE003, lr  }
0x1b: {  	s9 =	sadd.s32 $0xFFFFFEF7, lr;
	s5 =	simm.s32 $0xFFFFFFFF;
	p2 =	slt.u32 s8, $0xFFFFF086  }
0x1c: {  	p1 =	slt.u32 s9, $0xF7A;
	s5 =	simm.s32 @!p2 $0x0  }
0x1d: {  	s5 =	simm.s32 @p1 $0x1;
	p0 =	seq.s32 s7, s2  }
0x1e: {  	s7 =	smul.u32 @!p0 $0xF7A, s2;
	p2 =	seq.s32 @!p0 s5, $0x0  }
0x1f: {  	s9 =	smul.u32 $0xF7A, s1;
	s8 =	simm.s32 @!p0 $0x1BF5;
	p2 =	por !p2, p0  }
0x20: {  	[sflag:s8] =	ssyncset.s32 @!p0 $0xFFFFF086;
	s6 =	sadd.s32 @!p0 s3, s7;
	s7 =	simm.s32 @!p0 $0x108  }
0x21: {  	s3 =	sadd.s32 s3, s9;
	s6 =	sadd.s32 @!p0 $0x88, s6;
	s7 =	simm.s32 @p2 $0x1082  }
0x22: {  	[simem:s7], [sflag:s8] =	dma.local @!p0 [hbm:s6], $0xF7A  }
0x23: {  	s9 =	sor.u32 $0xD0000000, s2;
	s6 =	simm.s32 $0x108;
	_ =	swait.ge @!p0 [sflag:s8], $0x0  }
0x24: {  	s3 =	sadd.s32 $0x88, s3;
	s6 =	simm.s32 @!p1 $0x1082;
	[sflag:s4] =	ssyncset.s32 $0xFFFFF086  }
0x25: {  	[simem:s6], [sflag:s4] =	dma.local [hbm:s3], $0xF7A  }
0x26: {  	[smem:$0x3F8A] =	sst s1;
	(tag) =	ssettag s2;
	_ =	strace s9  }
0x27: {  	s1 =	sld [smem:$0x3F9A]  }
0x28: {  	s2 =	sld [smem:$0x3F9B]  }
0x29: {  	s4 =	sld [smem:$0x3F9D]  }
0x2a: {  	p0 =	seq.s32 s5, $0x0;
	s5 =	sld [smem:$0x3F9E]  }
0x2b: {  	s6 =	sld [smem:$0x3F9F]  }
0x2c: {  	s7 =	sld [smem:$0x3FA0]  }
0x2d: {  	s3 =	simm.s32 $0x108;
	s8 =	sld [smem:$0x3FA1]  }
0x2e: {  	s3 =	simm.s32 @!p0 $0x1082;
	s9 =	sld [smem:$0x3FA2]  }
0x2f: {  	lr =	sadd.s32 s0, s3;
	s0 =	sld [smem:$0x3F99]  }
0x30: {  	s3 =	sld [smem:$0x3F9C]  }
0x31: {  	[smem:$0x3FA5] =	sst s10  }
0x32: {  	s10 =	sld [smem:$0x3FA3];
	_ =	sdelay $0x3  }
0x33: {  	p0 =	seq.s32 s10, $0x1;
	s10 =	sld [smem:$0x3FA5];
	_ =	sdelay $0x3  }
0x34: {  	[smem:$0x3FA5] =	sst s10  }
0x35: {  	s10 =	sld [smem:$0x3FA4];
	_ =	sdelay $0x3  }
0x36: {  	p1 =	seq.s32 s10, $0x1;
	s10 =	sld [smem:$0x3FA5];
	_ =	sdelay $0x3  }
0x37: {  	[smem:$0x3FA5] =	sst s10  }
0x38: {  	s10 =	sld [smem:$0x3FA6]  }
0x39: {  	_ = 	snop;
	(pc) =	sbr.ind lr, $3  }
0x3a: {  	_ = 	snop  }
0x3b: {  	_ = 	snop  }
0x3c: {  	p2 =	seq.s32 s10, $0x1;
	s10 =	sld [smem:$0x3FA5]  }
0x3d: {  	_ =	shalt  }
0x3e: {  	_ =	shalt  }
0x3f: {  	_ =	shalt  }
0x40: {  	_ =	shalt  }
0x41: {  	_ =	shalt  }
0x42: {  	_ =	shalt  }
0x43: {  	_ =	shalt  }
0x44: {  	_ =	shalt  }
0x45: {  	_ =	shalt  }
0x46: {  	_ =	shalt  }
0x47: {  	_ =	shalt  }
0x48: {  	_ =	shalt  }
0x49: {  	_ =	shalt  }
0x4a: {  	_ =	shalt  }
0x4b: {  	_ =	shalt  }
0x4c: {  	_ =	shalt  }
0x4d: {  	_ =	shalt  }
0x4e: {  	_ =	shalt  }
0x4f: {  	_ =	shalt  }
0x50: {  	_ =	shalt  }
0x51: {  	_ =	shalt  }
0x52: {  	_ =	shalt  }
0x53: {  	_ =	shalt  }
0x54: {  	_ =	shalt  }
0x55: {  	_ =	shalt  }
0x56: {  	_ =	shalt  }
0x57: {  	_ =	shalt  }
0x58: {  	_ =	shalt  }
0x59: {  	_ =	shalt  }
0x5a: {  	_ =	shalt  }
0x5b: {  	_ =	shalt  }
0x5c: {  	_ =	shalt  }
0x5d: {  	_ =	shalt  }
0x5e: {  	_ =	shalt  }
0x5f: {  	_ =	shalt  }
0x60: {  	_ =	shalt  }
0x61: {  	_ =	shalt  }
0x62: {  	_ =	shalt  }
0x63: {  	_ =	shalt  }
0x64: {  	_ =	shalt  }
0x65: {  	_ =	shalt  }
0x66: {  	_ =	shalt  }
0x67: {  	_ =	shalt  }
0x68: {  	_ =	shalt  }
0x69: {  	_ =	shalt  }
0x6a: {  	_ =	shalt  }
0x6b: {  	_ =	shalt  }
0x6c: {  	_ =	shalt  }
0x6d: {  	_ =	shalt  }
0x6e: {  	_ =	shalt  }
0x6f: {  	_ =	shalt  }
0x70: {  	_ =	shalt  }
0x71: {  	_ =	shalt  }
0x72: {  	_ =	shalt  }
0x73: {  	_ =	shalt  }
0x74: {  	_ =	shalt  }
0x75: {  	_ =	shalt  }
0x76: {  	_ =	shalt  }
0x77: {  	_ =	shalt  }
0x78: {  	_ =	shalt  }
0x79: {  	_ =	shalt  }
0x7a: {  	_ =	shalt  }
0x7b: {  	_ =	shalt  }
0x7c: {  	_ =	shalt  }
0x7d: {  	_ =	shalt  }
0x7e: {  	_ =	shalt  }
0x7f: {  	_ =	shalt  }
0x80: {  	_ =	shalt  }
0x81: {  	_ =	shalt  }
0x82: {  	_ =	shalt  }
0x83: {  	_ =	shalt  }
0x84: {  	_ =	shalt  }
0x85: {  	_ =	shalt  }
0x86: {  	_ =	shalt  }
0x87: {  	_ =	shalt  }
.Lfunc_end0:
.L_simem_size_0:
called_computation_lowered:
.L_overlay_start_0:
0x88: {  	s2 =	sld [smem:$0x3FD9]  }
0x89: {  	s3 =	sld [smem:$0x3FFE];
	_ =	sdelay $0x1  }
0x8a: {  	s1 =	srdreg.scid  }
0x8b: {  	s0 =	sand.u32 $0x1, s1  }
0x8c: {  	s17 =	sshll.u32 s0, $0xA;
	s2 =	sadd.s32 s3, s2  }
0x8d: {  	s2 =	sadd.s32 s2, s17  }
0x8e: {  	[smem:$0x3FB1] =	sst s2  }
0x8f: {  	_ = 	snop  }
0x90: {  	s2 =	sld [smem:$0x3FD0];
	(tm) =	ssettm $0x1  }
0x91: {  	s18 =	sld [smem:$0x3FFB];
	_ =	sdelay $0x3  }
0x92: {  	_ =	strace s18  }
0x93: {  	s3 =	sld [smem:$0x3FFC];
	_ =	sdelay $0x3  }
0x94: {  	_ =	strace s3  }
0x95: {  	s3 =	sld [smem:$0x3FFD];
	_ =	sdelay $0x3  }
0x96: {  	_ =	strace s3  }
0x97: {  	_ =	strace $0x8FFFFFFF  }
0x98: {  	s19 =	sld [smem:$0x3FDB];
	_ =	sdelay $0x1  }
0x99: {  	s4 =	simm.s32 $_scs_section_size  }
0x9a: {  	s5 =	simm.s32 $_size__tile_overlayer_lowered;
	s6 =	simm.s32 $_tile_overlayer_lowered  }
0x9b: {  	s22 =	simm.s32 $0x1BFF;
	s21 =	sshll.u32 s6, $0x1;
	s3 =	sadd.s32 s4, s19  }
0x9c: {  	s7 =	simm.s32 $0x0;
	s20 =	sshll.u32 s5, $0x1;
	s5 =	sadd.s32 s21, s3  }
0x9d: {  	[timem:s7], [sflag:s22] =	dma.local [hbm:s5], s20  }
0x9e: {  	_ =	swait.ge [sflag:s22], s20  }
0x9f: {  	s4 =	ssub.s32 $0x0, s20;
	[sflag:s22] =	ssyncset.done $0x0  }
0xa0: {  	[sflag:s22] =	ssyncadd.s32 s4;
	_ =	sdelay $0x1  }
0xa1: {  	s23 =	simm.s32 $0x1B8B  }
0xa2: {  	_ =	swait.ge [sflag:s23], $0x1  }
0xa3: {  	[sflag:s23] =	ssyncset.done $0x0  }
0xa4: {  	s25 =	simm.s32 $0x1B8E;
	s24 =	sld [smem:$0x3FFE];
	[sflag:s23] =	ssyncadd.s32 $0xFFFFFFFF  }
0xa5: {  	s26 =	simm.s32 $execute0_lowered;
	[smem:$0x3FD2] =	sst s25  }
0xa6: {  	s5 =	sshll.u32 s26, $0x1;
	_ =	strace $0x80000046;
	[dreg:$0x1] =	wrdreg $0xFFFFFFFF  }
0xa7: {  	s28 =	simm.s32 $_size_execute0_lowered;
	s3 =	sadd.s32 s3, s5;
	[dreg:$0x0] =	wrdreg $0x0  }
0xa8: {  	s5 =	sshll.u32 s28, $0x1;
	[dreg:$0x2] =	wrdreg s3  }
0xa9: {  	[dreg:$0x3] =	wrdreg s5  }
0xaa: {  	[dreg:$0x4] =	wrdreg $0xC0  }
0xab: {  	_ =	task [dreg:s7], $0x5FFFF  }
0xac: {  	[dreg:$0x1] =	wrdreg $0xFFFFFFFF  }
0xad: {  	[dreg:$0x0] =	wrdreg $0x60  }
0xae: {  	[dreg:$0x2] =	wrdreg s24  }
0xaf: {  	[dreg:$0x3] =	wrdreg s2  }
0xb0: {  	[dreg:$0x4] =	wrdreg $0x4000  }
0xb1: {  	[dreg:$0x5] =	wrdreg $0x9  }
0xb2: {  	_ =	task.clear_ibuf [dreg:s7], $0x6FFFF;
	_ =	strace $0x90000046  }
0xb3: {  	s29 =	simm.s32 $0x9;
	_ =	strace $0x80000048  }
0xb4: {  	_ =	swait.ge [sflag:s29], $0x1  }
0xb5: {  	[sflag:s29] =	ssyncadd.s32 $0xFFFFFFFF  }
0xb6: {  	_ =	strace $0x90000048  }
0xb7: {  	_ =	sfence  }
0xb8: {  	s30 =	sld [smem:$0x0];
	_ =	sdelay $0x2  }
0xb9: {  	s31 =	sshll.u32 s1, $0xD;
	s1 =	sshrl.u32 s1, $0x2  }
0xba: {  	s3 =	sand.u32 $0x4000, s31;
	s1 =	sadd.s32 s1, s30  }
0xbb: {  	s0 =	sor.u32 s3, s0;
	s1 =	sshll.u32 s1, $0x11  }
0xbc: {  	s0 =	sor.u32 s1, s0  }
0xbd: {  	s0 =	sadd.s32 $0x8F2B, s0  }
0xbe: {  	[sflag:s0] =	ssyncadd.remote.s32 $0x1  }
0xbf: {  	_ =	sfence.sel $0xFFFF  }
0xc0: {  	[dreg:$0x0] =	wrdreg $0xFFFFFFFF;
	(pc) =	sbr.abs _section_cstart, $3  }
0xc1: {  	[dreg:$0x1] =	wrdreg $0xFFFFFFFF  }
0xc2: {  	_ =	task.clear_ibuf [dreg:s7], $0x2FFFF;
	_ =	strace $0x9FFFFFFF  }
0xc3: {  	(tm) =	ssettm $0x7FFFFFFF  }
tec
execute0_lowered:
.L_overlay_start_1:
0x0: {  	(tag) =	ssettag $0x1  }
0x1: {  	s6 =	rddreg [dreg:$0x0]  }
0x2: {  	s1 =	rddreg [dreg:$0x1]  }
0x3: {  	s2 =	rddreg [dreg:$0x2]  }
0x4: {  	s0 =	rddreg [dreg:$0x3];
	s3 =	simm.s32 $0x0  }
0x5: {  	s4 =	srdreg.scid;
	s16 =	stileid.u32;
	s17 =	simm.s32 $0x3  }
0x6: {  	s18 =	simm.s32 $0x100;
	s19 =	simm.s32 $0x80;
	s20 =	simm.s32 $0x1  }
0x7: {  	s21 =	simm.s32 $0x50;
	s22 =	simm.s32 $0x2;
	s23 =	simm.s32 $0x0  }
0x8: {  	[smem:$0x7FF] =	sst s3;
	s7 =	sand.u32 $0x1, s4;
	s10 =	smul.u32 $0x270, s16  }
0x9: {  	s4 =	sadd.s32 $0xEC00, s6;
	s11 =	sadd.s32 $0x18C00, s6;
	s15 =	smul.u32 $0x2710, s16  }
0xa: {  	p0 =	sne.s32 s16, $0x0;
	_ =	strace $0x80000047;
	s12 =	smul.u32 $0x2710, s7  }
0xb: {  	s5 =	sshll.u32 s7, $0x4;
	s9 =	ssub.s32 $0x2, s7;
	s14 =	smul.u32 $0x27100, s7  }
0xc: {  	s8 =	sor.u32 s16, s5;
	s5 =	sadd.s32 $0x18A00, s6;
	s31 =	sshrl.u32 s9, $0x1  }
0xd: {  	s6 =	sadd.s32 s10, s2;
	s16 =	simm.s32 $0x180;
	s8 =	smul.u32 $0x2710, s8  }
0xe: {  	s13 =	ssub.s32 s9, s31;
	s10 =	sadd.s32 s10, s12;
	s15 =	sadd.s32 s15, s14  }
0xf: {  	s12 =	sshrl.u32 s12, $0x3;
	s10 =	sshrl.u32 s10, $0x3;
	s14 =	sadd.s32 $0xF0, s15  }
0x10: {  	s15 =	sadd.s32 $0xA0, s15;
	s8 =	sshrl.u32 s8, $0x3;
	s10 =	sadd.s32 s11, s10  }
0x11: {  	s11 =	sadd.s32 s11, s12;
	s12 =	smax.u32 s13, $0x1;
	s14 =	sshrl.u32 s14, $0x3  }
0x12: {  	s7 =	sadd.s32 s4, s8;
	s8 =	sadd.s32 $0x2700, s2;
	s11 =	sadd.s32 $0x4E0, s11  }
0x13: {  	s14 =	sadd.s32 s14, s4;
	s9 =	sadd.s32 $0xA, s7;
	s13 =	sadd.s32 $0x4D8, s7  }
.LBB2_1:
0x14: {  	[tilespmem:s16], [sflag:$0x3] =	stream.linear.gather [hbm4b:s1+s3], $0x270, $0x38;
	[tilespmem:$0x678] =	vst v63  }
0x15: {  	_ =	swait.ge [sflag:s17], $0x270  }
0x16: {  	[sflag:s17] =	ssyncset.done $0x0  }
0x17: {  	[sflag:s17] =	ssyncadd.s32 $0xFFFFFD90  }
0x18: {  	[spmem:s6] =	stream.linear.scatter [tilespmem:s16], [sflag:$0x3], $0x270, $0x38;
	[tilespmem:$0x678] =	vst v63  }
0x19: {  	_ =	swait.ge [sflag:s17], $0x270  }
0x1a: {  	[sflag:s17] =	ssyncset.done $0x0  }
0x1b: {  	s24 =	simm.s32 @!p0 $0x180;
	[sflag:s17] =	ssyncadd.s32 $0xFFFFFD90  }
0x1c: {  	[spmem:s8] =	stream.linear.scatter @!p0 [tilespmem:s24], [sflag:$0x3], $0x10, $0x38;
	[tilespmem:$0x678] =	vst v63  }
0x1d: {  	s24 =	simm.s32 @!p0 $0x3  }
0x1e: {  	_ =	swait.ge @!p0 [sflag:s24], $0x10  }
0x1f: {  	[sflag:s24] =	ssyncset.done @!p0 $0x0  }
0x20: {  	[sflag:s24] =	ssyncadd.s32 @!p0 $0xFFFFFFF0  }
0x21: {  	[tilespmem:s18], [sflag:$0x3] =	stream.linear.gather [hbm4b:s5+s3], $0x50, $0x38;
	[tilespmem:$0x678] =	vst v63  }
0x22: {  	_ =	swait.ge [sflag:s17], $0x50  }
0x23: {  	[sflag:s17] =	ssyncset.done $0x0  }
0x24: {  	[sflag:s17] =	ssyncadd.s32 $0xFFFFFFB0  }
0x25: {  	[bflag:$0x0] =	sbarrier.arrive $0xFFFF  }
0x26: {  	[tilespmem:s3], [sflag:$0x1] =	stream.linear.gather [hbm4b:s7+s3], $0x50, $0x38;
	[tilespmem:$0x678] =	vst v63  }
0x27: {  	_ = 	snop  }
0x28: {  	[tilespmem:s19], [sflag:$0x2] =	stream.linear.gather [hbm4b:s9+s3], $0x50, $0x38;
	[tilespmem:$0x678] =	vst v63  }
0x29: {  	_ =	swait.ge [sflag:s20], $0x50  }
0x2a: {  	[sflag:s20] =	ssyncset.done $0x0  }
0x2b: {  	[sflag:s20] =	ssyncadd.s32 $0xFFFFFFB0  }
0x2c: {  	[spmem:s2] =	stream.indirect.scatter.add.f32 [tilespmem:s18], [sflag:$0x3], $0x1, s3, s21, $0xb8;
	[tilespmem:$0x678] =	vst v63  }
0x2d: {  	_ =	swait.ge [sflag:s17], $0x50  }
0x2e: {  	s31 =	sshrl.u32 s15, $0x3;
	[sflag:s17] =	ssyncset.done $0x0  }
0x2f: {  	s24 =	sadd.s32 s4, s31;
	[sflag:s17] =	ssyncadd.s32 $0xFFFFFFB0  }
0x30: {  	[tilespmem:s3], [sflag:$0x1] =	stream.linear.gather [hbm4b:s24+s3], $0x50, $0x38;
	[tilespmem:$0x678] =	vst v63  }
0x31: {  	_ =	swait.ge [sflag:s22], $0x50  }
0x32: {  	[sflag:s22] =	ssyncset.done $0x0  }
0x33: {  	[sflag:s22] =	ssyncadd.s32 $0xFFFFFFB0  }
0x34: {  	[spmem:s2] =	stream.indirect.scatter.add.f32 [tilespmem:s18], [sflag:$0x3], $0x1, s19, s21, $0xb8;
	[tilespmem:$0x678] =	vst v63  }
0x35: {  	_ =	swait.ge [sflag:s17], $0x50  }
0x36: {  	s26 =	sadd.s32 $0x0, s14;
	[sflag:s17] =	ssyncset.done $0x0  }
0x37: {  	s25 =	sadd.s32 $0xA0, s15;
	s24 =	simm.s32 $0x14;
	[sflag:s17] =	ssyncadd.s32 $0xFFFFFFB0  }
.LBB2_2:
0x38: {  	[tilespmem:s19], [sflag:$0x2] =	stream.linear.gather [hbm4b:s26+s3], $0x50, $0x38;
	[tilespmem:$0x678] =	vst v63  }
0x39: {  	s26 =	smov.u32 s24  }
0x3a: {  	p1 =	sne.s32 s24, $0x4B0;
	s24 =	sadd.s32 $0x14, s24;
	_ =	swait.ge [sflag:s20], $0x50  }
0x3b: {  	[sflag:s20] =	ssyncset.done $0x0  }
0x3c: {  	[sflag:s20] =	ssyncadd.s32 $0xFFFFFFB0  }
0x3d: {  	[spmem:s2] =	stream.indirect.scatter.add.f32 [tilespmem:s18], [sflag:$0x3], $0x1, s3, s21, $0xb8;
	[tilespmem:$0x678] =	vst v63  }
0x3e: {  	_ =	swait.ge [sflag:s17], $0x50  }
0x3f: {  	s28 =	sshrl.u32 s25, $0x3;
	[sflag:s17] =	ssyncset.done $0x0  }
0x40: {  	s28 =	sadd.s32 s4, s28;
	[sflag:s17] =	ssyncadd.s32 $0xFFFFFFB0  }
0x41: {  	[tilespmem:s3], [sflag:$0x1] =	stream.linear.gather [hbm4b:s28+s3], $0x50, $0x38;
	[tilespmem:$0x678] =	vst v63  }
0x42: {  	_ =	swait.ge [sflag:s22], $0x50  }
0x43: {  	[sflag:s22] =	ssyncset.done $0x0  }
.Ltmp0:
0x44: {  	[sflag:s22] =	ssyncadd.s32 $0xFFFFFFB0;
	(pc) =	sbr.rel @p1 .LBB2_2-.Ltmp0, $4  }
0x45: {  	[spmem:s2] =	stream.indirect.scatter.add.f32 [tilespmem:s18], [sflag:$0x3], $0x1, s19, s21, $0xb8;
	[tilespmem:$0x678] =	vst v63  }
0x46: {  	_ =	swait.ge [sflag:s17], $0x50  }
0x47: {  	[sflag:s17] =	ssyncset.done $0x0  }
0x48: {  	s25 =	sadd.s32 $0xA0, s25;
	s26 =	sadd.s32 s26, s14;
	[sflag:s17] =	ssyncadd.s32 $0xFFFFFFB0  }
0x49: {  	[tilespmem:s19], [sflag:$0x2] =	stream.linear.gather [hbm4b:s26+s3], $0x50, $0x38;
	[tilespmem:$0x678] =	vst v63  }
0x4a: {  	_ =	swait.ge [sflag:s20], $0x50  }
0x4b: {  	[sflag:s20] =	ssyncset.done $0x0  }
0x4c: {  	[sflag:s20] =	ssyncadd.s32 $0xFFFFFFB0  }
0x4d: {  	[spmem:s2] =	stream.indirect.scatter.add.f32 [tilespmem:s18], [sflag:$0x3], $0x1, s3, s21, $0xb8;
	[tilespmem:$0x678] =	vst v63  }
0x4e: {  	_ =	swait.ge [sflag:s17], $0x50  }
0x4f: {  	[sflag:s17] =	ssyncset.done $0x0  }
0x50: {  	[sflag:s17] =	ssyncadd.s32 $0xFFFFFFB0  }
0x51: {  	[tilespmem:s3], [sflag:$0x1] =	stream.linear.gather [hbm4b:s13+s3], $0x50, $0x38;
	[tilespmem:$0x678] =	vst v63  }
0x52: {  	_ =	swait.ge [sflag:s22], $0x50  }
0x53: {  	[sflag:s22] =	ssyncset.done $0x0  }
0x54: {  	[sflag:s22] =	ssyncadd.s32 $0xFFFFFFB0  }
0x55: {  	[spmem:s2] =	stream.indirect.scatter.add.f32 [tilespmem:s18], [sflag:$0x3], $0x1, s19, s21, $0xb8;
	[tilespmem:$0x678] =	vst v63  }
0x56: {  	_ =	swait.ge [sflag:s17], $0x50  }
0x57: {  	[sflag:s17] =	ssyncset.done $0x0  }
0x58: {  	[sflag:s17] =	ssyncadd.s32 $0xFFFFFFB0  }
0x59: {  	_ =	swait.ge [sflag:s20], $0x50  }
0x5a: {  	[sflag:s20] =	ssyncset.done $0x0  }
0x5b: {  	[sflag:s20] =	ssyncadd.s32 $0xFFFFFFB0  }
0x5c: {  	[spmem:s2] =	stream.indirect.scatter.add.f32 [tilespmem:s18], [sflag:$0x3], $0x1, s3, s21, $0xb8;
	[tilespmem:$0x678] =	vst v63  }
0x5d: {  	_ =	swait.ge [sflag:s17], $0x50  }
0x5e: {  	[sflag:s17] =	ssyncset.done $0x0  }
0x5f: {  	[sflag:s17] =	ssyncadd.s32 $0xFFFFFFB0  }
0x60: {  	[bflag:$0x0] =	sbarrier.arrive $0xFFFF  }
0x61: {  	[tilespmem:s16], [sflag:$0x3] =	stream.linear.gather [spmem:s6], $0x270, $0x38;
	[tilespmem:$0x678] =	vst v63  }
0x62: {  	_ =	swait.ge [sflag:s17], $0x270  }
0x63: {  	[sflag:s17] =	ssyncset.done $0x0  }
0x64: {  	[sflag:s17] =	ssyncadd.s32 $0xFFFFFD90  }
0x65: {  	[hbm4b:s10+s3] =	stream.linear.scatter [tilespmem:s16], [sflag:$0x3], $0x270, $0x38;
	[tilespmem:$0x678] =	vst v63  }
0x66: {  	_ =	swait.ge [sflag:s17], $0x270  }
0x67: {  	[sflag:s17] =	ssyncset.done $0x0  }
0x68: {  	s24 =	simm.s32 @!p0 $0x100;
	s25 =	simm.s32 @!p0 $0x3;
	[sflag:s17] =	ssyncadd.s32 $0xFFFFFD90  }
0x69: {  	[tilespmem:s24], [sflag:$0x3] =	stream.linear.gather @!p0 [spmem:s8], $0x10, $0x38;
	[tilespmem:$0x678] =	vst v63  }
0x6a: {  	s23 =	sadd.s32 $0x1, s23;
	_ =	swait.ge @!p0 [sflag:s25], $0x10  }
0x6b: {  	p1 =	sne.s32 s23, s12;
	[sflag:s25] =	ssyncset.done @!p0 $0x0  }
.Ltmp1:
0x6c: {  	s26 =	simm.s32 @!p0 $0x0;
	[sflag:s25] =	ssyncadd.s32 @!p0 $0xFFFFFFF0;
	(pc) =	sbr.rel @p1 .LBB2_1-.Ltmp1, $4  }
0x6d: {  	[hbm4b:s11+s26] =	stream.linear.scatter @!p0 [tilespmem:s24], [sflag:$0x3], $0x10, $0x38;
	[tilespmem:$0x678] =	vst v63  }
0x6e: {  	_ =	swait.ge @!p0 [sflag:s25], $0x10  }
0x6f: {  	[sflag:s25] =	ssyncset.done @!p0 $0x0  }
0x70: {  	[sflag:s25] =	ssyncadd.s32 @!p0 $0xFFFFFFF0  }
0x71: {  	_ =	sfence.sel $0x180000  }
0x72: {  	[bflag:$0x0] =	sbarrier.arrive $0xFFFF  }
0x73: {  	_ =	strace $0x90000047  }
0x74: {  	s0 =	sadd.s32 @!p0 $0x100000, s0;
	[bflag:$0x2] =	sbarrier.arrive $0xFFFF  }
0x75: {  	[sflag:s0] =	ssyncadd.tile.s32 @!p0 $0x1;
	_ =	shalt  }
.Lfunc_end2:
_tile_overlayer_lowered:
.L_overlay_start_2:
0x76: {  	(tag) =	ssettag $0x2  }
0x77: {  	s0 =	rddreg [dreg:$0x0];
	s2 =	stileid.u32  }
0x78: {  	s1 =	rddreg [dreg:$0x1];
	p0 =	sne.s32 s2, $0x0  }
0x79: {  	s3 =	rddreg [dreg:$0x2];
	[bflag:$0x3] =	sbarrier.arrive $0xFFFF;
	s2 =	simm.s32 @!p0 $0x1C03  }
0x7a: {  	[timem:s3], [sflag:s2] =	dma.local @!p0 [hbm:s0], s1  }
0x7b: {  	s0 =	simm.s32 @!p0 $0x3  }
0x7c: {  	_ =	swait.ge @!p0 [sflag:s0], s1  }
0x7d: {  	s1 =	ssub.s32 @!p0 $0x0, s1;
	[sflag:s0] =	ssyncset.done @!p0 $0x0  }
0x7e: {  	[sflag:s0] =	ssyncadd.s32 @!p0 s1  }
0x7f: {  	[bflag:$0x3] =	sbarrier.arrive $0xFFFF  }
0x80: {  	_ =	shalt  }

// kernel: kernel.13.cloned.1.call-start
scs
__scs_entry_jumppad:
0x0: {  	(pc) =	sbr.rel $0x88, $3  }
0x1: {  	(tag) =	ssettag $0x0;
	lr =	simm.s32 $0x1  }
0x2: {  	[smem:$0x3F8A] =	sst lr;
	_ =	strace $0xD0000000  }
0x3: {  	_ = 	snop  }
0x4: {  	_ = 	snop  }
0x5: {  	_ = 	snop  }
0x6: {  	_ = 	snop  }
0x7: {  	_ = 	snop  }
__scs_overlays_trampoline_lowered:
0x8: {  	[smem:$0x3F99] =	sst s0  }
0x9: {  	[smem:$0x3F9A] =	sst s1  }
0xa: {  	[smem:$0x3F9B] =	sst s2  }
0xb: {  	[smem:$0x3F9C] =	sst s3  }
0xc: {  	[smem:$0x3F9D] =	sst s4  }
0xd: {  	[smem:$0x3F9E] =	sst s5  }
0xe: {  	[smem:$0x3F9F] =	sst s6  }
0xf: {  	[smem:$0x3FA0] =	sst s7  }
0x10: {  	[smem:$0x3FA1] =	sst s8  }
0x11: {  	[smem:$0x3FA2] =	sst s9;
	s0 =	simm.s32 @!p0 $0x0  }
0x12: {  	s1 =	sld [smem:$0x3F88];
	s0 =	simm.s32 @p0 $0x1  }
0x13: {  	[smem:$0x3FA3] =	sst s0;
	s0 =	simm.s32 @!p1 $0x0  }
0x14: {  	s2 =	sld [smem:$0x3F87];
	s0 =	simm.s32 @p1 $0x1  }
0x15: {  	[smem:$0x3FA4] =	sst s0;
	s0 =	simm.s32 @!p2 $0x0  }
0x16: {  	s3 =	sld [smem:$0x3FDB];
	s0 =	simm.s32 @p2 $0x1  }
0x17: {  	s4 =	simm.s32 $0x1BF5;
	[smem:$0x3FA6] =	sst s0  }
0x18: {  	s0 =	sld [smem:$0x3F89];
	_ =	swait.ge [sflag:s4], $0x0  }
0x19: {  	s7 =	sld [smem:$0x3F8A]  }
0x1a: {  	s8 =	sadd.s32 $0xFFFFE003, lr  }
0x1b: {  	s9 =	sadd.s32 $0xFFFFFEF7, lr;
	s5 =	simm.s32 $0xFFFFFFFF;
	p2 =	slt.u32 s8, $0xFFFFF086  }
0x1c: {  	p1 =	slt.u32 s9, $0xF7A;
	s5 =	simm.s32 @!p2 $0x0  }
0x1d: {  	s5 =	simm.s32 @p1 $0x1;
	p0 =	seq.s32 s7, s2  }
0x1e: {  	s7 =	smul.u32 @!p0 $0xF7A, s2;
	p2 =	seq.s32 @!p0 s5, $0x0  }
0x1f: {  	s9 =	smul.u32 $0xF7A, s1;
	s8 =	simm.s32 @!p0 $0x1BF5;
	p2 =	por !p2, p0  }
0x20: {  	[sflag:s8] =	ssyncset.s32 @!p0 $0xFFFFF086;
	s6 =	sadd.s32 @!p0 s3, s7;
	s7 =	simm.s32 @!p0 $0x108  }
0x21: {  	s3 =	sadd.s32 s3, s9;
	s6 =	sadd.s32 @!p0 $0x88, s6;
	s7 =	simm.s32 @p2 $0x1082  }
0x22: {  	[simem:s7], [sflag:s8] =	dma.local @!p0 [hbm:s6], $0xF7A  }
0x23: {  	s9 =	sor.u32 $0xD0000000, s2;
	s6 =	simm.s32 $0x108;
	_ =	swait.ge @!p0 [sflag:s8], $0x0  }
0x24: {  	s3 =	sadd.s32 $0x88, s3;
	s6 =	simm.s32 @!p1 $0x1082;
	[sflag:s4] =	ssyncset.s32 $0xFFFFF086  }
0x25: {  	[simem:s6], [sflag:s4] =	dma.local [hbm:s3], $0xF7A  }
0x26: {  	[smem:$0x3F8A] =	sst s1;
	(tag) =	ssettag s2;
	_ =	strace s9  }
0x27: {  	s1 =	sld [smem:$0x3F9A]  }
0x28: {  	s2 =	sld [smem:$0x3F9B]  }
0x29: {  	s4 =	sld [smem:$0x3F9D]  }
0x2a: {  	p0 =	seq.s32 s5, $0x0;
	s5 =	sld [smem:$0x3F9E]  }
0x2b: {  	s6 =	sld [smem:$0x3F9F]  }
0x2c: {  	s7 =	sld [smem:$0x3FA0]  }
0x2d: {  	s3 =	simm.s32 $0x108;
	s8 =	sld [smem:$0x3FA1]  }
0x2e: {  	s3 =	simm.s32 @!p0 $0x1082;
	s9 =	sld [smem:$0x3FA2]  }
0x2f: {  	lr =	sadd.s32 s0, s3;
	s0 =	sld [smem:$0x3F99]  }
0x30: {  	s3 =	sld [smem:$0x3F9C]  }
0x31: {  	[smem:$0x3FA5] =	sst s10  }
0x32: {  	s10 =	sld [smem:$0x3FA3];
	_ =	sdelay $0x3  }
0x33: {  	p0 =	seq.s32 s10, $0x1;
	s10 =	sld [smem:$0x3FA5];
	_ =	sdelay $0x3  }
0x34: {  	[smem:$0x3FA5] =	sst s10  }
0x35: {  	s10 =	sld [smem:$0x3FA4];
	_ =	sdelay $0x3  }
0x36: {  	p1 =	seq.s32 s10, $0x1;
	s10 =	sld [smem:$0x3FA5];
	_ =	sdelay $0x3  }
0x37: {  	[smem:$0x3FA5] =	sst s10  }
0x38: {  	s10 =	sld [smem:$0x3FA6]  }
0x39: {  	_ = 	snop;
	(pc) =	sbr.ind lr, $3  }
0x3a: {  	_ = 	snop  }
0x3b: {  	_ = 	snop  }
0x3c: {  	p2 =	seq.s32 s10, $0x1;
	s10 =	sld [smem:$0x3FA5]  }
0x3d: {  	_ =	shalt  }
0x3e: {  	_ =	shalt  }
0x3f: {  	_ =	shalt  }
0x40: {  	_ =	shalt  }
0x41: {  	_ =	shalt  }
0x42: {  	_ =	shalt  }
0x43: {  	_ =	shalt  }
0x44: {  	_ =	shalt  }
0x45: {  	_ =	shalt  }
0x46: {  	_ =	shalt  }
0x47: {  	_ =	shalt  }
0x48: {  	_ =	shalt  }
0x49: {  	_ =	shalt  }
0x4a: {  	_ =	shalt  }
0x4b: {  	_ =	shalt  }
0x4c: {  	_ =	shalt  }
0x4d: {  	_ =	shalt  }
0x4e: {  	_ =	shalt  }
0x4f: {  	_ =	shalt  }
0x50: {  	_ =	shalt  }
0x51: {  	_ =	shalt  }
0x52: {  	_ =	shalt  }
0x53: {  	_ =	shalt  }
0x54: {  	_ =	shalt  }
0x55: {  	_ =	shalt  }
0x56: {  	_ =	shalt  }
0x57: {  	_ =	shalt  }
0x58: {  	_ =	shalt  }
0x59: {  	_ =	shalt  }
0x5a: {  	_ =	shalt  }
0x5b: {  	_ =	shalt  }
0x5c: {  	_ =	shalt  }
0x5d: {  	_ =	shalt  }
0x5e: {  	_ =	shalt  }
0x5f: {  	_ =	shalt  }
0x60: {  	_ =	shalt  }
0x61: {  	_ =	shalt  }
0x62: {  	_ =	shalt  }
0x63: {  	_ =	shalt  }
0x64: {  	_ =	shalt  }
0x65: {  	_ =	shalt  }
0x66: {  	_ =	shalt  }
0x67: {  	_ =	shalt  }
0x68: {  	_ =	shalt  }
0x69: {  	_ =	shalt  }
0x6a: {  	_ =	shalt  }
0x6b: {  	_ =	shalt  }
0x6c: {  	_ =	shalt  }
0x6d: {  	_ =	shalt  }
0x6e: {  	_ =	shalt  }
0x6f: {  	_ =	shalt  }
0x70: {  	_ =	shalt  }
0x71: {  	_ =	shalt  }
0x72: {  	_ =	shalt  }
0x73: {  	_ =	shalt  }
0x74: {  	_ =	shalt  }
0x75: {  	_ =	shalt  }
0x76: {  	_ =	shalt  }
0x77: {  	_ =	shalt  }
0x78: {  	_ =	shalt  }
0x79: {  	_ =	shalt  }
0x7a: {  	_ =	shalt  }
0x7b: {  	_ =	shalt  }
0x7c: {  	_ =	shalt  }
0x7d: {  	_ =	shalt  }
0x7e: {  	_ =	shalt  }
0x7f: {  	_ =	shalt  }
0x80: {  	_ =	shalt  }
0x81: {  	_ =	shalt  }
0x82: {  	_ =	shalt  }
0x83: {  	_ =	shalt  }
0x84: {  	_ =	shalt  }
0x85: {  	_ =	shalt  }
0x86: {  	_ =	shalt  }
0x87: {  	_ =	shalt  }
.Lfunc_end0:
.L_simem_size_0:
called_computation.1_lowered:
.L_overlay_start_0:
0x88: {  	s2 =	sld [smem:$0x3FD9]  }
0x89: {  	s3 =	sld [smem:$0x3FFE];
	_ =	sdelay $0x1  }
0x8a: {  	s1 =	srdreg.scid  }
0x8b: {  	s0 =	sand.u32 $0x1, s1  }
0x8c: {  	s16 =	sshll.u32 s0, $0xA;
	s2 =	sadd.s32 s3, s2  }
0x8d: {  	s2 =	sadd.s32 s2, s16  }
0x8e: {  	[smem:$0x3FB1] =	sst s2  }
0x8f: {  	_ = 	snop  }
0x90: {  	(tm) =	ssettm $0x1  }
0x91: {  	s17 =	sld [smem:$0x3FFB];
	_ =	sdelay $0x3  }
0x92: {  	_ =	strace s17  }
0x93: {  	s2 =	sld [smem:$0x3FFC];
	_ =	sdelay $0x3  }
0x94: {  	_ =	strace s2  }
0x95: {  	s2 =	sld [smem:$0x3FFD];
	_ =	sdelay $0x3  }
0x96: {  	_ =	strace s2  }
0x97: {  	_ =	strace $0x8FFFFFFF  }
0x98: {  	s18 =	sld [smem:$0x3FDB];
	_ =	sdelay $0x1  }
0x99: {  	s19 =	simm.s32 $_scs_section_size  }
0x9a: {  	s4 =	simm.s32 $_size__tile_overlayer_lowered;
	s5 =	simm.s32 $_tile_overlayer_lowered  }
0x9b: {  	s22 =	simm.s32 $0x1BFF;
	s21 =	sshll.u32 s5, $0x1;
	s2 =	sadd.s32 s19, s18  }
0x9c: {  	s6 =	simm.s32 $0x0;
	s20 =	sshll.u32 s4, $0x1;
	s4 =	sadd.s32 s21, s2  }
0x9d: {  	[timem:s6], [sflag:s22] =	dma.local [hbm:s4], s20  }
0x9e: {  	_ =	swait.ge [sflag:s22], s20  }
0x9f: {  	s3 =	ssub.s32 $0x0, s20;
	[sflag:s22] =	ssyncset.done $0x0  }
0xa0: {  	[sflag:s22] =	ssyncadd.s32 s3;
	_ =	sdelay $0x1  }
0xa1: {  	s23 =	simm.s32 $0x1B8B  }
0xa2: {  	_ =	swait.ge [sflag:s23], $0x1  }
0xa3: {  	[sflag:s23] =	ssyncset.done $0x0  }
0xa4: {  	s25 =	simm.s32 $0x1B8E;
	s24 =	sld [smem:$0x3FFE];
	[sflag:s23] =	ssyncadd.s32 $0xFFFFFFFF  }
0xa5: {  	s26 =	simm.s32 $execute0_lowered;
	[smem:$0x3FD2] =	sst s25  }
0xa6: {  	s4 =	sshll.u32 s26, $0x1;
	_ =	strace $0x80000049;
	[dreg:$0x1] =	wrdreg $0xFFFFFFFF  }
0xa7: {  	s28 =	simm.s32 $_size_execute0_lowered;
	s2 =	sadd.s32 s2, s4;
	[dreg:$0x0] =	wrdreg $0x0  }
0xa8: {  	s4 =	sshll.u32 s28, $0x1;
	[dreg:$0x2] =	wrdreg s2  }
0xa9: {  	[dreg:$0x3] =	wrdreg s4  }
0xaa: {  	[dreg:$0x4] =	wrdreg $0xC0  }
0xab: {  	_ =	task [dreg:s6], $0x5FFFF  }
0xac: {  	[dreg:$0x1] =	wrdreg $0xFFFFFFFF  }
0xad: {  	[dreg:$0x0] =	wrdreg $0x60  }
0xae: {  	[dreg:$0x2] =	wrdreg s24  }
0xaf: {  	[dreg:$0x3] =	wrdreg $0x52000  }
0xb0: {  	[dreg:$0x4] =	wrdreg $0x9  }
0xb1: {  	_ =	task.clear_ibuf [dreg:s6], $0x5FFFF;
	_ =	strace $0x90000049  }
0xb2: {  	s29 =	simm.s32 $0x9;
	_ =	strace $0x8000004B  }
0xb3: {  	_ =	swait.ge [sflag:s29], $0x1  }
0xb4: {  	[sflag:s29] =	ssyncadd.s32 $0xFFFFFFFF  }
0xb5: {  	_ =	strace $0x9000004B  }
0xb6: {  	_ =	sfence  }
0xb7: {  	s30 =	sld [smem:$0x0];
	_ =	sdelay $0x2  }
0xb8: {  	s31 =	sshll.u32 s1, $0xD;
	s1 =	sshrl.u32 s1, $0x2  }
0xb9: {  	s3 =	sand.u32 $0x4000, s31;
	s1 =	sadd.s32 s1, s30  }
0xba: {  	s0 =	sor.u32 s3, s0;
	s1 =	sshll.u32 s1, $0x11  }
0xbb: {  	s0 =	sor.u32 s1, s0  }
0xbc: {  	s0 =	sadd.s32 $0x8F2B, s0  }
0xbd: {  	[sflag:s0] =	ssyncadd.remote.s32 $0x1  }
0xbe: {  	_ =	sfence.sel $0xFFFF  }
0xbf: {  	[dreg:$0x0] =	wrdreg $0xFFFFFFFF;
	(pc) =	sbr.abs _section_cstart, $3  }
0xc0: {  	[dreg:$0x1] =	wrdreg $0xFFFFFFFF  }
0xc1: {  	_ =	task.clear_ibuf [dreg:s6], $0x2FFFF;
	_ =	strace $0x9FFFFFFF  }
0xc2: {  	(tm) =	ssettm $0x7FFFFFFF  }
0xc3: {  	_ =	shalt  }
tec
execute0_lowered:
.L_overlay_start_1:
0x0: {  	(tag) =	ssettag $0x1  }
0x1: {  	s0 =	rddreg [dreg:$0x0]  }
0x2: {  	s1 =	rddreg [dreg:$0x1];
	s2 =	simm.s32 $0x0;
	s6 =	srdreg.scid  }
0x3: {  	s7 =	stileid.u32;
	s28 =	simm.s32 $0x180;
	s29 =	simm.s32 $0x3  }
0x4: {  	s30 =	simm.s32 $0x50;
	s31 =	simm.s32 $0x200;
	[smem:$0x7FF] =	sst s2  }
0x5: {  	s3 =	sadd.s32 $0x18A00, s0;
	s4 =	sadd.s32 $0x4E00, s0;
	s5 =	sadd.s32 $0xEC00, s0  }
0x6: {  	s9 =	sand.u32 $0x1, s6;
	s6 =	sadd.s32 $0x3FC00, s0;
	s10 =	smul.u32 $0x4E000, s7  }
0x7: {  	s0 =	sadd.s32 $0x40A00, s0;
	s24 =	sshll.u32 s7, $0x6;
	s16 =	smul.u32 $0x13800, s7  }
0x8: {  	s14 =	sadd.s32 $0x138000, s1;
	s19 =	smul.u32 $0x2710, s7;
	p0 =	sne.s32 s7, $0x0  }
0x9: {  	_ =	strace $0x8000004A;
	s8 =	ssub.s32 $0x2, s9;
	s25 =	smul.u32 $0x138800, s9  }
0xa: {  	s12 =	sshll.u32 s9, $0x4;
	[dreg:$0x4] =	wrdreg s14;
	s9 =	smul.u32 $0x27100, s9  }
0xb: {  	s11 =	sshrl.u32 s8, $0x1;
	s23 =	sor.u32 s7, s12;
	s10 =	sshrl.u32 s10, $0x2  }
0xc: {  	s11 =	ssub.s32 s8, s11;
	s12 =	smul.u32 $0x2710, s23;
	s13 =	sadd.s32 s10, s1  }
0xd: {  	s8 =	sor.u32 $0x1C05, s24;
	s16 =	sadd.s32 s16, s25;
	s14 =	sshrl.u32 s25, $0x3  }
0xe: {  	s22 =	sadd.s32 s19, s9;
	s10 =	sadd.s32 $0x6800, s13;
	[dreg:$0x3] =	wrdreg s13  }
0xf: {  	s13 =	sadd.s32 $0xD000, s13;
	s20 =	sshrl.u32 s16, $0x3;
	s14 =	sadd.s32 s0, s14  }
0x10: {  	s23 =	smax.u32 s11, $0x1;
	s25 =	sadd.s32 $0xF0, s22;
	s11 =	simm.s32 $0x2  }
0x11: {  	s12 =	sshrl.u32 s12, $0x3;
	s0 =	sadd.s32 s0, s20;
	s21 =	sadd.s32 $0x27000, s14  }
0x12: {  	[dreg:$0xb] =	wrdreg s23;
	s23 =	sshrl.u32 s10, $0x3;
	s10 =	simm.s32 $0x1  }
0x13: {  	s15 =	sadd.s32 s4, s12;
	s26 =	sadd.s32 $0xA, s12;
	[dreg:$0x9] =	wrdreg s0  }
0x14: {  	s17 =	sadd.s32 s5, s12;
	[dreg:$0xa] =	wrdreg s21;
	s24 =	sadd.s32 $0x4D8, s12  }
0x15: {  	s21 =	sadd.s32 $0xA0, s22;
	s22 =	simm.s32 $0x5;
	[dreg:$0x5] =	wrdreg s15  }
0x16: {  	s0 =	simm.s32 $0x4;
	[dreg:$0x6] =	wrdreg s17;
	s18 =	sadd.s32 s4, s26  }
0x17: {  	s15 =	sadd.s32 s5, s26;
	s12 =	sadd.s32 s4, s24;
	[dreg:$0x7] =	wrdreg s18  }
0x18: {  	s9 =	sadd.s32 s5, s24;
	s26 =	sshrl.u32 s25, $0x3;
	[dreg:$0x8] =	wrdreg s15  }
0x19: {  	s24 =	sshrl.u32 s13, $0x3;
	s25 =	simm.s32 $0x100;
	[dreg:$0xc] =	wrdreg s12  }
0x1a: {  	[dreg:$0xd] =	wrdreg s9;
	s19 =	sadd.s32 s26, s5;
	s20 =	sadd.s32 s26, s4  }
0x1b: {  	s26 =	simm.s32 $0x80;
	s9 =	simm.s32 $0x2A00;
	s12 =	simm.s32 $0x0  }
.LBB2_1:
0x1c: {  	s7 =	rddreg [dreg:$0x3]  }
0x1d: {  	s7 =	sshrl.u32 s7, $0x3  }
0x1e: {  	[spmem:s7], [sflag:s8] =	dma.local [hbm:s6], $0xD00  }
0x1f: {  	_ =	swait.ge [sflag:s22], $0xD00  }
0x20: {  	[sflag:s22] =	ssyncset.done $0x0  }
0x21: {  	[sflag:s22] =	ssyncadd.s32 $0xFFFFF300  }
0x22: {  	[spmem:s23], [sflag:s8] =	dma.local [hbm:s6], $0xD00  }
0x23: {  	_ =	swait.ge [sflag:s22], $0xD00  }
0x24: {  	[sflag:s22] =	ssyncset.done $0x0  }
0x25: {  	[sflag:s22] =	ssyncadd.s32 $0xFFFFF300  }
0x26: {  	[spmem:s24], [sflag:s8] =	dma.local [hbm:s6], $0xD00  }
0x27: {  	_ =	swait.ge [sflag:s22], $0xD00  }
0x28: {  	[sflag:s22] =	ssyncset.done $0x0;
	s13 =	rddreg [dreg:$0x4]  }
0x29: {  	s14 =	simm.s32 @!p0 $0x5;
	[sflag:s22] =	ssyncadd.s32 $0xFFFFF300;
	s13 =	sshrl.u32 @!p0 s13, $0x3  }
0x2a: {  	[spmem:s13], [sflag:s8] =	dma.local @!p0 [hbm:s6], $0x180  }
0x2b: {  	_ =	swait.ge @!p0 [sflag:s14], $0x180  }
0x2c: {  	[sflag:s14] =	ssyncset.done @!p0 $0x0  }
0x2d: {  	[sflag:s14] =	ssyncadd.s32 @!p0 $0xFFFFFE80  }
0x2e: {  	[bflag:$0x0] =	sbarrier.arrive $0xFFFF  }
0x2f: {  	s17 =	rddreg [dreg:$0x5]  }
0x30: {  	[tilespmem:s2], [sflag:$0x3] =	stream.linear.gather [hbm4b:s17+s2], $0x50, $0x38;
	[tilespmem:$0x18AC0] =	vst v63  }
0x31: {  	s18 =	rddreg [dreg:$0x6]  }
0x32: {  	[tilespmem:s25], [sflag:$0x3] =	stream.linear.gather [hbm4b:s18+s2], $0x50, $0x38;
	[tilespmem:$0x18AC0] =	vst v63  }
0x33: {  	s15 =	rddreg [dreg:$0x7]  }
0x34: {  	[tilespmem:s26], [sflag:$0x4] =	stream.linear.gather [hbm4b:s15+s2], $0x50, $0x38;
	[tilespmem:$0x18AC0] =	vst v63  }
0x35: {  	s16 =	rddreg [dreg:$0x8]  }
0x36: {  	[tilespmem:s28], [sflag:$0x4] =	stream.linear.gather [hbm4b:s16+s2], $0x50, $0x38;
	[tilespmem:$0x18AC0] =	vst v63  }
0x37: {  	_ =	swait.ge [sflag:s29], $0x50  }
0x38: {  	[sflag:s29] =	ssyncset.done $0x0  }
0x39: {  	[sflag:s29] =	ssyncadd.s32 $0xFFFFFFB0  }
0x3a: {  	_ =	swait.ge [sflag:s29], $0x50  }
0x3b: {  	[sflag:s29] =	ssyncset.done $0x0  }
0x3c: {  	[sflag:s29] =	ssyncadd.s32 $0xFFFFFFB0  }
0x3d: {  	[tilespmem:s31], [sflag:$0x1] =	stream.indirect.gather [hbm4b:s3+s30], $0x80, s2, s30, $0xb8;
	[tilespmem:$0x18AC0] =	vst v63  }
0x3e: {  	_ =	swait.ge [sflag:s0], $0x50  }
0x3f: {  	[sflag:s0] =	ssyncset.done $0x0  }
0x40: {  	[sflag:s0] =	ssyncadd.s32 $0xFFFFFFB0  }
0x41: {  	_ =	swait.ge [sflag:s0], $0x50  }
0x42: {  	[sflag:s0] =	ssyncset.done $0x0  }
0x43: {  	[sflag:s0] =	ssyncadd.s32 $0xFFFFFFB0  }
0x44: {  	[tilespmem:s9], [sflag:$0x2] =	stream.indirect.gather [hbm4b:s3+s30], $0x80, s26, s30, $0xb8;
	[tilespmem:$0x18AC0] =	vst v63  }
0x45: {  	_ =	swait.ge [sflag:s10], $0x2800  }
0x46: {  	[sflag:s10] =	ssyncset.done $0x0  }
0x47: {  	[sflag:s10] =	ssyncadd.s32 $0xFFFFD800  }
0x48: {  	[spmem:s1] =	stream.indirect.scatter.add.f32 [tilespmem:s31], [sflag:$0x5], $0x80, s25, s30, $0xb8;
	[tilespmem:$0x18AC0] =	vst v63  }
0x49: {  	_ =	swait.ge [sflag:s22], $0x2800  }
0x4a: {  	s17 =	sshrl.u32 s21, $0x3;
	[sflag:s22] =	ssyncset.done $0x0  }
0x4b: {  	s15 =	sadd.s32 s4, s17;
	[sflag:s22] =	ssyncadd.s32 $0xFFFFD800  }
0x4c: {  	[tilespmem:s2], [sflag:$0x3] =	stream.linear.gather [hbm4b:s15+s2], $0x50, $0x38;
	[tilespmem:$0x18AC0] =	vst v63  }
0x4d: {  	s14 =	sadd.s32 s5, s17  }
0x4e: {  	[tilespmem:s25], [sflag:$0x3] =	stream.linear.gather [hbm4b:s14+s2], $0x50, $0x38;
	[tilespmem:$0x18AC0] =	vst v63  }
0x4f: {  	_ =	swait.ge [sflag:s29], $0x50  }
0x50: {  	[sflag:s29] =	ssyncset.done $0x0  }
0x51: {  	[sflag:s29] =	ssyncadd.s32 $0xFFFFFFB0  }
0x52: {  	_ =	swait.ge [sflag:s29], $0x50  }
0x53: {  	[sflag:s29] =	ssyncset.done $0x0  }
0x54: {  	[sflag:s29] =	ssyncadd.s32 $0xFFFFFFB0  }
0x55: {  	[tilespmem:s31], [sflag:$0x1] =	stream.indirect.gather [hbm4b:s3+s30], $0x80, s2, s30, $0xb8;
	[tilespmem:$0x18AC0] =	vst v63  }
0x56: {  	_ =	swait.ge [sflag:s11], $0x2800  }
0x57: {  	[sflag:s11] =	ssyncset.done $0x0  }
0x58: {  	[sflag:s11] =	ssyncadd.s32 $0xFFFFD800  }
0x59: {  	[spmem:s1] =	stream.indirect.scatter.add.f32 [tilespmem:s9], [sflag:$0x5], $0x80, s28, s30, $0xb8;
	[tilespmem:$0x18AC0] =	vst v63  }
0x5a: {  	_ =	swait.ge [sflag:s22], $0x2800  }
0x5b: {  	s18 =	sadd.s32 $0x0, s20;
	s16 =	sadd.s32 $0x0, s19;
	[sflag:s22] =	ssyncset.done $0x0  }
0x5c: {  	s15 =	sadd.s32 $0xA0, s21;
	s14 =	simm.s32 $0x14;
	[sflag:s22] =	ssyncadd.s32 $0xFFFFD800  }
0x5d: {  	[tilespmem:s26], [sflag:$0x4] =	stream.linear.gather [hbm4b:s18+s2], $0x50, $0x38;
	[tilespmem:$0x18AC0] =	vst v63  }
.LBB2_2:
0x5e: {  	[tilespmem:s28], [sflag:$0x4] =	stream.linear.gather [hbm4b:s16+s2], $0x50, $0x38;
	[tilespmem:$0x18AC0] =	vst v63  }
0x5f: {  	s16 =	smov.u32 s14  }
0x60: {  	p1 =	sne.s32 s14, $0x4B0;
	s14 =	sadd.s32 $0x14, s14;
	_ =	swait.ge [sflag:s0], $0x50  }
0x61: {  	[sflag:s0] =	ssyncset.done $0x0  }
0x62: {  	[sflag:s0] =	ssyncadd.s32 $0xFFFFFFB0  }
0x63: {  	_ =	swait.ge [sflag:s0], $0x50  }
0x64: {  	[sflag:s0] =	ssyncset.done $0x0  }
0x65: {  	[sflag:s0] =	ssyncadd.s32 $0xFFFFFFB0  }
0x66: {  	[tilespmem:s9], [sflag:$0x2] =	stream.indirect.gather [hbm4b:s3+s30], $0x80, s26, s30, $0xb8;
	[tilespmem:$0x18AC0] =	vst v63  }
0x67: {  	_ =	swait.ge [sflag:s10], $0x2800  }
0x68: {  	[sflag:s10] =	ssyncset.done $0x0  }
0x69: {  	[sflag:s10] =	ssyncadd.s32 $0xFFFFD800  }
0x6a: {  	[spmem:s1] =	stream.indirect.scatter.add.f32 [tilespmem:s31], [sflag:$0x5], $0x80, s25, s30, $0xb8;
	[tilespmem:$0x18AC0] =	vst v63  }
0x6b: {  	_ =	swait.ge [sflag:s22], $0x2800  }
0x6c: {  	s17 =	sshrl.u32 s15, $0x3;
	[sflag:s22] =	ssyncset.done $0x0  }
0x6d: {  	s18 =	sadd.s32 s4, s17;
	[sflag:s22] =	ssyncadd.s32 $0xFFFFD800  }
0x6e: {  	[tilespmem:s2], [sflag:$0x3] =	stream.linear.gather [hbm4b:s18+s2], $0x50, $0x38;
	[tilespmem:$0x18AC0] =	vst v63  }
0x6f: {  	s17 =	sadd.s32 s5, s17  }
0x70: {  	[tilespmem:s25], [sflag:$0x3] =	stream.linear.gather [hbm4b:s17+s2], $0x50, $0x38;
	[tilespmem:$0x18AC0] =	vst v63  }
0x71: {  	_ =	swait.ge [sflag:s29], $0x50  }
0x72: {  	[sflag:s29] =	ssyncset.done $0x0  }
0x73: {  	[sflag:s29] =	ssyncadd.s32 $0xFFFFFFB0  }
0x74: {  	_ =	swait.ge [sflag:s29], $0x50  }
0x75: {  	[sflag:s29] =	ssyncset.done $0x0  }
0x76: {  	[sflag:s29] =	ssyncadd.s32 $0xFFFFFFB0  }
0x77: {  	[tilespmem:s31], [sflag:$0x1] =	stream.indirect.gather [hbm4b:s3+s30], $0x80, s2, s30, $0xb8;
	[tilespmem:$0x18AC0] =	vst v63  }
0x78: {  	_ =	swait.ge [sflag:s11], $0x2800  }
0x79: {  	[sflag:s11] =	ssyncset.done $0x0  }
0x7a: {  	[sflag:s11] =	ssyncadd.s32 $0xFFFFD800  }
0x7b: {  	[spmem:s1] =	stream.indirect.scatter.add.f32 [tilespmem:s9], [sflag:$0x5], $0x80, s28, s30, $0xb8;
	[tilespmem:$0x18AC0] =	vst v63  }
.Ltmp0:
0x7c: {  	_ =	swait.ge [sflag:s22], $0x2800;
	(pc) =	sbr.rel @p1 .LBB2_2-.Ltmp0, $4  }
0x7d: {  	[sflag:s22] =	ssyncset.done $0x0  }
0x7e: {  	s17 =	sadd.s32 s16, s20;
	[sflag:s22] =	ssyncadd.s32 $0xFFFFD800  }
0x7f: {  	[tilespmem:s26], [sflag:$0x4] =	stream.linear.gather [hbm4b:s17+s2], $0x50, $0x38;
	[tilespmem:$0x18AC0] =	vst v63  }
0x80: {  	s15 =	sadd.s32 $0xA0, s15;
	s16 =	sadd.s32 s16, s19  }
0x81: {  	[tilespmem:s28], [sflag:$0x4] =	stream.linear.gather [hbm4b:s16+s2], $0x50, $0x38;
	[tilespmem:$0x18AC0] =	vst v63  }
0x82: {  	_ =	swait.ge [sflag:s0], $0x50  }
0x83: {  	[sflag:s0] =	ssyncset.done $0x0  }
0x84: {  	[sflag:s0] =	ssyncadd.s32 $0xFFFFFFB0  }
0x85: {  	_ =	swait.ge [sflag:s0], $0x50  }
0x86: {  	[sflag:s0] =	ssyncset.done $0x0  }
0x87: {  	[sflag:s0] =	ssyncadd.s32 $0xFFFFFFB0  }
0x88: {  	[tilespmem:s9], [sflag:$0x2] =	stream.indirect.gather [hbm4b:s3+s30], $0x80, s26, s30, $0xb8;
	[tilespmem:$0x18AC0] =	vst v63  }
0x89: {  	_ =	swait.ge [sflag:s10], $0x2800  }
0x8a: {  	[sflag:s10] =	ssyncset.done $0x0  }
0x8b: {  	[sflag:s10] =	ssyncadd.s32 $0xFFFFD800  }
0x8c: {  	[spmem:s1] =	stream.indirect.scatter.add.f32 [tilespmem:s31], [sflag:$0x5], $0x80, s25, s30, $0xb8;
	[tilespmem:$0x18AC0] =	vst v63  }
0x8d: {  	_ =	swait.ge [sflag:s22], $0x2800  }
0x8e: {  	[sflag:s22] =	ssyncset.done $0x0  }
0x8f: {  	s14 =	rddreg [dreg:$0xc];
	[sflag:s22] =	ssyncadd.s32 $0xFFFFD800  }
0x90: {  	[tilespmem:s2], [sflag:$0x3] =	stream.linear.gather [hbm4b:s14+s2], $0x50, $0x38;
	[tilespmem:$0x18AC0] =	vst v63  }
0x91: {  	s16 =	rddreg [dreg:$0xd]  }
0x92: {  	[tilespmem:s25], [sflag:$0x3] =	stream.linear.gather [hbm4b:s16+s2], $0x50, $0x38;
	[tilespmem:$0x18AC0] =	vst v63  }
0x93: {  	_ =	swait.ge [sflag:s29], $0x50  }
0x94: {  	[sflag:s29] =	ssyncset.done $0x0  }
0x95: {  	[sflag:s29] =	ssyncadd.s32 $0xFFFFFFB0  }
0x96: {  	_ =	swait.ge [sflag:s29], $0x50  }
0x97: {  	[sflag:s29] =	ssyncset.done $0x0  }
0x98: {  	[sflag:s29] =	ssyncadd.s32 $0xFFFFFFB0  }
0x99: {  	[tilespmem:s31], [sflag:$0x1] =	stream.indirect.gather [hbm4b:s3+s30], $0x80, s2, s30, $0xb8;
	[tilespmem:$0x18AC0] =	vst v63  }
0x9a: {  	_ =	swait.ge [sflag:s11], $0x2800  }
0x9b: {  	[sflag:s11] =	ssyncset.done $0x0  }
0x9c: {  	[sflag:s11] =	ssyncadd.s32 $0xFFFFD800  }
0x9d: {  	[spmem:s1] =	stream.indirect.scatter.add.f32 [tilespmem:s9], [sflag:$0x5], $0x80, s28, s30, $0xb8;
	[tilespmem:$0x18AC0] =	vst v63  }
0x9e: {  	_ =	swait.ge [sflag:s22], $0x2800  }
0x9f: {  	[sflag:s22] =	ssyncset.done $0x0  }
0xa0: {  	[sflag:s22] =	ssyncadd.s32 $0xFFFFD800  }
0xa1: {  	_ =	swait.ge [sflag:s10], $0x2800  }
0xa2: {  	[sflag:s10] =	ssyncset.done $0x0  }
0xa3: {  	[sflag:s10] =	ssyncadd.s32 $0xFFFFD800  }
0xa4: {  	[spmem:s1] =	stream.indirect.scatter.add.f32 [tilespmem:s31], [sflag:$0x5], $0x80, s25, s30, $0xb8;
	[tilespmem:$0x18AC0] =	vst v63  }
0xa5: {  	_ =	swait.ge [sflag:s22], $0x2800  }
0xa6: {  	[sflag:s22] =	ssyncset.done $0x0  }
0xa7: {  	[sflag:s22] =	ssyncadd.s32 $0xFFFFD800  }
0xa8: {  	[bflag:$0x0] =	sbarrier.arrive $0xFFFF  }
0xa9: {  	s17 =	rddreg [dreg:$0x9]  }
0xaa: {  	[hbm:s17], [sflag:s8] =	dma.local [spmem:s7], $0x2700  }
0xab: {  	_ =	swait.ge [sflag:s22], $0x2700  }
0xac: {  	[sflag:s22] =	ssyncset.done $0x0  }
0xad: {  	s7 =	rddreg [dreg:$0xa];
	[sflag:s22] =	ssyncadd.s32 $0xFFFFD900  }
0xae: {  	[hbm:s7], [sflag:s8] =	dma.local @!p0 [spmem:s13], $0x100  }
0xaf: {  	s7 =	simm.s32 @!p0 $0x5  }
0xb0: {  	_ =	swait.ge @!p0 [sflag:s7], $0x100  }
0xb1: {  	s12 =	sadd.s32 $0x1, s12;
	s18 =	rddreg [dreg:$0xb]  }
0xb2: {  	p1 =	sne.s32 s12, s18  }
.Ltmp1:
0xb3: {  	_ = 	snop;
	(pc) =	sbr.rel @p1 .LBB2_1-.Ltmp1, $3  }
0xb4: {  	_ =	sdelay $0x1  }
0xb5: {  	[sflag:s7] =	ssyncset.done @!p0 $0x0  }
0xb6: {  	[sflag:s7] =	ssyncadd.s32 @!p0 $0xFFFFFF00  }
0xb7: {  	_ =	sfence.sel $0x180000  }
0xb8: {  	[bflag:$0x0] =	sbarrier.arrive $0xFFFF  }
0xb9: {  	_ =	strace $0x9000004A  }
0xba: {  	[bflag:$0x2] =	sbarrier.arrive $0xFFFF  }
0xbb: {  	s0 =	rddreg [dreg:$0x2]  }
0xbc: {  	s0 =	sadd.s32 @!p0 $0x100000, s0  }
0xbd: {  	[sflag:s0] =	ssyncadd.tile.s32 @!p0 $0x1;
	_ =	shalt  }
.Lfunc_end2:
_tile_overlayer_lowered:
.L_overlay_start_2:
0xbe: {  	(tag) =	ssettag $0x2  }
0xbf: {  	s0 =	rddreg [dreg:$0x0];
	s2 =	stileid.u32  }
0xc0: {  	s1 =	rddreg [dreg:$0x1];
	p0 =	sne.s32 s2, $0x0  }
0xc1: {  	s3 =	rddreg [dreg:$0x2];
	[bflag:$0x3] =	sbarrier.arrive $0xFFFF;
	s2 =	simm.s32 @!p0 $0x1C05  }
0xc2: {  	[timem:s3], [sflag:s2] =	dma.local @!p0 [hbm:s0], s1  }
0xc3: {  	s0 =	simm.s32 @!p0 $0x5  }
0xc4: {  	_ =	swait.ge @!p0 [sflag:s0], s1  }
0xc5: {  	s1 =	ssub.s32 @!p0 $0x0, s1;
	[sflag:s0] =	ssyncset.done @!p0 $0x0  }
0xc6: {  	[sflag:s0] =	ssyncadd.s32 @!p0 s1  }
0xc7: {  	[bflag:$0x3] =	sbarrier.arrive $0xFFFF  }
0xc8: {  	_ =	shalt  }

// kernel: kernel.16.cloned.1.call-start
scs
__scs_entry_jumppad:
0x0: {  	(pc) =	sbr.rel $0x88, $3  }
0x1: {  	(tag) =	ssettag $0x0;
	lr =	simm.s32 $0x1  }
0x2: {  	[smem:$0x3F8A] =	sst lr;
	_ =	strace $0xD0000000  }
0x3: {  	_ = 	snop  }
0x4: {  	_ = 	snop  }
0x5: {  	_ = 	snop  }
0x6: {  	_ = 	snop  }
0x7: {  	_ = 	snop  }
__scs_overlays_trampoline_lowered:
0x8: {  	[smem:$0x3F99] =	sst s0  }
0x9: {  	[smem:$0x3F9A] =	sst s1  }
0xa: {  	[smem:$0x3F9B] =	sst s2  }
0xb: {  	[smem:$0x3F9C] =	sst s3  }
0xc: {  	[smem:$0x3F9D] =	sst s4  }
0xd: {  	[smem:$0x3F9E] =	sst s5  }
0xe: {  	[smem:$0x3F9F] =	sst s6  }
0xf: {  	[smem:$0x3FA0] =	sst s7  }
0x10: {  	[smem:$0x3FA1] =	sst s8  }
0x11: {  	[smem:$0x3FA2] =	sst s9;
	s0 =	simm.s32 @!p0 $0x0  }
0x12: {  	s1 =	sld [smem:$0x3F88];
	s0 =	simm.s32 @p0 $0x1  }
0x13: {  	[smem:$0x3FA3] =	sst s0;
	s0 =	simm.s32 @!p1 $0x0  }
0x14: {  	s2 =	sld [smem:$0x3F87];
	s0 =	simm.s32 @p1 $0x1  }
0x15: {  	[smem:$0x3FA4] =	sst s0;
	s0 =	simm.s32 @!p2 $0x0  }
0x16: {  	s3 =	sld [smem:$0x3FDB];
	s0 =	simm.s32 @p2 $0x1  }
0x17: {  	s4 =	simm.s32 $0x1BF5;
	[smem:$0x3FA6] =	sst s0  }
0x18: {  	s0 =	sld [smem:$0x3F89];
	_ =	swait.ge [sflag:s4], $0x0  }
0x19: {  	s7 =	sld [smem:$0x3F8A]  }
0x1a: {  	s8 =	sadd.s32 $0xFFFFE003, lr  }
0x1b: {  	s9 =	sadd.s32 $0xFFFFFEF7, lr;
	s5 =	simm.s32 $0xFFFFFFFF;
	p2 =	slt.u32 s8, $0xFFFFF086  }
0x1c: {  	p1 =	slt.u32 s9, $0xF7A;
	s5 =	simm.s32 @!p2 $0x0  }
0x1d: {  	s5 =	simm.s32 @p1 $0x1;
	p0 =	seq.s32 s7, s2  }
0x1e: {  	s7 =	smul.u32 @!p0 $0xF7A, s2;
	p2 =	seq.s32 @!p0 s5, $0x0  }
0x1f: {  	s9 =	smul.u32 $0xF7A, s1;
	s8 =	simm.s32 @!p0 $0x1BF5;
	p2 =	por !p2, p0  }
0x20: {  	[sflag:s8] =	ssyncset.s32 @!p0 $0xFFFFF086;
	s6 =	sadd.s32 @!p0 s3, s7;
	s7 =	simm.s32 @!p0 $0x108  }
0x21: {  	s3 =	sadd.s32 s3, s9;
	s6 =	sadd.s32 @!p0 $0x88, s6;
	s7 =	simm.s32 @p2 $0x1082  }
0x22: {  	[simem:s7], [sflag:s8] =	dma.local @!p0 [hbm:s6], $0xF7A  }
0x23: {  	s9 =	sor.u32 $0xD0000000, s2;
	s6 =	simm.s32 $0x108;
	_ =	swait.ge @!p0 [sflag:s8], $0x0  }
0x24: {  	s3 =	sadd.s32 $0x88, s3;
	s6 =	simm.s32 @!p1 $0x1082;
	[sflag:s4] =	ssyncset.s32 $0xFFFFF086  }
0x25: {  	[simem:s6], [sflag:s4] =	dma.local [hbm:s3], $0xF7A  }
0x26: {  	[smem:$0x3F8A] =	sst s1;
	(tag) =	ssettag s2;
	_ =	strace s9  }
0x27: {  	s1 =	sld [smem:$0x3F9A]  }
0x28: {  	s2 =	sld [smem:$0x3F9B]  }
0x29: {  	s4 =	sld [smem:$0x3F9D]  }
0x2a: {  	p0 =	seq.s32 s5, $0x0;
	s5 =	sld [smem:$0x3F9E]  }
0x2b: {  	s6 =	sld [smem:$0x3F9F]  }
0x2c: {  	s7 =	sld [smem:$0x3FA0]  }
0x2d: {  	s3 =	simm.s32 $0x108;
	s8 =	sld [smem:$0x3FA1]  }
0x2e: {  	s3 =	simm.s32 @!p0 $0x1082;
	s9 =	sld [smem:$0x3FA2]  }
0x2f: {  	lr =	sadd.s32 s0, s3;
	s0 =	sld [smem:$0x3F99]  }
0x30: {  	s3 =	sld [smem:$0x3F9C]  }
0x31: {  	[smem:$0x3FA5] =	sst s10  }
0x32: {  	s10 =	sld [smem:$0x3FA3];
	_ =	sdelay $0x3  }
0x33: {  	p0 =	seq.s32 s10, $0x1;
	s10 =	sld [smem:$0x3FA5];
	_ =	sdelay $0x3  }
0x34: {  	[smem:$0x3FA5] =	sst s10  }
0x35: {  	s10 =	sld [smem:$0x3FA4];
	_ =	sdelay $0x3  }
0x36: {  	p1 =	seq.s32 s10, $0x1;
	s10 =	sld [smem:$0x3FA5];
	_ =	sdelay $0x3  }
0x37: {  	[smem:$0x3FA5] =	sst s10  }
0x38: {  	s10 =	sld [smem:$0x3FA6]  }
0x39: {  	_ = 	snop;
	(pc) =	sbr.ind lr, $3  }
0x3a: {  	_ = 	snop  }
0x3b: {  	_ = 	snop  }
0x3c: {  	p2 =	seq.s32 s10, $0x1;
	s10 =	sld [smem:$0x3FA5]  }
0x3d: {  	_ =	shalt  }
0x3e: {  	_ =	shalt  }
0x3f: {  	_ =	shalt  }
0x40: {  	_ =	shalt  }
0x41: {  	_ =	shalt  }
0x42: {  	_ =	shalt  }
0x43: {  	_ =	shalt  }
0x44: {  	_ =	shalt  }
0x45: {  	_ =	shalt  }
0x46: {  	_ =	shalt  }
0x47: {  	_ =	shalt  }
0x48: {  	_ =	shalt  }
0x49: {  	_ =	shalt  }
0x4a: {  	_ =	shalt  }
0x4b: {  	_ =	shalt  }
0x4c: {  	_ =	shalt  }
0x4d: {  	_ =	shalt  }
0x4e: {  	_ =	shalt  }
0x4f: {  	_ =	shalt  }
0x50: {  	_ =	shalt  }
0x51: {  	_ =	shalt  }
0x52: {  	_ =	shalt  }
0x53: {  	_ =	shalt  }
0x54: {  	_ =	shalt  }
0x55: {  	_ =	shalt  }
0x56: {  	_ =	shalt  }
0x57: {  	_ =	shalt  }
0x58: {  	_ =	shalt  }
0x59: {  	_ =	shalt  }
0x5a: {  	_ =	shalt  }
0x5b: {  	_ =	shalt  }
0x5c: {  	_ =	shalt  }
0x5d: {  	_ =	shalt  }
0x5e: {  	_ =	shalt  }
0x5f: {  	_ =	shalt  }
0x60: {  	_ =	shalt  }
0x61: {  	_ =	shalt  }
0x62: {  	_ =	shalt  }
0x63: {  	_ =	shalt  }
0x64: {  	_ =	shalt  }
0x65: {  	_ =	shalt  }
0x66: {  	_ =	shalt  }
0x67: {  	_ =	shalt  }
0x68: {  	_ =	shalt  }
0x69: {  	_ =	shalt  }
0x6a: {  	_ =	shalt  }
0x6b: {  	_ =	shalt  }
0x6c: {  	_ =	shalt  }
0x6d: {  	_ =	shalt  }
0x6e: {  	_ =	shalt  }
0x6f: {  	_ =	shalt  }
0x70: {  	_ =	shalt  }
0x71: {  	_ =	shalt  }
0x72: {  	_ =	shalt  }
0x73: {  	_ =	shalt  }
0x74: {  	_ =	shalt  }
0x75: {  	_ =	shalt  }
0x76: {  	_ =	shalt  }
0x77: {  	_ =	shalt  }
0x78: {  	_ =	shalt  }
0x79: {  	_ =	shalt  }
0x7a: {  	_ =	shalt  }
0x7b: {  	_ =	shalt  }
0x7c: {  	_ =	shalt  }
0x7d: {  	_ =	shalt  }
0x7e: {  	_ =	shalt  }
0x7f: {  	_ =	shalt  }
0x80: {  	_ =	shalt  }
0x81: {  	_ =	shalt  }
0x82: {  	_ =	shalt  }
0x83: {  	_ =	shalt  }
0x84: {  	_ =	shalt  }
0x85: {  	_ =	shalt  }
0x86: {  	_ =	shalt  }
0x87: {  	_ =	shalt  }
.Lfunc_end0:
.L_simem_size_0:
called_computation.2_lowered:
.L_overlay_start_0:
0x88: {  	s2 =	sld [smem:$0x3FD9]  }
0x89: {  	s3 =	sld [smem:$0x3FFE];
	_ =	sdelay $0x1  }
0x8a: {  	s1 =	srdreg.scid  }
0x8b: {  	s0 =	sand.u32 $0x1, s1  }
0x8c: {  	s16 =	sshll.u32 s0, $0xA;
	s2 =	sadd.s32 s3, s2  }
0x8d: {  	s2 =	sadd.s32 s2, s16  }
0x8e: {  	[smem:$0x3FB1] =	sst s2  }
0x8f: {  	_ = 	snop  }
0x90: {  	(tm) =	ssettm $0x1  }
0x91: {  	s17 =	sld [smem:$0x3FFB];
	_ =	sdelay $0x3  }
0x92: {  	_ =	strace s17  }
0x93: {  	s2 =	sld [smem:$0x3FFC];
	_ =	sdelay $0x3  }
0x94: {  	_ =	strace s2  }
0x95: {  	s2 =	sld [smem:$0x3FFD];
	_ =	sdelay $0x3  }
0x96: {  	_ =	strace s2  }
0x97: {  	_ =	strace $0x8FFFFFFF  }
0x98: {  	s18 =	sld [smem:$0x3FDB];
	_ =	sdelay $0x1  }
0x99: {  	s19 =	simm.s32 $_scs_section_size  }
0x9a: {  	s4 =	simm.s32 $_size__tile_overlayer_lowered;
	s5 =	simm.s32 $_tile_overlayer_lowered  }
0x9b: {  	s22 =	simm.s32 $0x1BFF;
	s21 =	sshll.u32 s5, $0x1;
	s2 =	sadd.s32 s19, s18  }
0x9c: {  	s6 =	simm.s32 $0x0;
	s20 =	sshll.u32 s4, $0x1;
	s4 =	sadd.s32 s21, s2  }
0x9d: {  	[timem:s6], [sflag:s22] =	dma.local [hbm:s4], s20  }
0x9e: {  	_ =	swait.ge [sflag:s22], s20  }
0x9f: {  	s3 =	ssub.s32 $0x0, s20;
	[sflag:s22] =	ssyncset.done $0x0  }
0xa0: {  	[sflag:s22] =	ssyncadd.s32 s3;
	_ =	sdelay $0x1  }
0xa1: {  	s23 =	simm.s32 $0x1B8B  }
0xa2: {  	_ =	swait.ge [sflag:s23], $0x1  }
0xa3: {  	[sflag:s23] =	ssyncset.done $0x0  }
0xa4: {  	s25 =	simm.s32 $0x1B8E;
	s24 =	sld [smem:$0x3FFE];
	[sflag:s23] =	ssyncadd.s32 $0xFFFFFFFF  }
0xa5: {  	s26 =	simm.s32 $execute0_lowered;
	[smem:$0x3FD2] =	sst s25  }
0xa6: {  	s4 =	sshll.u32 s26, $0x1;
	_ =	strace $0x8000004C;
	[dreg:$0x1] =	wrdreg $0xFFFFFFFF  }
0xa7: {  	s28 =	simm.s32 $_size_execute0_lowered;
	s2 =	sadd.s32 s2, s4;
	[dreg:$0x0] =	wrdreg $0x0  }
0xa8: {  	s4 =	sshll.u32 s28, $0x1;
	[dreg:$0x2] =	wrdreg s2  }
0xa9: {  	[dreg:$0x3] =	wrdreg s4  }
0xaa: {  	[dreg:$0x4] =	wrdreg $0xC0  }
0xab: {  	_ =	task [dreg:s6], $0x5FFFF  }
0xac: {  	[dreg:$0x1] =	wrdreg $0xFFFFFFFF  }
0xad: {  	[dreg:$0x0] =	wrdreg $0x60  }
0xae: {  	[dreg:$0x2] =	wrdreg s24  }
0xaf: {  	[dreg:$0x3] =	wrdreg $0x52000  }
0xb0: {  	[dreg:$0x4] =	wrdreg $0x9  }
0xb1: {  	_ =	task.clear_ibuf [dreg:s6], $0x5FFFF;
	_ =	strace $0x9000004C  }
0xb2: {  	s29 =	simm.s32 $0x9;
	_ =	strace $0x8000004E  }
0xb3: {  	_ =	swait.ge [sflag:s29], $0x1  }
0xb4: {  	[sflag:s29] =	ssyncadd.s32 $0xFFFFFFFF  }
0xb5: {  	_ =	strace $0x9000004E  }
0xb6: {  	_ =	sfence  }
0xb7: {  	s30 =	sld [smem:$0x0];
	_ =	sdelay $0x2  }
0xb8: {  	s31 =	sshll.u32 s1, $0xD;
	s1 =	sshrl.u32 s1, $0x2  }
0xb9: {  	s3 =	sand.u32 $0x4000, s31;
	s1 =	sadd.s32 s1, s30  }
0xba: {  	s0 =	sor.u32 s3, s0;
	s1 =	sshll.u32 s1, $0x11  }
0xbb: {  	s0 =	sor.u32 s1, s0  }
0xbc: {  	s0 =	sadd.s32 $0x8F2B, s0  }
0xbd: {  	[sflag:s0] =	ssyncadd.remote.s32 $0x1  }
0xbe: {  	_ =	sfence.sel $0xFFFF  }
0xbf: {  	[dreg:$0x0] =	wrdreg $0xFFFFFFFF;
	(pc) =	sbr.abs _section_cstart, $3  }
0xc0: {  	[dreg:$0x1] =	wrdreg $0xFFFFFFFF  }
0xc1: {  	_ =	task.clear_ibuf [dreg:s6], $0x2FFFF;
	_ =	strace $0x9FFFFFFF  }
0xc2: {  	(tm) =	ssettm $0x7FFFFFFF  }
0xc3: {  	_ =	shalt  }
tec
execute0_lowered:
.L_overlay_start_1:
0x0: {  	(tag) =	ssettag $0x1  }
0x1: {  	s0 =	rddreg [dreg:$0x0]  }
0x2: {  	s1 =	rddreg [dreg:$0x1];
	s2 =	simm.s32 $0x0;
	s6 =	srdreg.scid  }
0x3: {  	s7 =	stileid.u32;
	s28 =	simm.s32 $0x180;
	s29 =	simm.s32 $0x3  }
0x4: {  	s30 =	simm.s32 $0x50;
	s31 =	simm.s32 $0x200;
	[smem:$0x7FF] =	sst s2  }
0x5: {  	s3 =	sadd.s32 $0x18A00, s0;
	s4 =	sadd.s32 $0x4E00, s0;
	s5 =	sadd.s32 $0xEC00, s0  }
0x6: {  	s9 =	sand.u32 $0x1, s6;
	s6 =	sadd.s32 $0x3FC00, s0;
	s10 =	smul.u32 $0x4E000, s7  }
0x7: {  	s0 =	sadd.s32 $0x67C00, s0;
	s24 =	sshll.u32 s7, $0x6;
	s16 =	smul.u32 $0x13800, s7  }
0x8: {  	s14 =	sadd.s32 $0x138000, s1;
	s19 =	smul.u32 $0x2710, s7;
	p0 =	sne.s32 s7, $0x0  }
0x9: {  	_ =	strace $0x8000004D;
	s8 =	ssub.s32 $0x2, s9;
	s25 =	smul.u32 $0x138800, s9  }
0xa: {  	s12 =	sshll.u32 s9, $0x4;
	[dreg:$0x4] =	wrdreg s14;
	s9 =	smul.u32 $0x27100, s9  }
0xb: {  	s11 =	sshrl.u32 s8, $0x1;
	s23 =	sor.u32 s7, s12;
	s10 =	sshrl.u32 s10, $0x2  }
0xc: {  	s11 =	ssub.s32 s8, s11;
	s12 =	smul.u32 $0x2710, s23;
	s13 =	sadd.s32 s10, s1  }
0xd: {  	s8 =	sor.u32 $0x1C05, s24;
	s16 =	sadd.s32 s16, s25;
	s14 =	sshrl.u32 s25, $0x3  }
0xe: {  	s22 =	sadd.s32 s19, s9;
	s10 =	sadd.s32 $0x6800, s13;
	[dreg:$0x3] =	wrdreg s13  }
0xf: {  	s13 =	sadd.s32 $0xD000, s13;
	s20 =	sshrl.u32 s16, $0x3;
	s14 =	sadd.s32 s0, s14  }
0x10: {  	s23 =	smax.u32 s11, $0x1;
	s25 =	sadd.s32 $0xF0, s22;
	s11 =	simm.s32 $0x2  }
0x11: {  	s12 =	sshrl.u32 s12, $0x3;
	s0 =	sadd.s32 s0, s20;
	s21 =	sadd.s32 $0x27000, s14  }
0x12: {  	[dreg:$0xb] =	wrdreg s23;
	s23 =	sshrl.u32 s10, $0x3;
	s10 =	simm.s32 $0x1  }
0x13: {  	s15 =	sadd.s32 s4, s12;
	s26 =	sadd.s32 $0xA, s12;
	[dreg:$0x9] =	wrdreg s0  }
0x14: {  	s17 =	sadd.s32 s5, s12;
	[dreg:$0xa] =	wrdreg s21;
	s24 =	sadd.s32 $0x4D8, s12  }
0x15: {  	s21 =	sadd.s32 $0xA0, s22;
	s22 =	simm.s32 $0x5;
	[dreg:$0x5] =	wrdreg s15  }
0x16: {  	s0 =	simm.s32 $0x4;
	[dreg:$0x6] =	wrdreg s17;
	s18 =	sadd.s32 s4, s26  }
0x17: {  	s15 =	sadd.s32 s5, s26;
	s12 =	sadd.s32 s4, s24;
	[dreg:$0x7] =	wrdreg s18  }
0x18: {  	s9 =	sadd.s32 s5, s24;
	s26 =	sshrl.u32 s25, $0x3;
	[dreg:$0x8] =	wrdreg s15  }
0x19: {  	s24 =	sshrl.u32 s13, $0x3;
	s25 =	simm.s32 $0x100;
	[dreg:$0xc] =	wrdreg s12  }
0x1a: {  	[dreg:$0xd] =	wrdreg s9;
	s19 =	sadd.s32 s26, s5;
	s20 =	sadd.s32 s26, s4  }
0x1b: {  	s26 =	simm.s32 $0x80;
	s9 =	simm.s32 $0x2A00;
	s12 =	simm.s32 $0x0  }
.LBB2_1:
0x1c: {  	s7 =	rddreg [dreg:$0x3]  }
0x1d: {  	s7 =	sshrl.u32 s7, $0x3  }
0x1e: {  	[spmem:s7], [sflag:s8] =	dma.local [hbm:s6], $0xD00  }
0x1f: {  	_ =	swait.ge [sflag:s22], $0xD00  }
0x20: {  	[sflag:s22] =	ssyncset.done $0x0  }
0x21: {  	[sflag:s22] =	ssyncadd.s32 $0xFFFFF300  }
0x22: {  	[spmem:s23], [sflag:s8] =	dma.local [hbm:s6], $0xD00  }
0x23: {  	_ =	swait.ge [sflag:s22], $0xD00  }
0x24: {  	[sflag:s22] =	ssyncset.done $0x0  }
0x25: {  	[sflag:s22] =	ssyncadd.s32 $0xFFFFF300  }
0x26: {  	[spmem:s24], [sflag:s8] =	dma.local [hbm:s6], $0xD00  }
0x27: {  	_ =	swait.ge [sflag:s22], $0xD00  }
0x28: {  	[sflag:s22] =	ssyncset.done $0x0;
	s13 =	rddreg [dreg:$0x4]  }
0x29: {  	s14 =	simm.s32 @!p0 $0x5;
	[sflag:s22] =	ssyncadd.s32 $0xFFFFF300;
	s13 =	sshrl.u32 @!p0 s13, $0x3  }
0x2a: {  	[spmem:s13], [sflag:s8] =	dma.local @!p0 [hbm:s6], $0x180  }
0x2b: {  	_ =	swait.ge @!p0 [sflag:s14], $0x180  }
0x2c: {  	[sflag:s14] =	ssyncset.done @!p0 $0x0  }
0x2d: {  	[sflag:s14] =	ssyncadd.s32 @!p0 $0xFFFFFE80  }
0x2e: {  	[bflag:$0x0] =	sbarrier.arrive $0xFFFF  }
0x2f: {  	s17 =	rddreg [dreg:$0x5]  }
0x30: {  	[tilespmem:s2], [sflag:$0x3] =	stream.linear.gather [hbm4b:s17+s2], $0x50, $0x38;
	[tilespmem:$0x18AC0] =	vst v63  }
0x31: {  	s18 =	rddreg [dreg:$0x6]  }
0x32: {  	[tilespmem:s25], [sflag:$0x3] =	stream.linear.gather [hbm4b:s18+s2], $0x50, $0x38;
	[tilespmem:$0x18AC0] =	vst v63  }
0x33: {  	s15 =	rddreg [dreg:$0x7]  }
0x34: {  	[tilespmem:s26], [sflag:$0x4] =	stream.linear.gather [hbm4b:s15+s2], $0x50, $0x38;
	[tilespmem:$0x18AC0] =	vst v63  }
0x35: {  	s16 =	rddreg [dreg:$0x8]  }
0x36: {  	[tilespmem:s28], [sflag:$0x4] =	stream.linear.gather [hbm4b:s16+s2], $0x50, $0x38;
	[tilespmem:$0x18AC0] =	vst v63  }
0x37: {  	_ =	swait.ge [sflag:s29], $0x50  }
0x38: {  	[sflag:s29] =	ssyncset.done $0x0  }
0x39: {  	[sflag:s29] =	ssyncadd.s32 $0xFFFFFFB0  }
0x3a: {  	_ =	swait.ge [sflag:s29], $0x50  }
0x3b: {  	[sflag:s29] =	ssyncset.done $0x0  }
0x3c: {  	[sflag:s29] =	ssyncadd.s32 $0xFFFFFFB0  }
0x3d: {  	[tilespmem:s31], [sflag:$0x1] =	stream.indirect.gather [hbm4b:s3+s30], $0x80, s2, s30, $0xb8;
	[tilespmem:$0x18AC0] =	vst v63  }
0x3e: {  	_ =	swait.ge [sflag:s0], $0x50  }
0x3f: {  	[sflag:s0] =	ssyncset.done $0x0  }
0x40: {  	[sflag:s0] =	ssyncadd.s32 $0xFFFFFFB0  }
0x41: {  	_ =	swait.ge [sflag:s0], $0x50  }
0x42: {  	[sflag:s0] =	ssyncset.done $0x0  }
0x43: {  	[sflag:s0] =	ssyncadd.s32 $0xFFFFFFB0  }
0x44: {  	[tilespmem:s9], [sflag:$0x2] =	stream.indirect.gather [hbm4b:s3+s30], $0x80, s26, s30, $0xb8;
	[tilespmem:$0x18AC0] =	vst v63  }
0x45: {  	_ =	swait.ge [sflag:s10], $0x2800  }
0x46: {  	[sflag:s10] =	ssyncset.done $0x0  }
0x47: {  	[sflag:s10] =	ssyncadd.s32 $0xFFFFD800  }
0x48: {  	[spmem:s1] =	stream.indirect.scatter.add.f32 [tilespmem:s31], [sflag:$0x5], $0x80, s25, s30, $0xb8;
	[tilespmem:$0x18AC0] =	vst v63  }
0x49: {  	_ =	swait.ge [sflag:s22], $0x2800  }
0x4a: {  	s17 =	sshrl.u32 s21, $0x3;
	[sflag:s22] =	ssyncset.done $0x0  }
0x4b: {  	s15 =	sadd.s32 s4, s17;
	[sflag:s22] =	ssyncadd.s32 $0xFFFFD800  }
0x4c: {  	[tilespmem:s2], [sflag:$0x3] =	stream.linear.gather [hbm4b:s15+s2], $0x50, $0x38;
	[tilespmem:$0x18AC0] =	vst v63  }
0x4d: {  	s14 =	sadd.s32 s5, s17  }
0x4e: {  	[tilespmem:s25], [sflag:$0x3] =	stream.linear.gather [hbm4b:s14+s2], $0x50, $0x38;
	[tilespmem:$0x18AC0] =	vst v63  }
0x4f: {  	_ =	swait.ge [sflag:s29], $0x50  }
0x50: {  	[sflag:s29] =	ssyncset.done $0x0  }
0x51: {  	[sflag:s29] =	ssyncadd.s32 $0xFFFFFFB0  }
0x52: {  	_ =	swait.ge [sflag:s29], $0x50  }
0x53: {  	[sflag:s29] =	ssyncset.done $0x0  }
0x54: {  	[sflag:s29] =	ssyncadd.s32 $0xFFFFFFB0  }
0x55: {  	[tilespmem:s31], [sflag:$0x1] =	stream.indirect.gather [hbm4b:s3+s30], $0x80, s2, s30, $0xb8;
	[tilespmem:$0x18AC0] =	vst v63  }
0x56: {  	_ =	swait.ge [sflag:s11], $0x2800  }
0x57: {  	[sflag:s11] =	ssyncset.done $0x0  }
0x58: {  	[sflag:s11] =	ssyncadd.s32 $0xFFFFD800  }
0x59: {  	[spmem:s1] =	stream.indirect.scatter.add.f32 [tilespmem:s9], [sflag:$0x5], $0x80, s28, s30, $0xb8;
	[tilespmem:$0x18AC0] =	vst v63  }
0x5a: {  	_ =	swait.ge [sflag:s22], $0x2800  }
0x5b: {  	s18 =	sadd.s32 $0x0, s20;
	s16 =	sadd.s32 $0x0, s19;
	[sflag:s22] =	ssyncset.done $0x0  }
0x5c: {  	s15 =	sadd.s32 $0xA0, s21;
	s14 =	simm.s32 $0x14;
	[sflag:s22] =	ssyncadd.s32 $0xFFFFD800  }
0x5d: {  	[tilespmem:s26], [sflag:$0x4] =	stream.linear.gather [hbm4b:s18+s2], $0x50, $0x38;
	[tilespmem:$0x18AC0] =	vst v63  }
.LBB2_2:
0x5e: {  	[tilespmem:s28], [sflag:$0x4] =	stream.linear.gather [hbm4b:s16+s2], $0x50, $0x38;
	[tilespmem:$0x18AC0] =	vst v63  }
0x5f: {  	s16 =	smov.u32 s14  }
0x60: {  	p1 =	sne.s32 s14, $0x4B0;
	s14 =	sadd.s32 $0x14, s14;
	_ =	swait.ge [sflag:s0], $0x50  }
0x61: {  	[sflag:s0] =	ssyncset.done $0x0  }
0x62: {  	[sflag:s0] =	ssyncadd.s32 $0xFFFFFFB0  }
0x63: {  	_ =	swait.ge [sflag:s0], $0x50  }
0x64: {  	[sflag:s0] =	ssyncset.done $0x0  }
0x65: {  	[sflag:s0] =	ssyncadd.s32 $0xFFFFFFB0  }
0x66: {  	[tilespmem:s9], [sflag:$0x2] =	stream.indirect.gather [hbm4b:s3+s30], $0x80, s26, s30, $0xb8;
	[tilespmem:$0x18AC0] =	vst v63  }
0x67: {  	_ =	swait.ge [sflag:s10], $0x2800  }
0x68: {  	[sflag:s10] =	ssyncset.done $0x0  }
0x69: {  	[sflag:s10] =	ssyncadd.s32 $0xFFFFD800  }
0x6a: {  	[spmem:s1] =	stream.indirect.scatter.add.f32 [tilespmem:s31], [sflag:$0x5], $0x80, s25, s30, $0xb8;
	[tilespmem:$0x18AC0] =	vst v63  }
0x6b: {  	_ =	swait.ge [sflag:s22], $0x2800  }
0x6c: {  	s17 =	sshrl.u32 s15, $0x3;
	[sflag:s22] =	ssyncset.done $0x0  }
0x6d: {  	s18 =	sadd.s32 s4, s17;
	[sflag:s22] =	ssyncadd.s32 $0xFFFFD800  }
0x6e: {  	[tilespmem:s2], [sflag:$0x3] =	stream.linear.gather [hbm4b:s18+s2], $0x50, $0x38;
	[tilespmem:$0x18AC0] =	vst v63  }
0x6f: {  	s17 =	sadd.s32 s5, s17  }
0x70: {  	[tilespmem:s25], [sflag:$0x3] =	stream.linear.gather [hbm4b:s17+s2], $0x50, $0x38;
	[tilespmem:$0x18AC0] =	vst v63  }
0x71: {  	_ =	swait.ge [sflag:s29], $0x50  }
0x72: {  	[sflag:s29] =	ssyncset.done $0x0  }
0x73: {  	[sflag:s29] =	ssyncadd.s32 $0xFFFFFFB0  }
0x74: {  	_ =	swait.ge [sflag:s29], $0x50  }
0x75: {  	[sflag:s29] =	ssyncset.done $0x0  }
0x76: {  	[sflag:s29] =	ssyncadd.s32 $0xFFFFFFB0  }
0x77: {  	[tilespmem:s31], [sflag:$0x1] =	stream.indirect.gather [hbm4b:s3+s30], $0x80, s2, s30, $0xb8;
	[tilespmem:$0x18AC0] =	vst v63  }
0x78: {  	_ =	swait.ge [sflag:s11], $0x2800  }
0x79: {  	[sflag:s11] =	ssyncset.done $0x0  }
0x7a: {  	[sflag:s11] =	ssyncadd.s32 $0xFFFFD800  }
0x7b: {  	[spmem:s1] =	stream.indirect.scatter.add.f32 [tilespmem:s9], [sflag:$0x5], $0x80, s28, s30, $0xb8;
	[tilespmem:$0x18AC0] =	vst v63  }
.Ltmp0:
0x7c: {  	_ =	swait.ge [sflag:s22], $0x2800;
	(pc) =	sbr.rel @p1 .LBB2_2-.Ltmp0, $4  }
0x7d: {  	[sflag:s22] =	ssyncset.done $0x0  }
0x7e: {  	s17 =	sadd.s32 s16, s20;
	[sflag:s22] =	ssyncadd.s32 $0xFFFFD800  }
0x7f: {  	[tilespmem:s26], [sflag:$0x4] =	stream.linear.gather [hbm4b:s17+s2], $0x50, $0x38;
	[tilespmem:$0x18AC0] =	vst v63  }
0x80: {  	s15 =	sadd.s32 $0xA0, s15;
	s16 =	sadd.s32 s16, s19  }
0x81: {  	[tilespmem:s28], [sflag:$0x4] =	stream.linear.gather [hbm4b:s16+s2], $0x50, $0x38;
	[tilespmem:$0x18AC0] =	vst v63  }
0x82: {  	_ =	swait.ge [sflag:s0], $0x50  }
0x83: {  	[sflag:s0] =	ssyncset.done $0x0  }
0x84: {  	[sflag:s0] =	ssyncadd.s32 $0xFFFFFFB0  }
0x85: {  	_ =	swait.ge [sflag:s0], $0x50  }
0x86: {  	[sflag:s0] =	ssyncset.done $0x0  }
0x87: {  	[sflag:s0] =	ssyncadd.s32 $0xFFFFFFB0  }
0x88: {  	[tilespmem:s9], [sflag:$0x2] =	stream.indirect.gather [hbm4b:s3+s30], $0x80, s26, s30, $0xb8;
	[tilespmem:$0x18AC0] =	vst v63  }
0x89: {  	_ =	swait.ge [sflag:s10], $0x2800  }
0x8a: {  	[sflag:s10] =	ssyncset.done $0x0  }
0x8b: {  	[sflag:s10] =	ssyncadd.s32 $0xFFFFD800  }
0x8c: {  	[spmem:s1] =	stream.indirect.scatter.add.f32 [tilespmem:s31], [sflag:$0x5], $0x80, s25, s30, $0xb8;
	[tilespmem:$0x18AC0] =	vst v63  }
0x8d: {  	_ =	swait.ge [sflag:s22], $0x2800  }
0x8e: {  	[sflag:s22] =	ssyncset.done $0x0  }
0x8f: {  	s14 =	rddreg [dreg:$0xc];
	[sflag:s22] =	ssyncadd.s32 $0xFFFFD800  }
0x90: {  	[tilespmem:s2], [sflag:$0x3] =	stream.linear.gather [hbm4b:s14+s2], $0x50, $0x38;
	[tilespmem:$0x18AC0] =	vst v63  }
0x91: {  	s16 =	rddreg [dreg:$0xd]  }
0x92: {  	[tilespmem:s25], [sflag:$0x3] =	stream.linear.gather [hbm4b:s16+s2], $0x50, $0x38;
	[tilespmem:$0x18AC0] =	vst v63  }
0x93: {  	_ =	swait.ge [sflag:s29], $0x50  }
0x94: {  	[sflag:s29] =	ssyncset.done $0x0  }
0x95: {  	[sflag:s29] =	ssyncadd.s32 $0xFFFFFFB0  }
0x96: {  	_ =	swait.ge [sflag:s29], $0x50  }
0x97: {  	[sflag:s29] =	ssyncset.done $0x0  }
0x98: {  	[sflag:s29] =	ssyncadd.s32 $0xFFFFFFB0  }
0x99: {  	[tilespmem:s31], [sflag:$0x1] =	stream.indirect.gather [hbm4b:s3+s30], $0x80, s2, s30, $0xb8;
	[tilespmem:$0x18AC0] =	vst v63  }
0x9a: {  	_ =	swait.ge [sflag:s11], $0x2800  }
0x9b: {  	[sflag:s11] =	ssyncset.done $0x0  }
0x9c: {  	[sflag:s11] =	ssyncadd.s32 $0xFFFFD800  }
0x9d: {  	[spmem:s1] =	stream.indirect.scatter.add.f32 [tilespmem:s9], [sflag:$0x5], $0x80, s28, s30, $0xb8;
	[tilespmem:$0x18AC0] =	vst v63  }
0x9e: {  	_ =	swait.ge [sflag:s22], $0x2800  }
0x9f: {  	[sflag:s22] =	ssyncset.done $0x0  }
0xa0: {  	[sflag:s22] =	ssyncadd.s32 $0xFFFFD800  }
0xa1: {  	_ =	swait.ge [sflag:s10], $0x2800  }
0xa2: {  	[sflag:s10] =	ssyncset.done $0x0  }
0xa3: {  	[sflag:s10] =	ssyncadd.s32 $0xFFFFD800  }
0xa4: {  	[spmem:s1] =	stream.indirect.scatter.add.f32 [tilespmem:s31], [sflag:$0x5], $0x80, s25, s30, $0xb8;
	[tilespmem:$0x18AC0] =	vst v63  }
0xa5: {  	_ =	swait.ge [sflag:s22], $0x2800  }
0xa6: {  	[sflag:s22] =	ssyncset.done $0x0  }
0xa7: {  	[sflag:s22] =	ssyncadd.s32 $0xFFFFD800  }
0xa8: {  	[bflag:$0x0] =	sbarrier.arrive $0xFFFF  }
0xa9: {  	s17 =	rddreg [dreg:$0x9]  }
0xaa: {  	[hbm:s17], [sflag:s8] =	dma.local [spmem:s7], $0x2700  }
0xab: {  	_ =	swait.ge [sflag:s22], $0x2700  }
0xac: {  	[sflag:s22] =	ssyncset.done $0x0  }
0xad: {  	s7 =	rddreg [dreg:$0xa];
	[sflag:s22] =	ssyncadd.s32 $0xFFFFD900  }
0xae: {  	[hbm:s7], [sflag:s8] =	dma.local @!p0 [spmem:s13], $0x100  }
0xaf: {  	s7 =	simm.s32 @!p0 $0x5  }
0xb0: {  	_ =	swait.ge @!p0 [sflag:s7], $0x100  }
0xb1: {  	s12 =	sadd.s32 $0x1, s12;
	s18 =	rddreg [dreg:$0xb]  }
0xb2: {  	p1 =	sne.s32 s12, s18  }
.Ltmp1:
0xb3: {  	_ = 	snop;
	(pc) =	sbr.rel @p1 .LBB2_1-.Ltmp1, $3  }
0xb4: {  	_ =	sdelay $0x1  }
0xb5: {  	[sflag:s7] =	ssyncset.done @!p0 $0x0  }
0xb6: {  	[sflag:s7] =	ssyncadd.s32 @!p0 $0xFFFFFF00  }
0xb7: {  	_ =	sfence.sel $0x180000  }
0xb8: {  	[bflag:$0x0] =	sbarrier.arrive $0xFFFF  }
0xb9: {  	_ =	strace $0x9000004D  }
0xba: {  	[bflag:$0x2] =	sbarrier.arrive $0xFFFF  }
0xbb: {  	s0 =	rddreg [dreg:$0x2]  }
0xbc: {  	s0 =	sadd.s32 @!p0 $0x100000, s0  }
0xbd: {  	[sflag:s0] =	ssyncadd.tile.s32 @!p0 $0x1;
	_ =	shalt  }
.Lfunc_end2:
_tile_overlayer_lowered:
.L_overlay_start_2:
0xbe: {  	(tag) =	ssettag $0x2  }
0xbf: {  	s0 =	rddreg [dreg:$0x0];
	s2 =	stileid.u32  }
0xc0: {  	s1 =	rddreg [dreg:$0x1];
	p0 =	sne.s32 s2, $0x0  }
0xc1: {  	s3 =	rddreg [dreg:$0x2];
	[bflag:$0x3] =	sbarrier.arrive $0xFFFF;
	s2 =	simm.s32 @!p0 $0x1C05  }
0xc2: {  	[timem:s3], [sflag:s2] =	dma.local @!p0 [hbm:s0], s1  }
0xc3: {  	s0 =	simm.s32 @!p0 $0x5  }
0xc4: {  	_ =	swait.ge @!p0 [sflag:s0], s1  }
0xc5: {  	s1 =	ssub.s32 @!p0 $0x0, s1;
	[sflag:s0] =	ssyncset.done @!p0 $0x0  }
0xc6: {  	[sflag:s0] =	ssyncadd.s32 @!p0 s1  }
0xc7: {  	[bflag:$0x3] =	sbarrier.arrive $0xFFFF  }
0xc8: {  	_ =	shalt  }

// kernel: kernel.19.cloned.1.call-start
scs
__scs_entry_jumppad:
0x0: {  	(pc) =	sbr.rel $0x88, $3  }
0x1: {  	(tag) =	ssettag $0x0;
	lr =	simm.s32 $0x1  }
0x2: {  	[smem:$0x3F8A] =	sst lr;
	_ =	strace $0xD0000000  }
0x3: {  	_ = 	snop  }
0x4: {  	_ = 	snop  }
0x5: {  	_ = 	snop  }
0x6: {  	_ = 	snop  }
0x7: {  	_ = 	snop  }
__scs_overlays_trampoline_lowered:
0x8: {  	[smem:$0x3F99] =	sst s0  }
0x9: {  	[smem:$0x3F9A] =	sst s1  }
0xa: {  	[smem:$0x3F9B] =	sst s2  }
0xb: {  	[smem:$0x3F9C] =	sst s3  }
0xc: {  	[smem:$0x3F9D] =	sst s4  }
0xd: {  	[smem:$0x3F9E] =	sst s5  }
0xe: {  	[smem:$0x3F9F] =	sst s6  }
0xf: {  	[smem:$0x3FA0] =	sst s7  }
0x10: {  	[smem:$0x3FA1] =	sst s8  }
0x11: {  	[smem:$0x3FA2] =	sst s9;
	s0 =	simm.s32 @!p0 $0x0  }
0x12: {  	s1 =	sld [smem:$0x3F88];
	s0 =	simm.s32 @p0 $0x1  }
0x13: {  	[smem:$0x3FA3] =	sst s0;
	s0 =	simm.s32 @!p1 $0x0  }
0x14: {  	s2 =	sld [smem:$0x3F87];
	s0 =	simm.s32 @p1 $0x1  }
0x15: {  	[smem:$0x3FA4] =	sst s0;
	s0 =	simm.s32 @!p2 $0x0  }
0x16: {  	s3 =	sld [smem:$0x3FDB];
	s0 =	simm.s32 @p2 $0x1  }
0x17: {  	s4 =	simm.s32 $0x1BF5;
	[smem:$0x3FA6] =	sst s0  }
0x18: {  	s0 =	sld [smem:$0x3F89];
	_ =	swait.ge [sflag:s4], $0x0  }
0x19: {  	s7 =	sld [smem:$0x3F8A]  }
0x1a: {  	s8 =	sadd.s32 $0xFFFFE003, lr  }
0x1b: {  	s9 =	sadd.s32 $0xFFFFFEF7, lr;
	s5 =	simm.s32 $0xFFFFFFFF;
	p2 =	slt.u32 s8, $0xFFFFF086  }
0x1c: {  	p1 =	slt.u32 s9, $0xF7A;
	s5 =	simm.s32 @!p2 $0x0  }
0x1d: {  	s5 =	simm.s32 @p1 $0x1;
	p0 =	seq.s32 s7, s2  }
0x1e: {  	s7 =	smul.u32 @!p0 $0xF7A, s2;
	p2 =	seq.s32 @!p0 s5, $0x0  }
0x1f: {  	s9 =	smul.u32 $0xF7A, s1;
	s8 =	simm.s32 @!p0 $0x1BF5;
	p2 =	por !p2, p0  }
0x20: {  	[sflag:s8] =	ssyncset.s32 @!p0 $0xFFFFF086;
	s6 =	sadd.s32 @!p0 s3, s7;
	s7 =	simm.s32 @!p0 $0x108  }
0x21: {  	s3 =	sadd.s32 s3, s9;
	s6 =	sadd.s32 @!p0 $0x88, s6;
	s7 =	simm.s32 @p2 $0x1082  }
0x22: {  	[simem:s7], [sflag:s8] =	dma.local @!p0 [hbm:s6], $0xF7A  }
0x23: {  	s9 =	sor.u32 $0xD0000000, s2;
	s6 =	simm.s32 $0x108;
	_ =	swait.ge @!p0 [sflag:s8], $0x0  }
0x24: {  	s3 =	sadd.s32 $0x88, s3;
	s6 =	simm.s32 @!p1 $0x1082;
	[sflag:s4] =	ssyncset.s32 $0xFFFFF086  }
0x25: {  	[simem:s6], [sflag:s4] =	dma.local [hbm:s3], $0xF7A  }
0x26: {  	[smem:$0x3F8A] =	sst s1;
	(tag) =	ssettag s2;
	_ =	strace s9  }
0x27: {  	s1 =	sld [smem:$0x3F9A]  }
0x28: {  	s2 =	sld [smem:$0x3F9B]  }
0x29: {  	s4 =	sld [smem:$0x3F9D]  }
0x2a: {  	p0 =	seq.s32 s5, $0x0;
	s5 =	sld [smem:$0x3F9E]  }
0x2b: {  	s6 =	sld [smem:$0x3F9F]  }
0x2c: {  	s7 =	sld [smem:$0x3FA0]  }
0x2d: {  	s3 =	simm.s32 $0x108;
	s8 =	sld [smem:$0x3FA1]  }
0x2e: {  	s3 =	simm.s32 @!p0 $0x1082;
	s9 =	sld [smem:$0x3FA2]  }
0x2f: {  	lr =	sadd.s32 s0, s3;
	s0 =	sld [smem:$0x3F99]  }
0x30: {  	s3 =	sld [smem:$0x3F9C]  }
0x31: {  	[smem:$0x3FA5] =	sst s10  }
0x32: {  	s10 =	sld [smem:$0x3FA3];
	_ =	sdelay $0x3  }
0x33: {  	p0 =	seq.s32 s10, $0x1;
	s10 =	sld [smem:$0x3FA5];
	_ =	sdelay $0x3  }
0x34: {  	[smem:$0x3FA5] =	sst s10  }
0x35: {  	s10 =	sld [smem:$0x3FA4];
	_ =	sdelay $0x3  }
0x36: {  	p1 =	seq.s32 s10, $0x1;
	s10 =	sld [smem:$0x3FA5];
	_ =	sdelay $0x3  }
0x37: {  	[smem:$0x3FA5] =	sst s10  }
0x38: {  	s10 =	sld [smem:$0x3FA6]  }
0x39: {  	_ = 	snop;
	(pc) =	sbr.ind lr, $3  }
0x3a: {  	_ = 	snop  }
0x3b: {  	_ = 	snop  }
0x3c: {  	p2 =	seq.s32 s10, $0x1;
	s10 =	sld [smem:$0x3FA5]  }
0x3d: {  	_ =	shalt  }
0x3e: {  	_ =	shalt  }
0x3f: {  	_ =	shalt  }
0x40: {  	_ =	shalt  }
0x41: {  	_ =	shalt  }
0x42: {  	_ =	shalt  }
0x43: {  	_ =	shalt  }
0x44: {  	_ =	shalt  }
0x45: {  	_ =	shalt  }
0x46: {  	_ =	shalt  }
0x47: {  	_ =	shalt  }
0x48: {  	_ =	shalt  }
0x49: {  	_ =	shalt  }
0x4a: {  	_ =	shalt  }
0x4b: {  	_ =	shalt  }
0x4c: {  	_ =	shalt  }
0x4d: {  	_ =	shalt  }
0x4e: {  	_ =	shalt  }
0x4f: {  	_ =	shalt  }
0x50: {  	_ =	shalt  }
0x51: {  	_ =	shalt  }
0x52: {  	_ =	shalt  }
0x53: {  	_ =	shalt  }
0x54: {  	_ =	shalt  }
0x55: {  	_ =	shalt  }
0x56: {  	_ =	shalt  }
0x57: {  	_ =	shalt  }
0x58: {  	_ =	shalt  }
0x59: {  	_ =	shalt  }
0x5a: {  	_ =	shalt  }
0x5b: {  	_ =	shalt  }
0x5c: {  	_ =	shalt  }
0x5d: {  	_ =	shalt  }
0x5e: {  	_ =	shalt  }
0x5f: {  	_ =	shalt  }
0x60: {  	_ =	shalt  }
0x61: {  	_ =	shalt  }
0x62: {  	_ =	shalt  }
0x63: {  	_ =	shalt  }
0x64: {  	_ =	shalt  }
0x65: {  	_ =	shalt  }
0x66: {  	_ =	shalt  }
0x67: {  	_ =	shalt  }
0x68: {  	_ =	shalt  }
0x69: {  	_ =	shalt  }
0x6a: {  	_ =	shalt  }
0x6b: {  	_ =	shalt  }
0x6c: {  	_ =	shalt  }
0x6d: {  	_ =	shalt  }
0x6e: {  	_ =	shalt  }
0x6f: {  	_ =	shalt  }
0x70: {  	_ =	shalt  }
0x71: {  	_ =	shalt  }
0x72: {  	_ =	shalt  }
0x73: {  	_ =	shalt  }
0x74: {  	_ =	shalt  }
0x75: {  	_ =	shalt  }
0x76: {  	_ =	shalt  }
0x77: {  	_ =	shalt  }
0x78: {  	_ =	shalt  }
0x79: {  	_ =	shalt  }
0x7a: {  	_ =	shalt  }
0x7b: {  	_ =	shalt  }
0x7c: {  	_ =	shalt  }
0x7d: {  	_ =	shalt  }
0x7e: {  	_ =	shalt  }
0x7f: {  	_ =	shalt  }
0x80: {  	_ =	shalt  }
0x81: {  	_ =	shalt  }
0x82: {  	_ =	shalt  }
0x83: {  	_ =	shalt  }
0x84: {  	_ =	shalt  }
0x85: {  	_ =	shalt  }
0x86: {  	_ =	shalt  }
0x87: {  	_ =	shalt  }
.Lfunc_end0:
.L_simem_size_0:
called_computation.3_lowered:
.L_overlay_start_0:
0x88: {  	s2 =	sld [smem:$0x3FD9]  }
0x89: {  	s3 =	sld [smem:$0x3FFE];
	_ =	sdelay $0x1  }
0x8a: {  	s1 =	srdreg.scid  }
0x8b: {  	s0 =	sand.u32 $0x1, s1  }
0x8c: {  	s16 =	sshll.u32 s0, $0xA;
	s2 =	sadd.s32 s3, s2  }
0x8d: {  	s2 =	sadd.s32 s2, s16  }
0x8e: {  	[smem:$0x3FB1] =	sst s2  }
0x8f: {  	_ = 	snop  }
0x90: {  	(tm) =	ssettm $0x1  }
0x91: {  	s17 =	sld [smem:$0x3FFB];
	_ =	sdelay $0x3  }
0x92: {  	_ =	strace s17  }
0x93: {  	s2 =	sld [smem:$0x3FFC];
	_ =	sdelay $0x3  }
0x94: {  	_ =	strace s2  }
0x95: {  	s2 =	sld [smem:$0x3FFD];
	_ =	sdelay $0x3  }
0x96: {  	_ =	strace s2  }
0x97: {  	_ =	strace $0x8FFFFFFF  }
0x98: {  	s18 =	sld [smem:$0x3FDB];
	_ =	sdelay $0x1  }
0x99: {  	s19 =	simm.s32 $_scs_section_size  }
0x9a: {  	s4 =	simm.s32 $_size__tile_overlayer_lowered;
	s5 =	simm.s32 $_tile_overlayer_lowered  }
0x9b: {  	s22 =	simm.s32 $0x1BFF;
	s21 =	sshll.u32 s5, $0x1;
	s2 =	sadd.s32 s19, s18  }
0x9c: {  	s6 =	simm.s32 $0x0;
	s20 =	sshll.u32 s4, $0x1;
	s4 =	sadd.s32 s21, s2  }
0x9d: {  	[timem:s6], [sflag:s22] =	dma.local [hbm:s4], s20  }
0x9e: {  	_ =	swait.ge [sflag:s22], s20  }
0x9f: {  	s3 =	ssub.s32 $0x0, s20;
	[sflag:s22] =	ssyncset.done $0x0  }
0xa0: {  	[sflag:s22] =	ssyncadd.s32 s3;
	_ =	sdelay $0x1  }
0xa1: {  	s23 =	simm.s32 $0x1B8B  }
0xa2: {  	_ =	swait.ge [sflag:s23], $0x1  }
0xa3: {  	[sflag:s23] =	ssyncset.done $0x0  }
0xa4: {  	s25 =	simm.s32 $0x1B8E;
	s24 =	sld [smem:$0x3FFE];
	[sflag:s23] =	ssyncadd.s32 $0xFFFFFFFF  }
0xa5: {  	s26 =	simm.s32 $execute0_lowered;
	[smem:$0x3FD2] =	sst s25  }
0xa6: {  	s4 =	sshll.u32 s26, $0x1;
	_ =	strace $0x8000004F;
	[dreg:$0x1] =	wrdreg $0xFFFFFFFF  }
0xa7: {  	s28 =	simm.s32 $_size_execute0_lowered;
	s2 =	sadd.s32 s2, s4;
	[dreg:$0x0] =	wrdreg $0x0  }
0xa8: {  	s4 =	sshll.u32 s28, $0x1;
	[dreg:$0x2] =	wrdreg s2  }
0xa9: {  	[dreg:$0x3] =	wrdreg s4  }
0xaa: {  	[dreg:$0x4] =	wrdreg $0xC0  }
0xab: {  	_ =	task [dreg:s6], $0x5FFFF  }
0xac: {  	[dreg:$0x1] =	wrdreg $0xFFFFFFFF  }
0xad: {  	[dreg:$0x0] =	wrdreg $0x60  }
0xae: {  	[dreg:$0x2] =	wrdreg s24  }
0xaf: {  	[dreg:$0x3] =	wrdreg $0x52000  }
0xb0: {  	[dreg:$0x4] =	wrdreg $0x9  }
0xb1: {  	_ =	task.clear_ibuf [dreg:s6], $0x5FFFF;
	_ =	strace $0x9000004F  }
0xb2: {  	s29 =	simm.s32 $0x9;
	_ =	strace $0x80000051  }
0xb3: {  	_ =	swait.ge [sflag:s29], $0x1  }
0xb4: {  	[sflag:s29] =	ssyncadd.s32 $0xFFFFFFFF  }
0xb5: {  	_ =	strace $0x90000051  }
0xb6: {  	_ =	sfence  }
0xb7: {  	s30 =	sld [smem:$0x0];
	_ =	sdelay $0x2  }
0xb8: {  	s31 =	sshll.u32 s1, $0xD;
	s1 =	sshrl.u32 s1, $0x2  }
0xb9: {  	s3 =	sand.u32 $0x4000, s31;
	s1 =	sadd.s32 s1, s30  }
0xba: {  	s0 =	sor.u32 s3, s0;
	s1 =	sshll.u32 s1, $0x11  }
0xbb: {  	s0 =	sor.u32 s1, s0  }
0xbc: {  	s0 =	sadd.s32 $0x8F2B, s0  }
0xbd: {  	[sflag:s0] =	ssyncadd.remote.s32 $0x1  }
0xbe: {  	_ =	sfence.sel $0xFFFF  }
0xbf: {  	[dreg:$0x0] =	wrdreg $0xFFFFFFFF;
	(pc) =	sbr.abs _section_cstart, $3  }
0xc0: {  	[dreg:$0x1] =	wrdreg $0xFFFFFFFF  }
0xc1: {  	_ =	task.clear_ibuf [dreg:s6], $0x2FFFF;
	_ =	strace $0x9FFFFFFF  }
0xc2: {  	(tm) =	ssettm $0x7FFFFFFF  }
0xc3: {  	_ =	shalt  }
tec
execute0_lowered:
.L_overlay_start_1:
0x0: {  	(tag) =	ssettag $0x1  }
0x1: {  	s0 =	rddreg [dreg:$0x0]  }
0x2: {  	s1 =	rddreg [dreg:$0x1];
	s2 =	simm.s32 $0x0;
	s6 =	srdreg.scid  }
0x3: {  	s7 =	stileid.u32;
	s28 =	simm.s32 $0x180;
	s29 =	simm.s32 $0x3  }
0x4: {  	s30 =	simm.s32 $0x50;
	s31 =	simm.s32 $0x200;
	[smem:$0x7FF] =	sst s2  }
0x5: {  	s3 =	sadd.s32 $0x18A00, s0;
	s4 =	sadd.s32 $0x4E00, s0;
	s5 =	sadd.s32 $0xEC00, s0  }
0x6: {  	s9 =	sand.u32 $0x1, s6;
	s6 =	sadd.s32 $0x3FC00, s0;
	s10 =	smul.u32 $0x4E000, s7  }
0x7: {  	s0 =	sadd.s32 $0x40A00, s0;
	s24 =	sshll.u32 s7, $0x6;
	s16 =	smul.u32 $0x13800, s7  }
0x8: {  	s14 =	sadd.s32 $0x138000, s1;
	s19 =	smul.u32 $0x2710, s7;
	p0 =	sne.s32 s7, $0x0  }
0x9: {  	_ =	strace $0x80000050;
	s8 =	ssub.s32 $0x2, s9;
	s25 =	smul.u32 $0x138800, s9  }
0xa: {  	s12 =	sshll.u32 s9, $0x4;
	[dreg:$0x4] =	wrdreg s14;
	s9 =	smul.u32 $0x27100, s9  }
0xb: {  	s11 =	sshrl.u32 s8, $0x1;
	s23 =	sor.u32 s7, s12;
	s10 =	sshrl.u32 s10, $0x2  }
0xc: {  	s11 =	ssub.s32 s8, s11;
	s12 =	smul.u32 $0x2710, s23;
	s13 =	sadd.s32 s10, s1  }
0xd: {  	s8 =	sor.u32 $0x1C05, s24;
	s16 =	sadd.s32 s16, s25;
	s14 =	sshrl.u32 s25, $0x3  }
0xe: {  	s22 =	sadd.s32 s19, s9;
	s10 =	sadd.s32 $0x6800, s13;
	[dreg:$0x3] =	wrdreg s13  }
0xf: {  	s13 =	sadd.s32 $0xD000, s13;
	s20 =	sshrl.u32 s16, $0x3;
	s14 =	sadd.s32 s0, s14  }
0x10: {  	s23 =	smax.u32 s11, $0x1;
	s25 =	sadd.s32 $0xF0, s22;
	s11 =	simm.s32 $0x2  }
0x11: {  	s12 =	sshrl.u32 s12, $0x3;
	s0 =	sadd.s32 s0, s20;
	s21 =	sadd.s32 $0x27000, s14  }
0x12: {  	[dreg:$0xb] =	wrdreg s23;
	s23 =	sshrl.u32 s10, $0x3;
	s10 =	simm.s32 $0x1  }
0x13: {  	s15 =	sadd.s32 s4, s12;
	s26 =	sadd.s32 $0xA, s12;
	[dreg:$0x9] =	wrdreg s0  }
0x14: {  	s17 =	sadd.s32 s5, s12;
	[dreg:$0xa] =	wrdreg s21;
	s24 =	sadd.s32 $0x4D8, s12  }
0x15: {  	s21 =	sadd.s32 $0xA0, s22;
	s22 =	simm.s32 $0x5;
	[dreg:$0x5] =	wrdreg s15  }
0x16: {  	s0 =	simm.s32 $0x4;
	[dreg:$0x6] =	wrdreg s17;
	s18 =	sadd.s32 s4, s26  }
0x17: {  	s15 =	sadd.s32 s5, s26;
	s12 =	sadd.s32 s4, s24;
	[dreg:$0x7] =	wrdreg s18  }
0x18: {  	s9 =	sadd.s32 s5, s24;
	s26 =	sshrl.u32 s25, $0x3;
	[dreg:$0x8] =	wrdreg s15  }
0x19: {  	s24 =	sshrl.u32 s13, $0x3;
	s25 =	simm.s32 $0x100;
	[dreg:$0xc] =	wrdreg s12  }
0x1a: {  	[dreg:$0xd] =	wrdreg s9;
	s19 =	sadd.s32 s26, s5;
	s20 =	sadd.s32 s26, s4  }
0x1b: {  	s26 =	simm.s32 $0x80;
	s9 =	simm.s32 $0x2A00;
	s12 =	simm.s32 $0x0  }
.LBB2_1:
0x1c: {  	s7 =	rddreg [dreg:$0x3]  }
0x1d: {  	s7 =	sshrl.u32 s7, $0x3  }
0x1e: {  	[spmem:s7], [sflag:s8] =	dma.local [hbm:s6], $0xD00  }
0x1f: {  	_ =	swait.ge [sflag:s22], $0xD00  }
0x20: {  	[sflag:s22] =	ssyncset.done $0x0  }
0x21: {  	[sflag:s22] =	ssyncadd.s32 $0xFFFFF300  }
0x22: {  	[spmem:s23], [sflag:s8] =	dma.local [hbm:s6], $0xD00  }
0x23: {  	_ =	swait.ge [sflag:s22], $0xD00  }
0x24: {  	[sflag:s22] =	ssyncset.done $0x0  }
0x25: {  	[sflag:s22] =	ssyncadd.s32 $0xFFFFF300  }
0x26: {  	[spmem:s24], [sflag:s8] =	dma.local [hbm:s6], $0xD00  }
0x27: {  	_ =	swait.ge [sflag:s22], $0xD00  }
0x28: {  	[sflag:s22] =	ssyncset.done $0x0;
	s13 =	rddreg [dreg:$0x4]  }
0x29: {  	s14 =	simm.s32 @!p0 $0x5;
	[sflag:s22] =	ssyncadd.s32 $0xFFFFF300;
	s13 =	sshrl.u32 @!p0 s13, $0x3  }
0x2a: {  	[spmem:s13], [sflag:s8] =	dma.local @!p0 [hbm:s6], $0x180  }
0x2b: {  	_ =	swait.ge @!p0 [sflag:s14], $0x180  }
0x2c: {  	[sflag:s14] =	ssyncset.done @!p0 $0x0  }
0x2d: {  	[sflag:s14] =	ssyncadd.s32 @!p0 $0xFFFFFE80  }
0x2e: {  	[bflag:$0x0] =	sbarrier.arrive $0xFFFF  }
0x2f: {  	s17 =	rddreg [dreg:$0x5]  }
0x30: {  	[tilespmem:s2], [sflag:$0x3] =	stream.linear.gather [hbm4b:s17+s2], $0x50, $0x38;
	[tilespmem:$0x18AC0] =	vst v63  }
0x31: {  	s18 =	rddreg [dreg:$0x6]  }
0x32: {  	[tilespmem:s25], [sflag:$0x3] =	stream.linear.gather [hbm4b:s18+s2], $0x50, $0x38;
	[tilespmem:$0x18AC0] =	vst v63  }
0x33: {  	s15 =	rddreg [dreg:$0x7]  }
0x34: {  	[tilespmem:s26], [sflag:$0x4] =	stream.linear.gather [hbm4b:s15+s2], $0x50, $0x38;
	[tilespmem:$0x18AC0] =	vst v63  }
0x35: {  	s16 =	rddreg [dreg:$0x8]  }
0x36: {  	[tilespmem:s28], [sflag:$0x4] =	stream.linear.gather [hbm4b:s16+s2], $0x50, $0x38;
	[tilespmem:$0x18AC0] =	vst v63  }
0x37: {  	_ =	swait.ge [sflag:s29], $0x50  }
0x38: {  	[sflag:s29] =	ssyncset.done $0x0  }
0x39: {  	[sflag:s29] =	ssyncadd.s32 $0xFFFFFFB0  }
0x3a: {  	_ =	swait.ge [sflag:s29], $0x50  }
0x3b: {  	[sflag:s29] =	ssyncset.done $0x0  }
0x3c: {  	[sflag:s29] =	ssyncadd.s32 $0xFFFFFFB0  }
0x3d: {  	[tilespmem:s31], [sflag:$0x1] =	stream.indirect.gather [hbm4b:s3+s30], $0x80, s2, s30, $0xb8;
	[tilespmem:$0x18AC0] =	vst v63  }
0x3e: {  	_ =	swait.ge [sflag:s0], $0x50  }
0x3f: {  	[sflag:s0] =	ssyncset.done $0x0  }
0x40: {  	[sflag:s0] =	ssyncadd.s32 $0xFFFFFFB0  }
0x41: {  	_ =	swait.ge [sflag:s0], $0x50  }
0x42: {  	[sflag:s0] =	ssyncset.done $0x0  }
0x43: {  	[sflag:s0] =	ssyncadd.s32 $0xFFFFFFB0  }
0x44: {  	[tilespmem:s9], [sflag:$0x2] =	stream.indirect.gather [hbm4b:s3+s30], $0x80, s26, s30, $0xb8;
	[tilespmem:$0x18AC0] =	vst v63  }
0x45: {  	_ =	swait.ge [sflag:s10], $0x2800  }
0x46: {  	[sflag:s10] =	ssyncset.done $0x0  }
0x47: {  	[sflag:s10] =	ssyncadd.s32 $0xFFFFD800  }
0x48: {  	[spmem:s1] =	stream.indirect.scatter.add.f32 [tilespmem:s31], [sflag:$0x5], $0x80, s25, s30, $0xb8;
	[tilespmem:$0x18AC0] =	vst v63  }
0x49: {  	_ =	swait.ge [sflag:s22], $0x2800  }
0x4a: {  	s17 =	sshrl.u32 s21, $0x3;
	[sflag:s22] =	ssyncset.done $0x0  }
0x4b: {  	s15 =	sadd.s32 s4, s17;
	[sflag:s22] =	ssyncadd.s32 $0xFFFFD800  }
0x4c: {  	[tilespmem:s2], [sflag:$0x3] =	stream.linear.gather [hbm4b:s15+s2], $0x50, $0x38;
	[tilespmem:$0x18AC0] =	vst v63  }
0x4d: {  	s14 =	sadd.s32 s5, s17  }
0x4e: {  	[tilespmem:s25], [sflag:$0x3] =	stream.linear.gather [hbm4b:s14+s2], $0x50, $0x38;
	[tilespmem:$0x18AC0] =	vst v63  }
0x4f: {  	_ =	swait.ge [sflag:s29], $0x50  }
0x50: {  	[sflag:s29] =	ssyncset.done $0x0  }
0x51: {  	[sflag:s29] =	ssyncadd.s32 $0xFFFFFFB0  }
0x52: {  	_ =	swait.ge [sflag:s29], $0x50  }
0x53: {  	[sflag:s29] =	ssyncset.done $0x0  }
0x54: {  	[sflag:s29] =	ssyncadd.s32 $0xFFFFFFB0  }
0x55: {  	[tilespmem:s31], [sflag:$0x1] =	stream.indirect.gather [hbm4b:s3+s30], $0x80, s2, s30, $0xb8;
	[tilespmem:$0x18AC0] =	vst v63  }
0x56: {  	_ =	swait.ge [sflag:s11], $0x2800  }
0x57: {  	[sflag:s11] =	ssyncset.done $0x0  }
0x58: {  	[sflag:s11] =	ssyncadd.s32 $0xFFFFD800  }
0x59: {  	[spmem:s1] =	stream.indirect.scatter.add.f32 [tilespmem:s9], [sflag:$0x5], $0x80, s28, s30, $0xb8;
	[tilespmem:$0x18AC0] =	vst v63  }
0x5a: {  	_ =	swait.ge [sflag:s22], $0x2800  }
0x5b: {  	s18 =	sadd.s32 $0x0, s20;
	s16 =	sadd.s32 $0x0, s19;
	[sflag:s22] =	ssyncset.done $0x0  }
0x5c: {  	s15 =	sadd.s32 $0xA0, s21;
	s14 =	simm.s32 $0x14;
	[sflag:s22] =	ssyncadd.s32 $0xFFFFD800  }
0x5d: {  	[tilespmem:s26], [sflag:$0x4] =	stream.linear.gather [hbm4b:s18+s2], $0x50, $0x38;
	[tilespmem:$0x18AC0] =	vst v63  }
.LBB2_2:
0x5e: {  	[tilespmem:s28], [sflag:$0x4] =	stream.linear.gather [hbm4b:s16+s2], $0x50, $0x38;
	[tilespmem:$0x18AC0] =	vst v63  }
0x5f: {  	s16 =	smov.u32 s14  }
0x60: {  	p1 =	sne.s32 s14, $0x4B0;
	s14 =	sadd.s32 $0x14, s14;
	_ =	swait.ge [sflag:s0], $0x50  }
0x61: {  	[sflag:s0] =	ssyncset.done $0x0  }
0x62: {  	[sflag:s0] =	ssyncadd.s32 $0xFFFFFFB0  }
0x63: {  	_ =	swait.ge [sflag:s0], $0x50  }
0x64: {  	[sflag:s0] =	ssyncset.done $0x0  }
0x65: {  	[sflag:s0] =	ssyncadd.s32 $0xFFFFFFB0  }
0x66: {  	[tilespmem:s9], [sflag:$0x2] =	stream.indirect.gather [hbm4b:s3+s30], $0x80, s26, s30, $0xb8;
	[tilespmem:$0x18AC0] =	vst v63  }
0x67: {  	_ =	swait.ge [sflag:s10], $0x2800  }
0x68: {  	[sflag:s10] =	ssyncset.done $0x0  }
0x69: {  	[sflag:s10] =	ssyncadd.s32 $0xFFFFD800  }
0x6a: {  	[spmem:s1] =	stream.indirect.scatter.add.f32 [tilespmem:s31], [sflag:$0x5], $0x80, s25, s30, $0xb8;
	[tilespmem:$0x18AC0] =	vst v63  }
0x6b: {  	_ =	swait.ge [sflag:s22], $0x2800  }
0x6c: {  	s17 =	sshrl.u32 s15, $0x3;
	[sflag:s22] =	ssyncset.done $0x0  }
0x6d: {  	s18 =	sadd.s32 s4, s17;
	[sflag:s22] =	ssyncadd.s32 $0xFFFFD800  }
0x6e: {  	[tilespmem:s2], [sflag:$0x3] =	stream.linear.gather [hbm4b:s18+s2], $0x50, $0x38;
	[tilespmem:$0x18AC0] =	vst v63  }
0x6f: {  	s17 =	sadd.s32 s5, s17  }
0x70: {  	[tilespmem:s25], [sflag:$0x3] =	stream.linear.gather [hbm4b:s17+s2], $0x50, $0x38;
	[tilespmem:$0x18AC0] =	vst v63  }
0x71: {  	_ =	swait.ge [sflag:s29], $0x50  }
0x72: {  	[sflag:s29] =	ssyncset.done $0x0  }
0x73: {  	[sflag:s29] =	ssyncadd.s32 $0xFFFFFFB0  }
0x74: {  	_ =	swait.ge [sflag:s29], $0x50  }
0x75: {  	[sflag:s29] =	ssyncset.done $0x0  }
0x76: {  	[sflag:s29] =	ssyncadd.s32 $0xFFFFFFB0  }
0x77: {  	[tilespmem:s31], [sflag:$0x1] =	stream.indirect.gather [hbm4b:s3+s30], $0x80, s2, s30, $0xb8;
	[tilespmem:$0x18AC0] =	vst v63  }
0x78: {  	_ =	swait.ge [sflag:s11], $0x2800  }
0x79: {  	[sflag:s11] =	ssyncset.done $0x0  }
0x7a: {  	[sflag:s11] =	ssyncadd.s32 $0xFFFFD800  }
0x7b: {  	[spmem:s1] =	stream.indirect.scatter.add.f32 [tilespmem:s9], [sflag:$0x5], $0x80, s28, s30, $0xb8;
	[tilespmem:$0x18AC0] =	vst v63  }
.Ltmp0:
0x7c: {  	_ =	swait.ge [sflag:s22], $0x2800;
	(pc) =	sbr.rel @p1 .LBB2_2-.Ltmp0, $4  }
0x7d: {  	[sflag:s22] =	ssyncset.done $0x0  }
0x7e: {  	s17 =	sadd.s32 s16, s20;
	[sflag:s22] =	ssyncadd.s32 $0xFFFFD800  }
0x7f: {  	[tilespmem:s26], [sflag:$0x4] =	stream.linear.gather [hbm4b:s17+s2], $0x50, $0x38;
	[tilespmem:$0x18AC0] =	vst v63  }
0x80: {  	s15 =	sadd.s32 $0xA0, s15;
	s16 =	sadd.s32 s16, s19  }
0x81: {  	[tilespmem:s28], [sflag:$0x4] =	stream.linear.gather [hbm4b:s16+s2], $0x50, $0x38;
	[tilespmem:$0x18AC0] =	vst v63  }
0x82: {  	_ =	swait.ge [sflag:s0], $0x50  }
0x83: {  	[sflag:s0] =	ssyncset.done $0x0  }
0x84: {  	[sflag:s0] =	ssyncadd.s32 $0xFFFFFFB0  }
0x85: {  	_ =	swait.ge [sflag:s0], $0x50  }
0x86: {  	[sflag:s0] =	ssyncset.done $0x0  }
0x87: {  	[sflag:s0] =	ssyncadd.s32 $0xFFFFFFB0  }
0x88: {  	[tilespmem:s9], [sflag:$0x2] =	stream.indirect.gather [hbm4b:s3+s30], $0x80, s26, s30, $0xb8;
	[tilespmem:$0x18AC0] =	vst v63  }
0x89: {  	_ =	swait.ge [sflag:s10], $0x2800  }
0x8a: {  	[sflag:s10] =	ssyncset.done $0x0  }
0x8b: {  	[sflag:s10] =	ssyncadd.s32 $0xFFFFD800  }
0x8c: {  	[spmem:s1] =	stream.indirect.scatter.add.f32 [tilespmem:s31], [sflag:$0x5], $0x80, s25, s30, $0xb8;
	[tilespmem:$0x18AC0] =	vst v63  }
0x8d: {  	_ =	swait.ge [sflag:s22], $0x2800  }
0x8e: {  	[sflag:s22] =	ssyncset.done $0x0  }
0x8f: {  	s14 =	rddreg [dreg:$0xc];
	[sflag:s22] =	ssyncadd.s32 $0xFFFFD800  }
0x90: {  	[tilespmem:s2], [sflag:$0x3] =	stream.linear.gather [hbm4b:s14+s2], $0x50, $0x38;
	[tilespmem:$0x18AC0] =	vst v63  }
0x91: {  	s16 =	rddreg [dreg:$0xd]  }
0x92: {  	[tilespmem:s25], [sflag:$0x3] =	stream.linear.gather [hbm4b:s16+s2], $0x50, $0x38;
	[tilespmem:$0x18AC0] =	vst v63  }
0x93: {  	_ =	swait.ge [sflag:s29], $0x50  }
0x94: {  	[sflag:s29] =	ssyncset.done $0x0  }
0x95: {  	[sflag:s29] =	ssyncadd.s32 $0xFFFFFFB0  }
0x96: {  	_ =	swait.ge [sflag:s29], $0x50  }
0x97: {  	[sflag:s29] =	ssyncset.done $0x0  }
0x98: {  	[sflag:s29] =	ssyncadd.s32 $0xFFFFFFB0  }
0x99: {  	[tilespmem:s31], [sflag:$0x1] =	stream.indirect.gather [hbm4b:s3+s30], $0x80, s2, s30, $0xb8;
	[tilespmem:$0x18AC0] =	vst v63  }
0x9a: {  	_ =	swait.ge [sflag:s11], $0x2800  }
0x9b: {  	[sflag:s11] =	ssyncset.done $0x0  }
0x9c: {  	[sflag:s11] =	ssyncadd.s32 $0xFFFFD800  }
0x9d: {  	[spmem:s1] =	stream.indirect.scatter.add.f32 [tilespmem:s9], [sflag:$0x5], $0x80, s28, s30, $0xb8;
	[tilespmem:$0x18AC0] =	vst v63  }
0x9e: {  	_ =	swait.ge [sflag:s22], $0x2800  }
0x9f: {  	[sflag:s22] =	ssyncset.done $0x0  }
0xa0: {  	[sflag:s22] =	ssyncadd.s32 $0xFFFFD800  }
0xa1: {  	_ =	swait.ge [sflag:s10], $0x2800  }
0xa2: {  	[sflag:s10] =	ssyncset.done $0x0  }
0xa3: {  	[sflag:s10] =	ssyncadd.s32 $0xFFFFD800  }
0xa4: {  	[spmem:s1] =	stream.indirect.scatter.add.f32 [tilespmem:s31], [sflag:$0x5], $0x80, s25, s30, $0xb8;
	[tilespmem:$0x18AC0] =	vst v63  }
0xa5: {  	_ =	swait.ge [sflag:s22], $0x2800  }
0xa6: {  	[sflag:s22] =	ssyncset.done $0x0  }
0xa7: {  	[sflag:s22] =	ssyncadd.s32 $0xFFFFD800  }
0xa8: {  	[bflag:$0x0] =	sbarrier.arrive $0xFFFF  }
0xa9: {  	s17 =	rddreg [dreg:$0x9]  }
0xaa: {  	[hbm:s17], [sflag:s8] =	dma.local [spmem:s7], $0x2700  }
0xab: {  	_ =	swait.ge [sflag:s22], $0x2700  }
0xac: {  	[sflag:s22] =	ssyncset.done $0x0  }
0xad: {  	s7 =	rddreg [dreg:$0xa];
	[sflag:s22] =	ssyncadd.s32 $0xFFFFD900  }
0xae: {  	[hbm:s7], [sflag:s8] =	dma.local @!p0 [spmem:s13], $0x100  }
0xaf: {  	s7 =	simm.s32 @!p0 $0x5  }
0xb0: {  	_ =	swait.ge @!p0 [sflag:s7], $0x100  }
0xb1: {  	s12 =	sadd.s32 $0x1, s12;
	s18 =	rddreg [dreg:$0xb]  }
0xb2: {  	p1 =	sne.s32 s12, s18  }
.Ltmp1:
0xb3: {  	_ = 	snop;
	(pc) =	sbr.rel @p1 .LBB2_1-.Ltmp1, $3  }
0xb4: {  	_ =	sdelay $0x1  }
0xb5: {  	[sflag:s7] =	ssyncset.done @!p0 $0x0  }
0xb6: {  	[sflag:s7] =	ssyncadd.s32 @!p0 $0xFFFFFF00  }
0xb7: {  	_ =	sfence.sel $0x180000  }
0xb8: {  	[bflag:$0x0] =	sbarrier.arrive $0xFFFF  }
0xb9: {  	_ =	strace $0x90000050  }
0xba: {  	[bflag:$0x2] =	sbarrier.arrive $0xFFFF  }
0xbb: {  	s0 =	rddreg [dreg:$0x2]  }
0xbc: {  	s0 =	sadd.s32 @!p0 $0x100000, s0  }
0xbd: {  	[sflag:s0] =	ssyncadd.tile.s32 @!p0 $0x1;
	_ =	shalt  }
.Lfunc_end2:
_tile_overlayer_lowered:
.L_overlay_start_2:
0xbe: {  	(tag) =	ssettag $0x2  }
0xbf: {  	s0 =	rddreg [dreg:$0x0];
	s2 =	stileid.u32  }
0xc0: {  	s1 =	rddreg [dreg:$0x1];
	p0 =	sne.s32 s2, $0x0  }
0xc1: {  	s3 =	rddreg [dreg:$0x2];
	[bflag:$0x3] =	sbarrier.arrive $0xFFFF;
	s2 =	simm.s32 @!p0 $0x1C05  }
0xc2: {  	[timem:s3], [sflag:s2] =	dma.local @!p0 [hbm:s0], s1  }
0xc3: {  	s0 =	simm.s32 @!p0 $0x5  }
0xc4: {  	_ =	swait.ge @!p0 [sflag:s0], s1  }
0xc5: {  	s1 =	ssub.s32 @!p0 $0x0, s1;
	[sflag:s0] =	ssyncset.done @!p0 $0x0  }
0xc6: {  	[sflag:s0] =	ssyncadd.s32 @!p0 s1  }
0xc7: {  	[bflag:$0x3] =	sbarrier.arrive $0xFFFF  }
0xc8: {  	_ =	shalt  }

</sc_bundles>
